<compile_context>
chip_gen: v7x
topology: tpu7x:2x2x1
jax: 0.10.2.dev20260603
libtpu: 0.0.44.dev20260713+nightly
codegen_flags: <defaults>
</compile_context>

<pallas_src>
import functools

import jax
import jax.numpy as jnp
from jax import lax
from jax.experimental import pallas as pl
from jax.experimental.pallas import tpu as pltpu
from jax.experimental.pallas import tpu_sc as plsc

C = 192
H = W = 384
GH = GW = 384
N = GH * GW
NPIX = H * W
NC, NS = 2, 16
NW = NC * NS
PTS_PER_W = N // NW
CHUNK = 32
NCHUNK = PTS_PER_W // CHUNK
GL = 4 * CHUNK
CG = C // 16


def _sc_sample(table, idxc, wc):
    mesh = plsc.VectorSubcoreMesh(core_axis_name="c", subcore_axis_name="s")

    @functools.partial(
        pl.kernel,
        out_type=jax.ShapeDtypeStruct((N, C), jnp.float32),
        mesh=mesh,
        scratch_types=[
            pltpu.VMEM((NCHUNK, GL), jnp.int32),
            pltpu.VMEM((NCHUNK, GL), jnp.float32),
            pltpu.VMEM((2, GL, C), jnp.float32),
            pltpu.VMEM((2, CHUNK, C), jnp.float32),
            pltpu.SemaphoreType.DMA,
            pltpu.SemaphoreType.DMA,
        ],
        compiler_params=pltpu.CompilerParams(use_tc_tiling_on_sc=False,
                                             needs_layout_passes=False),
    )
    def k(table_hbm, idx_hbm, w_hbm, out_hbm,
          stage_i, stage_w, rows_v, out_v, sem_g, sem_o):
        wid = lax.axis_index("s") * NC + lax.axis_index("c")
        wbase = wid * PTS_PER_W
        pltpu.sync_copy(idx_hbm.at[pl.ds(wid * NCHUNK, NCHUNK)], stage_i)
        pltpu.sync_copy(w_hbm.at[pl.ds(wid * NCHUNK, NCHUNK)], stage_w)

        def fire(ci, par):
            pltpu.async_copy(
                table_hbm.at[stage_i.at[ci]], rows_v.at[par], sem_g)

        def wait_gather(par):
            pltpu.make_async_copy(
                table_hbm.at[stage_i.at[0]], rows_v.at[par], sem_g).wait()

        def wait_write():
            pltpu.make_async_copy(
                out_v.at[0], out_hbm.at[pl.ds(0, CHUNK)], sem_o).wait()

        def step(ci, par):
            @pl.when(ci + 1 < NCHUNK)
            def _():
                fire(ci + 1, 1 - par)

            wait_gather(par)

            @pl.when(ci >= 2)
            def _():
                wait_write()

            ci16 = jnp.full((16,), ci, jnp.int32)

            @plsc.parallel_loop(0, CHUNK, unroll=2)
            def pt_body(i):
                w = [plsc.load_gather(stage_w,
                                      [ci16, jnp.full((16,), j * CHUNK + i,
                                                      jnp.int32)])
                     for j in range(4)]
                for g in range(CG):
                    s = pl.ds(g * 16, 16)
                    out_v[par, i, s] = (
                        rows_v[par, 0 * CHUNK + i, s] * w[0]
                        + rows_v[par, 1 * CHUNK + i, s] * w[1]
                        + rows_v[par, 2 * CHUNK + i, s] * w[2]
                        + rows_v[par, 3 * CHUNK + i, s] * w[3])

            pltpu.async_copy(
                out_v.at[par], out_hbm.at[pl.ds(wbase + ci * CHUNK, CHUNK)],
                sem_o)

        fire(0, 0)

        def pair_body(it, carry):
            step(2 * it, 0)
            step(2 * it + 1, 1)
            return carry

        lax.fori_loop(0, NCHUNK // 2, pair_body, 0)
        wait_write()
        wait_write()

    return k(table, idxc, wc)


def kernel(grid, matrix):
    x = grid[0, :, :, 0].reshape(-1)
    y = grid[0, :, :, 1].reshape(-1)
    ix = jnp.clip(((x + 1.0) * W - 1.0) / 2.0, 0.0, W - 1.0)
    iy = jnp.clip(((y + 1.0) * H - 1.0) / 2.0, 0.0, H - 1.0)
    ix0f = jnp.floor(ix)
    iy0f = jnp.floor(iy)
    wx = ix - ix0f
    wy = iy - iy0f
    ix0 = jnp.clip(ix0f.astype(jnp.int32), 0, W - 1)
    ix1 = jnp.clip(ix0 + 1, 0, W - 1)
    iy0 = jnp.clip(iy0f.astype(jnp.int32), 0, H - 1)
    iy1 = jnp.clip(iy0 + 1, 0, H - 1)
    idx4 = jnp.stack([iy0 * W + ix0, iy0 * W + ix1,
                      iy1 * W + ix0, iy1 * W + ix1])
    w4 = jnp.stack([(1.0 - wy) * (1.0 - wx), (1.0 - wy) * wx,
                    wy * (1.0 - wx), wy * wx])
    idxc = idx4.reshape(4, N // CHUNK, CHUNK).transpose(1, 0, 2).reshape(
        N // CHUNK, GL)
    wc = w4.reshape(4, N // CHUNK, CHUNK).transpose(1, 0, 2).reshape(
        N // CHUNK, GL)
    table = matrix.reshape(C, NPIX).T
    out_flat = _sc_sample(table, idxc, wc)
    return out_flat.T.reshape(1, C, GH, GW)

# --- scband reference (transcript-rebuilt; emitter-appended) ---
"""Pipeline reference for scband-interpolation-652835029046 (READ-ONLY COPY).

The authoritative reference and input builder live on the scoring server;
editing this copy changes nothing except your own understanding.
"""

import jax, jax.numpy as jnp
import numpy as np

IN_CHANNELS = 192
RESOLUTION = 384
GH, GW = 384, 384

def setup_inputs(seed: int = 0) -> dict:
    key = jax.random.key(seed)
    k1, k2 = jax.random.split(key)
    # grid_sample expects normalized coords in [-1, 1]
    grid = jax.random.uniform(k1, (1, GH, GW, 2), dtype=jnp.float32, minval=-1.0, maxval=1.0)
    matrix = jax.random.normal(k2, (IN_CHANNELS, RESOLUTION, RESOLUTION), dtype=jnp.float32)
    return {"grid": grid, "matrix": matrix}

def _grid_sample_bilinear_border(inp, grid):
    # Faithful port of torch.nn.functional.grid_sample with mode='bilinear',
    # padding_mode='border', align_corners=False.
    # inp: [N, C, H, W], grid: [N, Hg, Wg, 2] with grid[...,0]=x (width), grid[...,1]=y (height)
    N, C, H, W = inp.shape
    x = grid[..., 0]
    y = grid[..., 1]
    # unnormalize (align_corners=False)
    ix = ((x + 1.0) * W - 1.0) / 2.0
    iy = ((y + 1.0) * H - 1.0) / 2.0
    # border padding: clip coordinates into the valid range
    ix = jnp.clip(ix, 0.0, W - 1.0)
    iy = jnp.clip(iy, 0.0, H - 1.0)
    ix0f = jnp.floor(ix)
    iy0f = jnp.floor(iy)
    wx = ix - ix0f
    wy = iy - iy0f
    ix0 = jnp.clip(ix0f.astype(jnp.int32), 0, W - 1)
    ix1 = jnp.clip(ix0 + 1, 0, W - 1)
    iy0 = jnp.clip(iy0f.astype(jnp.int32), 0, H - 1)
    iy1 = jnp.clip(iy0 + 1, 0, H - 1)

    def sample_one(img, iy0b, iy1b, ix0b, ix1b, wxb, wyb):
        flat = img.reshape(C, H * W)
        Hg, Wg = iy0b.shape
        def g(iyi, ixi):
            idx = (iyi * W + ixi).reshape(-1)
            return jnp.take(flat, idx, axis=1).reshape(C, Hg, Wg)
        v00 = g(iy0b, ix0b)
        v01 = g(iy0b, ix1b)
        v10 = g(iy1b, ix0b)
        v11 = g(iy1b, ix1b)
        w00 = (1.0 - wyb) * (1.0 - wxb)
        w01 = (1.0 - wyb) * wxb
        w10 = wyb * (1.0 - wxb)
        w11 = wyb * wxb
        return v00 * w00[None] + v01 * w01[None] + v10 * w10[None] + v11 * w11[None]

    return jax.vmap(sample_one)(inp, iy0, iy1, ix0, ix1, wx, wy)

def reference(grid, matrix):
    # forward: grid_sample(matrix[None], grid) -> [1, C, Hg, Wg]
    return _grid_sample_bilinear_border(matrix[None], grid)

if __name__ == "__main__":
    import jax
    _d = setup_inputs()
    print(jax.jit(kernel)(*tuple(_d.values())))

</pallas_src>

<mosaic_0001>
#map = affine_map<(d0, d1) -> (0, 0)>
module attributes {stable_mosaic.version = 14 : i64} {
  func.func @k(%arg0: i32, %arg1: i32, %arg2: memref<147456x192xf32, #tpu.memory_space<hbm>>, %arg3: memref<4608x128xi32, #tpu.memory_space<hbm>>, %arg4: memref<4608x128xf32, #tpu.memory_space<hbm>>, %arg5: memref<147456x192xf32, #tpu.memory_space<hbm>>, %arg6: memref<144x128xi32, #tpu.memory_space<vmem>>, %arg7: memref<144x128xf32, #tpu.memory_space<vmem>>, %arg8: memref<2x128x192xf32, #tpu.memory_space<vmem>>, %arg9: memref<2x32x192xf32, #tpu.memory_space<vmem>>, %arg10: memref<!tpu.dma_semaphore, #tpu.memory_space<semaphore_mem>>, %arg11: memref<!tpu.dma_semaphore, #tpu.memory_space<semaphore_mem>>) attributes {dimension_semantics = [#tpu.dimension_semantics<core_parallel>, #tpu.dimension_semantics<subcore_parallel>], iteration_bounds = array<i64: 2, 16>, scalar_prefetch = 0 : i64, scratch_operands = 6 : i64, tpu.core_type = #tpu.core_type<sc_vector_subcore>, window_params = [{transform_indices = #map}, {transform_indices = #map}, {transform_indices = #map}, {transform_indices = #map}]} {
    %mul3A = arith.constant 2 : i32
    %mul3A_0 = arith.muli %arg1, %mul3A : i32
    %add3A = arith.addi %mul3A_0, %arg0 : i32
    %mul3A_1 = arith.constant 4608 : i32
    %mul3A_2 = arith.muli %add3A, %mul3A_1 : i32
    %mul3A_3 = arith.constant 144 : i32
    %mul3A_4 = arith.muli %add3A, %mul3A_3 : i32
    "tpu.region"() ({
      %run_scoped3A = tpu.sem_alloc : memref<!tpu.dma_semaphore, #tpu.memory_space<semaphore_mem>>
      %dma_start3A_52 = arith.constant 0 : i32
      %dma_start3A_53 = tpu.memref_slice %arg3[%mul3A_4, %dma_start3A_52] : memref<4608x128xi32, #tpu.memory_space<hbm>> -> memref<144x128xi32, #tpu.memory_space<hbm>>
      %dma_start3A_54 = arith.constant 0 : i32
      %dma_start3A_55 = tpu.memref_slice %arg3[%mul3A_4, %dma_start3A_54] : memref<4608x128xi32, #tpu.memory_space<hbm>> -> memref<144x128xi32, #tpu.memory_space<hbm>>
      tpu.enqueue_dma source(%dma_start3A_55 : memref<144x128xi32, #tpu.memory_space<hbm>>) target(%arg6 : memref<144x128xi32, #tpu.memory_space<vmem>>) target_semaphore(%run_scoped3A : memref<!tpu.dma_semaphore, #tpu.memory_space<semaphore_mem>>)
      %dma_wait3A_56 = arith.constant 0 : i32
      %dma_wait3A_57 = tpu.memref_slice %arg3[%mul3A_4, %dma_wait3A_56] : memref<4608x128xi32, #tpu.memory_space<hbm>> -> memref<144x128xi32, #tpu.memory_space<hbm>>
      %dma_wait3A_58 = arith.constant 0 : i32
      %dma_wait3A_59 = tpu.memref_slice %arg3[%mul3A_4, %dma_wait3A_58] : memref<4608x128xi32, #tpu.memory_space<hbm>> -> memref<144x128xi32, #tpu.memory_space<hbm>>
      tpu.wait_dma2 semaphore(%run_scoped3A : memref<!tpu.dma_semaphore, #tpu.memory_space<semaphore_mem>>) src(%dma_wait3A_59 : memref<144x128xi32, #tpu.memory_space<hbm>>) dst(%arg6 : memref<144x128xi32, #tpu.memory_space<vmem>>)
      tpu.yield
    }) : () -> ()
    %mul3A_5 = arith.constant 144 : i32
    %mul3A_6 = arith.muli %add3A, %mul3A_5 : i32
    "tpu.region"() ({
      %run_scoped3A = tpu.sem_alloc : memref<!tpu.dma_semaphore, #tpu.memory_space<semaphore_mem>>
      %dma_start3A_52 = arith.constant 0 : i32
      %dma_start3A_53 = tpu.memref_slice %arg4[%mul3A_6, %dma_start3A_52] : memref<4608x128xf32, #tpu.memory_space<hbm>> -> memref<144x128xf32, #tpu.memory_space<hbm>>
      %dma_start3A_54 = arith.constant 0 : i32
      %dma_start3A_55 = tpu.memref_slice %arg4[%mul3A_6, %dma_start3A_54] : memref<4608x128xf32, #tpu.memory_space<hbm>> -> memref<144x128xf32, #tpu.memory_space<hbm>>
      tpu.enqueue_dma source(%dma_start3A_55 : memref<144x128xf32, #tpu.memory_space<hbm>>) target(%arg7 : memref<144x128xf32, #tpu.memory_space<vmem>>) target_semaphore(%run_scoped3A : memref<!tpu.dma_semaphore, #tpu.memory_space<semaphore_mem>>)
      %dma_wait3A_56 = arith.constant 0 : i32
      %dma_wait3A_57 = tpu.memref_slice %arg4[%mul3A_6, %dma_wait3A_56] : memref<4608x128xf32, #tpu.memory_space<hbm>> -> memref<144x128xf32, #tpu.memory_space<hbm>>
      %dma_wait3A_58 = arith.constant 0 : i32
      %dma_wait3A_59 = tpu.memref_slice %arg4[%mul3A_6, %dma_wait3A_58] : memref<4608x128xf32, #tpu.memory_space<hbm>> -> memref<144x128xf32, #tpu.memory_space<hbm>>
      tpu.wait_dma2 semaphore(%run_scoped3A : memref<!tpu.dma_semaphore, #tpu.memory_space<semaphore_mem>>) src(%dma_wait3A_59 : memref<144x128xf32, #tpu.memory_space<hbm>>) dst(%arg7 : memref<144x128xf32, #tpu.memory_space<vmem>>)
      tpu.yield
    }) : () -> ()
    %dma_start3A = arith.constant 0 : i32
    %dma_start3A_7 = arith.constant 0 : i32
    %dma_start3A_8 = arith.constant 0 : i32
    %dma_start3A_9 = arith.constant 0 : i32
    %dma_start3A_10 = tpu.memref_slice %arg8[%dma_start3A_7, %dma_start3A_8, %dma_start3A_9] : memref<2x128x192xf32, #tpu.memory_space<vmem>> -> memref<1x128x192xf32, #tpu.memory_space<vmem>>
    %dma_start3A_11 = tpu.memref_squeeze %dma_start3A_10 : memref<1x128x192xf32, #tpu.memory_space<vmem>> -> memref<128x192xf32, #tpu.memory_space<vmem>>
    %dma_start3A_12 = arith.constant 0 : i32
    %dma_start3A_13 = tpu.memref_slice %arg6[%dma_start3A, %dma_start3A_12] : memref<144x128xi32, #tpu.memory_space<vmem>> -> memref<1x128xi32, #tpu.memory_space<vmem>>
    %dma_start3A_14 = tpu.memref_squeeze %dma_start3A_13 : memref<1x128xi32, #tpu.memory_space<vmem>> -> memref<128xi32, #tpu.memory_space<vmem>>
    %dma_start3A_15 = arith.constant 0 : i32
    %dma_start3A_16 = arith.constant 0 : i32
    %dma_start3A_17 = tpu.memref_slice %arg2[%dma_start3A_15, %dma_start3A_16] : memref<147456x192xf32, #tpu.memory_space<hbm>> -> memref<147456x192xf32, #tpu.memory_space<hbm>>
    tpu.enqueue_indirect_dma source(%dma_start3A_17 : memref<147456x192xf32, #tpu.memory_space<hbm>>) target(%dma_start3A_11 : memref<128x192xf32, #tpu.memory_space<vmem>>) offsets(%dma_start3A_14 : memref<128xi32, #tpu.memory_space<vmem>>) semaphore(%arg10 : memref<!tpu.dma_semaphore, #tpu.memory_space<semaphore_mem>>)
    %scan3A = arith.constant 0 : i32
    %scan3A_18 = arith.constant 0 : i32
    %scan3A_19 = arith.constant 72 : i32
    %scan3A_20 = arith.addi %scan3A_18, %scan3A_19 : i32
    %scan3A_21 = arith.constant 1 : i32
    scf.for %scan3A_52 = %scan3A_18 to %scan3A_20 step %scan3A_21  : i32 {
      %mul3A_53 = arith.constant 2 : i32
      %mul3A_54 = arith.muli %mul3A_53, %scan3A_52 : i32
      %add3A_55 = arith.constant 1 : i32
      %add3A_56 = arith.addi %mul3A_54, %add3A_55 : i32
      %lt3A = arith.constant 144 : i32
      %lt3A_57 = arith.cmpi slt, %add3A_56, %lt3A : i32
      %convert_element_type3A = arith.extui %lt3A_57 : i1 to i32
      %cond3A = arith.constant 0 : i32
      %cond3A_58 = arith.cmpi ne, %convert_element_type3A, %cond3A : i32
      scf.if %cond3A_58 {
        %add3A_141 = arith.constant 1 : i32
        %add3A_142 = arith.addi %mul3A_54, %add3A_141 : i32
        %dma_start3A_143 = arith.constant 1 : i32
        %dma_start3A_144 = arith.constant 0 : i32
        %dma_start3A_145 = arith.constant 0 : i32
        %dma_start3A_146 = tpu.memref_slice %arg8[%dma_start3A_143, %dma_start3A_144, %dma_start3A_145] : memref<2x128x192xf32, #tpu.memory_space<vmem>> -> memref<1x128x192xf32, #tpu.memory_space<vmem>>
        %dma_start3A_147 = tpu.memref_squeeze %dma_start3A_146 : memref<1x128x192xf32, #tpu.memory_space<vmem>> -> memref<128x192xf32, #tpu.memory_space<vmem>>
        %dma_start3A_148 = arith.constant 0 : i32
        %dma_start3A_149 = tpu.memref_slice %arg6[%add3A_142, %dma_start3A_148] : memref<144x128xi32, #tpu.memory_space<vmem>> -> memref<1x128xi32, #tpu.memory_space<vmem>>
        %dma_start3A_150 = tpu.memref_squeeze %dma_start3A_149 : memref<1x128xi32, #tpu.memory_space<vmem>> -> memref<128xi32, #tpu.memory_space<vmem>>
        %dma_start3A_151 = arith.constant 0 : i32
        %dma_start3A_152 = arith.constant 0 : i32
        %dma_start3A_153 = tpu.memref_slice %arg2[%dma_start3A_151, %dma_start3A_152] : memref<147456x192xf32, #tpu.memory_space<hbm>> -> memref<147456x192xf32, #tpu.memory_space<hbm>>
        tpu.enqueue_indirect_dma source(%dma_start3A_153 : memref<147456x192xf32, #tpu.memory_space<hbm>>) target(%dma_start3A_147 : memref<128x192xf32, #tpu.memory_space<vmem>>) offsets(%dma_start3A_150 : memref<128xi32, #tpu.memory_space<vmem>>) semaphore(%arg10 : memref<!tpu.dma_semaphore, #tpu.memory_space<semaphore_mem>>)
      } else {
      }
      %dma_wait3A_59 = arith.constant 0 : i32
      %dma_wait3A_60 = arith.constant 0 : i32
      %dma_wait3A_61 = arith.constant 0 : i32
      %dma_wait3A_62 = arith.constant 0 : i32
      %dma_wait3A_63 = tpu.memref_slice %arg8[%dma_wait3A_60, %dma_wait3A_61, %dma_wait3A_62] : memref<2x128x192xf32, #tpu.memory_space<vmem>> -> memref<1x128x192xf32, #tpu.memory_space<vmem>>
      %dma_wait3A_64 = tpu.memref_squeeze %dma_wait3A_63 : memref<1x128x192xf32, #tpu.memory_space<vmem>> -> memref<128x192xf32, #tpu.memory_space<vmem>>
      %dma_wait3A_65 = arith.constant 0 : i32
      %dma_wait3A_66 = tpu.memref_slice %arg6[%dma_wait3A_59, %dma_wait3A_65] : memref<144x128xi32, #tpu.memory_space<vmem>> -> memref<1x128xi32, #tpu.memory_space<vmem>>
      %dma_wait3A_67 = tpu.memref_squeeze %dma_wait3A_66 : memref<1x128xi32, #tpu.memory_space<vmem>> -> memref<128xi32, #tpu.memory_space<vmem>>
      %dma_wait3A_68 = arith.constant 0 : i32
      %dma_wait3A_69 = arith.constant 0 : i32
      %dma_wait3A_70 = tpu.memref_slice %arg2[%dma_wait3A_68, %dma_wait3A_69] : memref<147456x192xf32, #tpu.memory_space<hbm>> -> memref<147456x192xf32, #tpu.memory_space<hbm>>
      tpu.wait_indirect_dma semaphore(%arg10 : memref<!tpu.dma_semaphore, #tpu.memory_space<semaphore_mem>>) src(%dma_wait3A_70 : memref<147456x192xf32, #tpu.memory_space<hbm>>) dst(%dma_wait3A_64 : memref<128x192xf32, #tpu.memory_space<vmem>>)
      %ge3A = arith.constant 2 : i32
      %ge3A_71 = arith.cmpi sge, %mul3A_54, %ge3A : i32
      %convert_element_type3A_72 = arith.extui %ge3A_71 : i1 to i32
      %cond3A_73 = arith.constant 0 : i32
      %cond3A_74 = arith.cmpi ne, %convert_element_type3A_72, %cond3A_73 : i32
      scf.if %cond3A_74 {
        %dma_wait3A_141 = arith.constant 0 : i32
        %dma_wait3A_142 = arith.constant 0 : i32
        %dma_wait3A_143 = arith.constant 0 : i32
        %dma_wait3A_144 = tpu.memref_slice %arg9[%dma_wait3A_141, %dma_wait3A_142, %dma_wait3A_143] : memref<2x32x192xf32, #tpu.memory_space<vmem>> -> memref<1x32x192xf32, #tpu.memory_space<vmem>>
        %dma_wait3A_145 = tpu.memref_squeeze %dma_wait3A_144 : memref<1x32x192xf32, #tpu.memory_space<vmem>> -> memref<32x192xf32, #tpu.memory_space<vmem>>
        %dma_wait3A_146 = arith.constant 0 : i32
        %dma_wait3A_147 = arith.constant 0 : i32
        %dma_wait3A_148 = tpu.memref_slice %arg5[%dma_wait3A_146, %dma_wait3A_147] : memref<147456x192xf32, #tpu.memory_space<hbm>> -> memref<32x192xf32, #tpu.memory_space<hbm>>
        %dma_wait3A_149 = arith.constant 0 : i32
        %dma_wait3A_150 = arith.constant 0 : i32
        %dma_wait3A_151 = tpu.memref_slice %arg5[%dma_wait3A_149, %dma_wait3A_150] : memref<147456x192xf32, #tpu.memory_space<hbm>> -> memref<32x192xf32, #tpu.memory_space<hbm>>
        %dma_wait3A_152 = arith.constant 0 : i32
        %dma_wait3A_153 = arith.constant 0 : i32
        %dma_wait3A_154 = tpu.memref_slice %arg9[%dma_wait3A_141, %dma_wait3A_152, %dma_wait3A_153] : memref<2x32x192xf32, #tpu.memory_space<vmem>> -> memref<1x32x192xf32, #tpu.memory_space<vmem>>
        %dma_wait3A_155 = tpu.memref_squeeze %dma_wait3A_154 : memref<1x32x192xf32, #tpu.memory_space<vmem>> -> memref<32x192xf32, #tpu.memory_space<vmem>>
        tpu.wait_dma2 semaphore(%arg11 : memref<!tpu.dma_semaphore, #tpu.memory_space<semaphore_mem>>) src(%dma_wait3A_155 : memref<32x192xf32, #tpu.memory_space<vmem>>) dst(%dma_wait3A_151 : memref<32x192xf32, #tpu.memory_space<hbm>>)
      } else {
      }
      %broadcast_in_dim3A = vector.broadcast %mul3A_54 : i32 to vector<16xi32>
      %parallel_loop3A = arith.constant 0 : i32
      %parallel_loop3A_75 = arith.constant 32 : i32
      %parallel_loop3A_76 = arith.constant 1 : i32
      scf.for %parallel_loop3A_141 = %parallel_loop3A to %parallel_loop3A_75 step %parallel_loop3A_76  : i32 {
        %parallel_loop3A_142 = arith.constant 0 : i32
        %parallel_loop3A_143 = arith.addi %parallel_loop3A_142, %parallel_loop3A_141 : i32
        %parallel_loop3A_144 = vector.broadcast %parallel_loop3A_143 : i32 to vector<16xi32>
        %parallel_loop3A_145 = tpu.vector_load_idx %arg7[%broadcast_in_dim3A, %parallel_loop3A_144] : memref<144x128xf32, #tpu.memory_space<vmem>>[vector<16xi32>, vector<16xi32>], vector<16xf32>,
        %parallel_loop3A_146 = arith.constant 32 : i32
        %parallel_loop3A_147 = arith.addi %parallel_loop3A_146, %parallel_loop3A_141 : i32
        %parallel_loop3A_148 = vector.broadcast %parallel_loop3A_147 : i32 to vector<16xi32>
        %parallel_loop3A_149 = tpu.vector_load_idx %arg7[%broadcast_in_dim3A, %parallel_loop3A_148] : memref<144x128xf32, #tpu.memory_space<vmem>>[vector<16xi32>, vector<16xi32>], vector<16xf32>,
        %parallel_loop3A_150 = arith.constant 64 : i32
        %parallel_loop3A_151 = arith.addi %parallel_loop3A_150, %parallel_loop3A_141 : i32
        %parallel_loop3A_152 = vector.broadcast %parallel_loop3A_151 : i32 to vector<16xi32>
        %parallel_loop3A_153 = tpu.vector_load_idx %arg7[%broadcast_in_dim3A, %parallel_loop3A_152] : memref<144x128xf32, #tpu.memory_space<vmem>>[vector<16xi32>, vector<16xi32>], vector<16xf32>,
        %parallel_loop3A_154 = arith.constant 96 : i32
        %parallel_loop3A_155 = arith.addi %parallel_loop3A_154, %parallel_loop3A_141 : i32
        %parallel_loop3A_156 = vector.broadcast %parallel_loop3A_155 : i32 to vector<16xi32>
        %parallel_loop3A_157 = tpu.vector_load_idx %arg7[%broadcast_in_dim3A, %parallel_loop3A_156] : memref<144x128xf32, #tpu.memory_space<vmem>>[vector<16xi32>, vector<16xi32>], vector<16xf32>,
        %parallel_loop3A_158 = arith.constant 0 : i32
        %parallel_loop3A_159 = arith.addi %parallel_loop3A_158, %parallel_loop3A_141 : i32
        %parallel_loop3A_160 = arith.constant 0 : i32
        %parallel_loop3A_161 = arith.index_cast %parallel_loop3A_160 : i32 to index
        %parallel_loop3A_162 = arith.index_cast %parallel_loop3A_159 : i32 to index
        %parallel_loop3A_163 = arith.constant 0 : index
        %parallel_loop3A_164 = tpu.vector_load %arg8[%parallel_loop3A_161, %parallel_loop3A_162, %parallel_loop3A_163] {strides = array<i32>} : memref<2x128x192xf32, #tpu.memory_space<vmem>>, vector<16xf32>,
        %parallel_loop3A_165 = arith.mulf %parallel_loop3A_164, %parallel_loop3A_145 : vector<16xf32>
        %parallel_loop3A_166 = arith.constant 32 : i32
        %parallel_loop3A_167 = arith.addi %parallel_loop3A_166, %parallel_loop3A_141 : i32
        %parallel_loop3A_168 = arith.constant 0 : i32
        %parallel_loop3A_169 = arith.index_cast %parallel_loop3A_168 : i32 to index
        %parallel_loop3A_170 = arith.index_cast %parallel_loop3A_167 : i32 to index
        %parallel_loop3A_171 = arith.constant 0 : index
        %parallel_loop3A_172 = tpu.vector_load %arg8[%parallel_loop3A_169, %parallel_loop3A_170, %parallel_loop3A_171] {strides = array<i32>} : memref<2x128x192xf32, #tpu.memory_space<vmem>>, vector<16xf32>,
        %parallel_loop3A_173 = arith.mulf %parallel_loop3A_172, %parallel_loop3A_149 : vector<16xf32>
        %parallel_loop3A_174 = arith.addf %parallel_loop3A_165, %parallel_loop3A_173 : vector<16xf32>
        %parallel_loop3A_175 = arith.constant 64 : i32
        %parallel_loop3A_176 = arith.addi %parallel_loop3A_175, %parallel_loop3A_141 : i32
        %parallel_loop3A_177 = arith.constant 0 : i32
        %parallel_loop3A_178 = arith.index_cast %parallel_loop3A_177 : i32 to index
        %parallel_loop3A_179 = arith.index_cast %parallel_loop3A_176 : i32 to index
        %parallel_loop3A_180 = arith.constant 0 : index
        %parallel_loop3A_181 = tpu.vector_load %arg8[%parallel_loop3A_178, %parallel_loop3A_179, %parallel_loop3A_180] {strides = array<i32>} : memref<2x128x192xf32, #tpu.memory_space<vmem>>, vector<16xf32>,
        %parallel_loop3A_182 = arith.mulf %parallel_loop3A_181, %parallel_loop3A_153 : vector<16xf32>
        %parallel_loop3A_183 = arith.addf %parallel_loop3A_174, %parallel_loop3A_182 : vector<16xf32>
        %parallel_loop3A_184 = arith.constant 96 : i32
        %parallel_loop3A_185 = arith.addi %parallel_loop3A_184, %parallel_loop3A_141 : i32
        %parallel_loop3A_186 = arith.constant 0 : i32
        %parallel_loop3A_187 = arith.index_cast %parallel_loop3A_186 : i32 to index
        %parallel_loop3A_188 = arith.index_cast %parallel_loop3A_185 : i32 to index
        %parallel_loop3A_189 = arith.constant 0 : index
        %parallel_loop3A_190 = tpu.vector_load %arg8[%parallel_loop3A_187, %parallel_loop3A_188, %parallel_loop3A_189] {strides = array<i32>} : memref<2x128x192xf32, #tpu.memory_space<vmem>>, vector<16xf32>,
        %parallel_loop3A_191 = arith.mulf %parallel_loop3A_190, %parallel_loop3A_157 : vector<16xf32>
        %parallel_loop3A_192 = arith.addf %parallel_loop3A_183, %parallel_loop3A_191 : vector<16xf32>
        %parallel_loop3A_193 = arith.constant 0 : i32
        %parallel_loop3A_194 = arith.index_cast %parallel_loop3A_193 : i32 to index
        %parallel_loop3A_195 = arith.index_cast %parallel_loop3A_141 : i32 to index
        %parallel_loop3A_196 = arith.constant 0 : index
        %parallel_loop3A_197 = tpu.vector_load %arg9[%parallel_loop3A_194, %parallel_loop3A_195, %parallel_loop3A_196] {strides = array<i32>} : memref<2x32x192xf32, #tpu.memory_space<vmem>>, vector<16xf32>,
        tpu.vector_store %arg9[%parallel_loop3A_194, %parallel_loop3A_195, %parallel_loop3A_196], %parallel_loop3A_192 {strides = array<i32>} : memref<2x32x192xf32, #tpu.memory_space<vmem>>, vector<16xf32>,
        %parallel_loop3A_198 = arith.constant 0 : i32
        %parallel_loop3A_199 = arith.addi %parallel_loop3A_198, %parallel_loop3A_141 : i32
        %parallel_loop3A_200 = arith.constant 0 : i32
        %parallel_loop3A_201 = arith.index_cast %parallel_loop3A_200 : i32 to index
        %parallel_loop3A_202 = arith.index_cast %parallel_loop3A_199 : i32 to index
        %parallel_loop3A_203 = arith.constant 16 : index
        %parallel_loop3A_204 = tpu.vector_load %arg8[%parallel_loop3A_201, %parallel_loop3A_202, %parallel_loop3A_203] {strides = array<i32>} : memref<2x128x192xf32, #tpu.memory_space<vmem>>, vector<16xf32>,
        %parallel_loop3A_205 = arith.mulf %parallel_loop3A_204, %parallel_loop3A_145 : vector<16xf32>
        %parallel_loop3A_206 = arith.constant 32 : i32
        %parallel_loop3A_207 = arith.addi %parallel_loop3A_206, %parallel_loop3A_141 : i32
        %parallel_loop3A_208 = arith.constant 0 : i32
        %parallel_loop3A_209 = arith.index_cast %parallel_loop3A_208 : i32 to index
        %parallel_loop3A_210 = arith.index_cast %parallel_loop3A_207 : i32 to index
        %parallel_loop3A_211 = arith.constant 16 : index
        %parallel_loop3A_212 = tpu.vector_load %arg8[%parallel_loop3A_209, %parallel_loop3A_210, %parallel_loop3A_211] {strides = array<i32>} : memref<2x128x192xf32, #tpu.memory_space<vmem>>, vector<16xf32>,
        %parallel_loop3A_213 = arith.mulf %parallel_loop3A_212, %parallel_loop3A_149 : vector<16xf32>
        %parallel_loop3A_214 = arith.addf %parallel_loop3A_205, %parallel_loop3A_213 : vector<16xf32>
        %parallel_loop3A_215 = arith.constant 64 : i32
        %parallel_loop3A_216 = arith.addi %parallel_loop3A_215, %parallel_loop3A_141 : i32
        %parallel_loop3A_217 = arith.constant 0 : i32
        %parallel_loop3A_218 = arith.index_cast %parallel_loop3A_217 : i32 to index
        %parallel_loop3A_219 = arith.index_cast %parallel_loop3A_216 : i32 to index
        %parallel_loop3A_220 = arith.constant 16 : index
        %parallel_loop3A_221 = tpu.vector_load %arg8[%parallel_loop3A_218, %parallel_loop3A_219, %parallel_loop3A_220] {strides = array<i32>} : memref<2x128x192xf32, #tpu.memory_space<vmem>>, vector<16xf32>,
        %parallel_loop3A_222 = arith.mulf %parallel_loop3A_221, %parallel_loop3A_153 : vector<16xf32>
        %parallel_loop3A_223 = arith.addf %parallel_loop3A_214, %parallel_loop3A_222 : vector<16xf32>
        %parallel_loop3A_224 = arith.constant 96 : i32
        %parallel_loop3A_225 = arith.addi %parallel_loop3A_224, %parallel_loop3A_141 : i32
        %parallel_loop3A_226 = arith.constant 0 : i32
        %parallel_loop3A_227 = arith.index_cast %parallel_loop3A_226 : i32 to index
        %parallel_loop3A_228 = arith.index_cast %parallel_loop3A_225 : i32 to index
        %parallel_loop3A_229 = arith.constant 16 : index
        %parallel_loop3A_230 = tpu.vector_load %arg8[%parallel_loop3A_227, %parallel_loop3A_228, %parallel_loop3A_229] {strides = array<i32>} : memref<2x128x192xf32, #tpu.memory_space<vmem>>, vector<16xf32>,
        %parallel_loop3A_231 = arith.mulf %parallel_loop3A_230, %parallel_loop3A_157 : vector<16xf32>
        %parallel_loop3A_232 = arith.addf %parallel_loop3A_223, %parallel_loop3A_231 : vector<16xf32>
        %parallel_loop3A_233 = arith.constant 0 : i32
        %parallel_loop3A_234 = arith.index_cast %parallel_loop3A_233 : i32 to index
        %parallel_loop3A_235 = arith.index_cast %parallel_loop3A_141 : i32 to index
        %parallel_loop3A_236 = arith.constant 16 : index
        %parallel_loop3A_237 = tpu.vector_load %arg9[%parallel_loop3A_234, %parallel_loop3A_235, %parallel_loop3A_236] {strides = array<i32>} : memref<2x32x192xf32, #tpu.memory_space<vmem>>, vector<16xf32>,
        tpu.vector_store %arg9[%parallel_loop3A_234, %parallel_loop3A_235, %parallel_loop3A_236], %parallel_loop3A_232 {strides = array<i32>} : memref<2x32x192xf32, #tpu.memory_space<vmem>>, vector<16xf32>,
        %parallel_loop3A_238 = arith.constant 0 : i32
        %parallel_loop3A_239 = arith.addi %parallel_loop3A_238, %parallel_loop3A_141 : i32
        %parallel_loop3A_240 = arith.constant 0 : i32
        %parallel_loop3A_241 = arith.index_cast %parallel_loop3A_240 : i32 to index
        %parallel_loop3A_242 = arith.index_cast %parallel_loop3A_239 : i32 to index
        %parallel_loop3A_243 = arith.constant 32 : index
        %parallel_loop3A_244 = tpu.vector_load %arg8[%parallel_loop3A_241, %parallel_loop3A_242, %parallel_loop3A_243] {strides = array<i32>} : memref<2x128x192xf32, #tpu.memory_space<vmem>>, vector<16xf32>,
        %parallel_loop3A_245 = arith.mulf %parallel_loop3A_244, %parallel_loop3A_145 : vector<16xf32>
        %parallel_loop3A_246 = arith.constant 32 : i32
        %parallel_loop3A_247 = arith.addi %parallel_loop3A_246, %parallel_loop3A_141 : i32
        %parallel_loop3A_248 = arith.constant 0 : i32
        %parallel_loop3A_249 = arith.index_cast %parallel_loop3A_248 : i32 to index
        %parallel_loop3A_250 = arith.index_cast %parallel_loop3A_247 : i32 to index
        %parallel_loop3A_251 = arith.constant 32 : index
        %parallel_loop3A_252 = tpu.vector_load %arg8[%parallel_loop3A_249, %parallel_loop3A_250, %parallel_loop3A_251] {strides = array<i32>} : memref<2x128x192xf32, #tpu.memory_space<vmem>>, vector<16xf32>,
        %parallel_loop3A_253 = arith.mulf %parallel_loop3A_252, %parallel_loop3A_149 : vector<16xf32>
        %parallel_loop3A_254 = arith.addf %parallel_loop3A_245, %parallel_loop3A_253 : vector<16xf32>
        %parallel_loop3A_255 = arith.constant 64 : i32
        %parallel_loop3A_256 = arith.addi %parallel_loop3A_255, %parallel_loop3A_141 : i32
        %parallel_loop3A_257 = arith.constant 0 : i32
        %parallel_loop3A_258 = arith.index_cast %parallel_loop3A_257 : i32 to index
        %parallel_loop3A_259 = arith.index_cast %parallel_loop3A_256 : i32 to index
        %parallel_loop3A_260 = arith.constant 32 : index
        %parallel_loop3A_261 = tpu.vector_load %arg8[%parallel_loop3A_258, %parallel_loop3A_259, %parallel_loop3A_260] {strides = array<i32>} : memref<2x128x192xf32, #tpu.memory_space<vmem>>, vector<16xf32>,
        %parallel_loop3A_262 = arith.mulf %parallel_loop3A_261, %parallel_loop3A_153 : vector<16xf32>
        %parallel_loop3A_263 = arith.addf %parallel_loop3A_254, %parallel_loop3A_262 : vector<16xf32>
        %parallel_loop3A_264 = arith.constant 96 : i32
        %parallel_loop3A_265 = arith.addi %parallel_loop3A_264, %parallel_loop3A_141 : i32
        %parallel_loop3A_266 = arith.constant 0 : i32
        %parallel_loop3A_267 = arith.index_cast %parallel_loop3A_266 : i32 to index
        %parallel_loop3A_268 = arith.index_cast %parallel_loop3A_265 : i32 to index
        %parallel_loop3A_269 = arith.constant 32 : index
        %parallel_loop3A_270 = tpu.vector_load %arg8[%parallel_loop3A_267, %parallel_loop3A_268, %parallel_loop3A_269] {strides = array<i32>} : memref<2x128x192xf32, #tpu.memory_space<vmem>>, vector<16xf32>,
        %parallel_loop3A_271 = arith.mulf %parallel_loop3A_270, %parallel_loop3A_157 : vector<16xf32>
        %parallel_loop3A_272 = arith.addf %parallel_loop3A_263, %parallel_loop3A_271 : vector<16xf32>
        %parallel_loop3A_273 = arith.constant 0 : i32
        %parallel_loop3A_274 = arith.index_cast %parallel_loop3A_273 : i32 to index
        %parallel_loop3A_275 = arith.index_cast %parallel_loop3A_141 : i32 to index
        %parallel_loop3A_276 = arith.constant 32 : index
        %parallel_loop3A_277 = tpu.vector_load %arg9[%parallel_loop3A_274, %parallel_loop3A_275, %parallel_loop3A_276] {strides = array<i32>} : memref<2x32x192xf32, #tpu.memory_space<vmem>>, vector<16xf32>,
        tpu.vector_store %arg9[%parallel_loop3A_274, %parallel_loop3A_275, %parallel_loop3A_276], %parallel_loop3A_272 {strides = array<i32>} : memref<2x32x192xf32, #tpu.memory_space<vmem>>, vector<16xf32>,
        %parallel_loop3A_278 = arith.constant 0 : i32
        %parallel_loop3A_279 = arith.addi %parallel_loop3A_278, %parallel_loop3A_141 : i32
        %parallel_loop3A_280 = arith.constant 0 : i32
        %parallel_loop3A_281 = arith.index_cast %parallel_loop3A_280 : i32 to index
        %parallel_loop3A_282 = arith.index_cast %parallel_loop3A_279 : i32 to index
        %parallel_loop3A_283 = arith.constant 48 : index
        %parallel_loop3A_284 = tpu.vector_load %arg8[%parallel_loop3A_281, %parallel_loop3A_282, %parallel_loop3A_283] {strides = array<i32>} : memref<2x128x192xf32, #tpu.memory_space<vmem>>, vector<16xf32>,
        %parallel_loop3A_285 = arith.mulf %parallel_loop3A_284, %parallel_loop3A_145 : vector<16xf32>
        %parallel_loop3A_286 = arith.constant 32 : i32
        %parallel_loop3A_287 = arith.addi %parallel_loop3A_286, %parallel_loop3A_141 : i32
        %parallel_loop3A_288 = arith.constant 0 : i32
        %parallel_loop3A_289 = arith.index_cast %parallel_loop3A_288 : i32 to index
        %parallel_loop3A_290 = arith.index_cast %parallel_loop3A_287 : i32 to index
        %parallel_loop3A_291 = arith.constant 48 : index
        %parallel_loop3A_292 = tpu.vector_load %arg8[%parallel_loop3A_289, %parallel_loop3A_290, %parallel_loop3A_291] {strides = array<i32>} : memref<2x128x192xf32, #tpu.memory_space<vmem>>, vector<16xf32>,
        %parallel_loop3A_293 = arith.mulf %parallel_loop3A_292, %parallel_loop3A_149 : vector<16xf32>
        %parallel_loop3A_294 = arith.addf %parallel_loop3A_285, %parallel_loop3A_293 : vector<16xf32>
        %parallel_loop3A_295 = arith.constant 64 : i32
        %parallel_loop3A_296 = arith.addi %parallel_loop3A_295, %parallel_loop3A_141 : i32
        %parallel_loop3A_297 = arith.constant 0 : i32
        %parallel_loop3A_298 = arith.index_cast %parallel_loop3A_297 : i32 to index
        %parallel_loop3A_299 = arith.index_cast %parallel_loop3A_296 : i32 to index
        %parallel_loop3A_300 = arith.constant 48 : index
        %parallel_loop3A_301 = tpu.vector_load %arg8[%parallel_loop3A_298, %parallel_loop3A_299, %parallel_loop3A_300] {strides = array<i32>} : memref<2x128x192xf32, #tpu.memory_space<vmem>>, vector<16xf32>,
        %parallel_loop3A_302 = arith.mulf %parallel_loop3A_301, %parallel_loop3A_153 : vector<16xf32>
        %parallel_loop3A_303 = arith.addf %parallel_loop3A_294, %parallel_loop3A_302 : vector<16xf32>
        %parallel_loop3A_304 = arith.constant 96 : i32
        %parallel_loop3A_305 = arith.addi %parallel_loop3A_304, %parallel_loop3A_141 : i32
        %parallel_loop3A_306 = arith.constant 0 : i32
        %parallel_loop3A_307 = arith.index_cast %parallel_loop3A_306 : i32 to index
        %parallel_loop3A_308 = arith.index_cast %parallel_loop3A_305 : i32 to index
        %parallel_loop3A_309 = arith.constant 48 : index
        %parallel_loop3A_310 = tpu.vector_load %arg8[%parallel_loop3A_307, %parallel_loop3A_308, %parallel_loop3A_309] {strides = array<i32>} : memref<2x128x192xf32, #tpu.memory_space<vmem>>, vector<16xf32>,
        %parallel_loop3A_311 = arith.mulf %parallel_loop3A_310, %parallel_loop3A_157 : vector<16xf32>
        %parallel_loop3A_312 = arith.addf %parallel_loop3A_303, %parallel_loop3A_311 : vector<16xf32>
        %parallel_loop3A_313 = arith.constant 0 : i32
        %parallel_loop3A_314 = arith.index_cast %parallel_loop3A_313 : i32 to index
        %parallel_loop3A_315 = arith.index_cast %parallel_loop3A_141 : i32 to index
        %parallel_loop3A_316 = arith.constant 48 : index
        %parallel_loop3A_317 = tpu.vector_load %arg9[%parallel_loop3A_314, %parallel_loop3A_315, %parallel_loop3A_316] {strides = array<i32>} : memref<2x32x192xf32, #tpu.memory_space<vmem>>, vector<16xf32>,
        tpu.vector_store %arg9[%parallel_loop3A_314, %parallel_loop3A_315, %parallel_loop3A_316], %parallel_loop3A_312 {strides = array<i32>} : memref<2x32x192xf32, #tpu.memory_space<vmem>>, vector<16xf32>,
        %parallel_loop3A_318 = arith.constant 0 : i32
        %parallel_loop3A_319 = arith.addi %parallel_loop3A_318, %parallel_loop3A_141 : i32
        %parallel_loop3A_320 = arith.constant 0 : i32
        %parallel_loop3A_321 = arith.index_cast %parallel_loop3A_320 : i32 to index
        %parallel_loop3A_322 = arith.index_cast %parallel_loop3A_319 : i32 to index
        %parallel_loop3A_323 = arith.constant 64 : index
        %parallel_loop3A_324 = tpu.vector_load %arg8[%parallel_loop3A_321, %parallel_loop3A_322, %parallel_loop3A_323] {strides = array<i32>} : memref<2x128x192xf32, #tpu.memory_space<vmem>>, vector<16xf32>,
        %parallel_loop3A_325 = arith.mulf %parallel_loop3A_324, %parallel_loop3A_145 : vector<16xf32>
        %parallel_loop3A_326 = arith.constant 32 : i32
        %parallel_loop3A_327 = arith.addi %parallel_loop3A_326, %parallel_loop3A_141 : i32
        %parallel_loop3A_328 = arith.constant 0 : i32
        %parallel_loop3A_329 = arith.index_cast %parallel_loop3A_328 : i32 to index
        %parallel_loop3A_330 = arith.index_cast %parallel_loop3A_327 : i32 to index
        %parallel_loop3A_331 = arith.constant 64 : index
        %parallel_loop3A_332 = tpu.vector_load %arg8[%parallel_loop3A_329, %parallel_loop3A_330, %parallel_loop3A_331] {strides = array<i32>} : memref<2x128x192xf32, #tpu.memory_space<vmem>>, vector<16xf32>,
        %parallel_loop3A_333 = arith.mulf %parallel_loop3A_332, %parallel_loop3A_149 : vector<16xf32>
        %parallel_loop3A_334 = arith.addf %parallel_loop3A_325, %parallel_loop3A_333 : vector<16xf32>
        %parallel_loop3A_335 = arith.constant 64 : i32
        %parallel_loop3A_336 = arith.addi %parallel_loop3A_335, %parallel_loop3A_141 : i32
        %parallel_loop3A_337 = arith.constant 0 : i32
        %parallel_loop3A_338 = arith.index_cast %parallel_loop3A_337 : i32 to index
        %parallel_loop3A_339 = arith.index_cast %parallel_loop3A_336 : i32 to index
        %parallel_loop3A_340 = arith.constant 64 : index
        %parallel_loop3A_341 = tpu.vector_load %arg8[%parallel_loop3A_338, %parallel_loop3A_339, %parallel_loop3A_340] {strides = array<i32>} : memref<2x128x192xf32, #tpu.memory_space<vmem>>, vector<16xf32>,
        %parallel_loop3A_342 = arith.mulf %parallel_loop3A_341, %parallel_loop3A_153 : vector<16xf32>
        %parallel_loop3A_343 = arith.addf %parallel_loop3A_334, %parallel_loop3A_342 : vector<16xf32>
        %parallel_loop3A_344 = arith.constant 96 : i32
        %parallel_loop3A_345 = arith.addi %parallel_loop3A_344, %parallel_loop3A_141 : i32
        %parallel_loop3A_346 = arith.constant 0 : i32
        %parallel_loop3A_347 = arith.index_cast %parallel_loop3A_346 : i32 to index
        %parallel_loop3A_348 = arith.index_cast %parallel_loop3A_345 : i32 to index
        %parallel_loop3A_349 = arith.constant 64 : index
        %parallel_loop3A_350 = tpu.vector_load %arg8[%parallel_loop3A_347, %parallel_loop3A_348, %parallel_loop3A_349] {strides = array<i32>} : memref<2x128x192xf32, #tpu.memory_space<vmem>>, vector<16xf32>,
        %parallel_loop3A_351 = arith.mulf %parallel_loop3A_350, %parallel_loop3A_157 : vector<16xf32>
        %parallel_loop3A_352 = arith.addf %parallel_loop3A_343, %parallel_loop3A_351 : vector<16xf32>
        %parallel_loop3A_353 = arith.constant 0 : i32
        %parallel_loop3A_354 = arith.index_cast %parallel_loop3A_353 : i32 to index
        %parallel_loop3A_355 = arith.index_cast %parallel_loop3A_141 : i32 to index
        %parallel_loop3A_356 = arith.constant 64 : index
        %parallel_loop3A_357 = tpu.vector_load %arg9[%parallel_loop3A_354, %parallel_loop3A_355, %parallel_loop3A_356] {strides = array<i32>} : memref<2x32x192xf32, #tpu.memory_space<vmem>>, vector<16xf32>,
        tpu.vector_store %arg9[%parallel_loop3A_354, %parallel_loop3A_355, %parallel_loop3A_356], %parallel_loop3A_352 {strides = array<i32>} : memref<2x32x192xf32, #tpu.memory_space<vmem>>, vector<16xf32>,
        %parallel_loop3A_358 = arith.constant 0 : i32
        %parallel_loop3A_359 = arith.addi %parallel_loop3A_358, %parallel_loop3A_141 : i32
        %parallel_loop3A_360 = arith.constant 0 : i32
        %parallel_loop3A_361 = arith.index_cast %parallel_loop3A_360 : i32 to index
        %parallel_loop3A_362 = arith.index_cast %parallel_loop3A_359 : i32 to index
        %parallel_loop3A_363 = arith.constant 80 : index
        %parallel_loop3A_364 = tpu.vector_load %arg8[%parallel_loop3A_361, %parallel_loop3A_362, %parallel_loop3A_363] {strides = array<i32>} : memref<2x128x192xf32, #tpu.memory_space<vmem>>, vector<16xf32>,
        %parallel_loop3A_365 = arith.mulf %parallel_loop3A_364, %parallel_loop3A_145 : vector<16xf32>
        %parallel_loop3A_366 = arith.constant 32 : i32
        %parallel_loop3A_367 = arith.addi %parallel_loop3A_366, %parallel_loop3A_141 : i32
        %parallel_loop3A_368 = arith.constant 0 : i32
        %parallel_loop3A_369 = arith.index_cast %parallel_loop3A_368 : i32 to index
        %parallel_loop3A_370 = arith.index_cast %parallel_loop3A_367 : i32 to index
        %parallel_loop3A_371 = arith.constant 80 : index
        %parallel_loop3A_372 = tpu.vector_load %arg8[%parallel_loop3A_369, %parallel_loop3A_370, %parallel_loop3A_371] {strides = array<i32>} : memref<2x128x192xf32, #tpu.memory_space<vmem>>, vector<16xf32>,
        %parallel_loop3A_373 = arith.mulf %parallel_loop3A_372, %parallel_loop3A_149 : vector<16xf32>
        %parallel_loop3A_374 = arith.addf %parallel_loop3A_365, %parallel_loop3A_373 : vector<16xf32>
        %parallel_loop3A_375 = arith.constant 64 : i32
        %parallel_loop3A_376 = arith.addi %parallel_loop3A_375, %parallel_loop3A_141 : i32
        %parallel_loop3A_377 = arith.constant 0 : i32
        %parallel_loop3A_378 = arith.index_cast %parallel_loop3A_377 : i32 to index
        %parallel_loop3A_379 = arith.index_cast %parallel_loop3A_376 : i32 to index
        %parallel_loop3A_380 = arith.constant 80 : index
        %parallel_loop3A_381 = tpu.vector_load %arg8[%parallel_loop3A_378, %parallel_loop3A_379, %parallel_loop3A_380] {strides = array<i32>} : memref<2x128x192xf32, #tpu.memory_space<vmem>>, vector<16xf32>,
        %parallel_loop3A_382 = arith.mulf %parallel_loop3A_381, %parallel_loop3A_153 : vector<16xf32>
        %parallel_loop3A_383 = arith.addf %parallel_loop3A_374, %parallel_loop3A_382 : vector<16xf32>
        %parallel_loop3A_384 = arith.constant 96 : i32
        %parallel_loop3A_385 = arith.addi %parallel_loop3A_384, %parallel_loop3A_141 : i32
        %parallel_loop3A_386 = arith.constant 0 : i32
        %parallel_loop3A_387 = arith.index_cast %parallel_loop3A_386 : i32 to index
        %parallel_loop3A_388 = arith.index_cast %parallel_loop3A_385 : i32 to index
        %parallel_loop3A_389 = arith.constant 80 : index
        %parallel_loop3A_390 = tpu.vector_load %arg8[%parallel_loop3A_387, %parallel_loop3A_388, %parallel_loop3A_389] {strides = array<i32>} : memref<2x128x192xf32, #tpu.memory_space<vmem>>, vector<16xf32>,
        %parallel_loop3A_391 = arith.mulf %parallel_loop3A_390, %parallel_loop3A_157 : vector<16xf32>
        %parallel_loop3A_392 = arith.addf %parallel_loop3A_383, %parallel_loop3A_391 : vector<16xf32>
        %parallel_loop3A_393 = arith.constant 0 : i32
        %parallel_loop3A_394 = arith.index_cast %parallel_loop3A_393 : i32 to index
        %parallel_loop3A_395 = arith.index_cast %parallel_loop3A_141 : i32 to index
        %parallel_loop3A_396 = arith.constant 80 : index
        %parallel_loop3A_397 = tpu.vector_load %arg9[%parallel_loop3A_394, %parallel_loop3A_395, %parallel_loop3A_396] {strides = array<i32>} : memref<2x32x192xf32, #tpu.memory_space<vmem>>, vector<16xf32>,
        tpu.vector_store %arg9[%parallel_loop3A_394, %parallel_loop3A_395, %parallel_loop3A_396], %parallel_loop3A_392 {strides = array<i32>} : memref<2x32x192xf32, #tpu.memory_space<vmem>>, vector<16xf32>,
        %parallel_loop3A_398 = arith.constant 0 : i32
        %parallel_loop3A_399 = arith.addi %parallel_loop3A_398, %parallel_loop3A_141 : i32
        %parallel_loop3A_400 = arith.constant 0 : i32
        %parallel_loop3A_401 = arith.index_cast %parallel_loop3A_400 : i32 to index
        %parallel_loop3A_402 = arith.index_cast %parallel_loop3A_399 : i32 to index
        %parallel_loop3A_403 = arith.constant 96 : index
        %parallel_loop3A_404 = tpu.vector_load %arg8[%parallel_loop3A_401, %parallel_loop3A_402, %parallel_loop3A_403] {strides = array<i32>} : memref<2x128x192xf32, #tpu.memory_space<vmem>>, vector<16xf32>,
        %parallel_loop3A_405 = arith.mulf %parallel_loop3A_404, %parallel_loop3A_145 : vector<16xf32>
        %parallel_loop3A_406 = arith.constant 32 : i32
        %parallel_loop3A_407 = arith.addi %parallel_loop3A_406, %parallel_loop3A_141 : i32
        %parallel_loop3A_408 = arith.constant 0 : i32
        %parallel_loop3A_409 = arith.index_cast %parallel_loop3A_408 : i32 to index
        %parallel_loop3A_410 = arith.index_cast %parallel_loop3A_407 : i32 to index
        %parallel_loop3A_411 = arith.constant 96 : index
        %parallel_loop3A_412 = tpu.vector_load %arg8[%parallel_loop3A_409, %parallel_loop3A_410, %parallel_loop3A_411] {strides = array<i32>} : memref<2x128x192xf32, #tpu.memory_space<vmem>>, vector<16xf32>,
        %parallel_loop3A_413 = arith.mulf %parallel_loop3A_412, %parallel_loop3A_149 : vector<16xf32>
        %parallel_loop3A_414 = arith.addf %parallel_loop3A_405, %parallel_loop3A_413 : vector<16xf32>
        %parallel_loop3A_415 = arith.constant 64 : i32
        %parallel_loop3A_416 = arith.addi %parallel_loop3A_415, %parallel_loop3A_141 : i32
        %parallel_loop3A_417 = arith.constant 0 : i32
        %parallel_loop3A_418 = arith.index_cast %parallel_loop3A_417 : i32 to index
        %parallel_loop3A_419 = arith.index_cast %parallel_loop3A_416 : i32 to index
        %parallel_loop3A_420 = arith.constant 96 : index
        %parallel_loop3A_421 = tpu.vector_load %arg8[%parallel_loop3A_418, %parallel_loop3A_419, %parallel_loop3A_420] {strides = array<i32>} : memref<2x128x192xf32, #tpu.memory_space<vmem>>, vector<16xf32>,
        %parallel_loop3A_422 = arith.mulf %parallel_loop3A_421, %parallel_loop3A_153 : vector<16xf32>
        %parallel_loop3A_423 = arith.addf %parallel_loop3A_414, %parallel_loop3A_422 : vector<16xf32>
        %parallel_loop3A_424 = arith.constant 96 : i32
        %parallel_loop3A_425 = arith.addi %parallel_loop3A_424, %parallel_loop3A_141 : i32
        %parallel_loop3A_426 = arith.constant 0 : i32
        %parallel_loop3A_427 = arith.index_cast %parallel_loop3A_426 : i32 to index
        %parallel_loop3A_428 = arith.index_cast %parallel_loop3A_425 : i32 to index
        %parallel_loop3A_429 = arith.constant 96 : index
        %parallel_loop3A_430 = tpu.vector_load %arg8[%parallel_loop3A_427, %parallel_loop3A_428, %parallel_loop3A_429] {strides = array<i32>} : memref<2x128x192xf32, #tpu.memory_space<vmem>>, vector<16xf32>,
        %parallel_loop3A_431 = arith.mulf %parallel_loop3A_430, %parallel_loop3A_157 : vector<16xf32>
        %parallel_loop3A_432 = arith.addf %parallel_loop3A_423, %parallel_loop3A_431 : vector<16xf32>
        %parallel_loop3A_433 = arith.constant 0 : i32
        %parallel_loop3A_434 = arith.index_cast %parallel_loop3A_433 : i32 to index
        %parallel_loop3A_435 = arith.index_cast %parallel_loop3A_141 : i32 to index
        %parallel_loop3A_436 = arith.constant 96 : index
        %parallel_loop3A_437 = tpu.vector_load %arg9[%parallel_loop3A_434, %parallel_loop3A_435, %parallel_loop3A_436] {strides = array<i32>} : memref<2x32x192xf32, #tpu.memory_space<vmem>>, vector<16xf32>,
        tpu.vector_store %arg9[%parallel_loop3A_434, %parallel_loop3A_435, %parallel_loop3A_436], %parallel_loop3A_432 {strides = array<i32>} : memref<2x32x192xf32, #tpu.memory_space<vmem>>, vector<16xf32>,
        %parallel_loop3A_438 = arith.constant 0 : i32
        %parallel_loop3A_439 = arith.addi %parallel_loop3A_438, %parallel_loop3A_141 : i32
        %parallel_loop3A_440 = arith.constant 0 : i32
        %parallel_loop3A_441 = arith.index_cast %parallel_loop3A_440 : i32 to index
        %parallel_loop3A_442 = arith.index_cast %parallel_loop3A_439 : i32 to index
        %parallel_loop3A_443 = arith.constant 112 : index
        %parallel_loop3A_444 = tpu.vector_load %arg8[%parallel_loop3A_441, %parallel_loop3A_442, %parallel_loop3A_443] {strides = array<i32>} : memref<2x128x192xf32, #tpu.memory_space<vmem>>, vector<16xf32>,
        %parallel_loop3A_445 = arith.mulf %parallel_loop3A_444, %parallel_loop3A_145 : vector<16xf32>
        %parallel_loop3A_446 = arith.constant 32 : i32
        %parallel_loop3A_447 = arith.addi %parallel_loop3A_446, %parallel_loop3A_141 : i32
        %parallel_loop3A_448 = arith.constant 0 : i32
        %parallel_loop3A_449 = arith.index_cast %parallel_loop3A_448 : i32 to index
        %parallel_loop3A_450 = arith.index_cast %parallel_loop3A_447 : i32 to index
        %parallel_loop3A_451 = arith.constant 112 : index
        %parallel_loop3A_452 = tpu.vector_load %arg8[%parallel_loop3A_449, %parallel_loop3A_450, %parallel_loop3A_451] {strides = array<i32>} : memref<2x128x192xf32, #tpu.memory_space<vmem>>, vector<16xf32>,
        %parallel_loop3A_453 = arith.mulf %parallel_loop3A_452, %parallel_loop3A_149 : vector<16xf32>
        %parallel_loop3A_454 = arith.addf %parallel_loop3A_445, %parallel_loop3A_453 : vector<16xf32>
        %parallel_loop3A_455 = arith.constant 64 : i32
        %parallel_loop3A_456 = arith.addi %parallel_loop3A_455, %parallel_loop3A_141 : i32
        %parallel_loop3A_457 = arith.constant 0 : i32
        %parallel_loop3A_458 = arith.index_cast %parallel_loop3A_457 : i32 to index
        %parallel_loop3A_459 = arith.index_cast %parallel_loop3A_456 : i32 to index
        %parallel_loop3A_460 = arith.constant 112 : index
        %parallel_loop3A_461 = tpu.vector_load %arg8[%parallel_loop3A_458, %parallel_loop3A_459, %parallel_loop3A_460] {strides = array<i32>} : memref<2x128x192xf32, #tpu.memory_space<vmem>>, vector<16xf32>,
        %parallel_loop3A_462 = arith.mulf %parallel_loop3A_461, %parallel_loop3A_153 : vector<16xf32>
        %parallel_loop3A_463 = arith.addf %parallel_loop3A_454, %parallel_loop3A_462 : vector<16xf32>
        %parallel_loop3A_464 = arith.constant 96 : i32
        %parallel_loop3A_465 = arith.addi %parallel_loop3A_464, %parallel_loop3A_141 : i32
        %parallel_loop3A_466 = arith.constant 0 : i32
        %parallel_loop3A_467 = arith.index_cast %parallel_loop3A_466 : i32 to index
        %parallel_loop3A_468 = arith.index_cast %parallel_loop3A_465 : i32 to index
        %parallel_loop3A_469 = arith.constant 112 : index
        %parallel_loop3A_470 = tpu.vector_load %arg8[%parallel_loop3A_467, %parallel_loop3A_468, %parallel_loop3A_469] {strides = array<i32>} : memref<2x128x192xf32, #tpu.memory_space<vmem>>, vector<16xf32>,
        %parallel_loop3A_471 = arith.mulf %parallel_loop3A_470, %parallel_loop3A_157 : vector<16xf32>
        %parallel_loop3A_472 = arith.addf %parallel_loop3A_463, %parallel_loop3A_471 : vector<16xf32>
        %parallel_loop3A_473 = arith.constant 0 : i32
        %parallel_loop3A_474 = arith.index_cast %parallel_loop3A_473 : i32 to index
        %parallel_loop3A_475 = arith.index_cast %parallel_loop3A_141 : i32 to index
        %parallel_loop3A_476 = arith.constant 112 : index
        %parallel_loop3A_477 = tpu.vector_load %arg9[%parallel_loop3A_474, %parallel_loop3A_475, %parallel_loop3A_476] {strides = array<i32>} : memref<2x32x192xf32, #tpu.memory_space<vmem>>, vector<16xf32>,
        tpu.vector_store %arg9[%parallel_loop3A_474, %parallel_loop3A_475, %parallel_loop3A_476], %parallel_loop3A_472 {strides = array<i32>} : memref<2x32x192xf32, #tpu.memory_space<vmem>>, vector<16xf32>,
        %parallel_loop3A_478 = arith.constant 0 : i32
        %parallel_loop3A_479 = arith.addi %parallel_loop3A_478, %parallel_loop3A_141 : i32
        %parallel_loop3A_480 = arith.constant 0 : i32
        %parallel_loop3A_481 = arith.index_cast %parallel_loop3A_480 : i32 to index
        %parallel_loop3A_482 = arith.index_cast %parallel_loop3A_479 : i32 to index
        %parallel_loop3A_483 = arith.constant 128 : index
        %parallel_loop3A_484 = tpu.vector_load %arg8[%parallel_loop3A_481, %parallel_loop3A_482, %parallel_loop3A_483] {strides = array<i32>} : memref<2x128x192xf32, #tpu.memory_space<vmem>>, vector<16xf32>,
        %parallel_loop3A_485 = arith.mulf %parallel_loop3A_484, %parallel_loop3A_145 : vector<16xf32>
        %parallel_loop3A_486 = arith.constant 32 : i32
        %parallel_loop3A_487 = arith.addi %parallel_loop3A_486, %parallel_loop3A_141 : i32
        %parallel_loop3A_488 = arith.constant 0 : i32
        %parallel_loop3A_489 = arith.index_cast %parallel_loop3A_488 : i32 to index
        %parallel_loop3A_490 = arith.index_cast %parallel_loop3A_487 : i32 to index
        %parallel_loop3A_491 = arith.constant 128 : index
        %parallel_loop3A_492 = tpu.vector_load %arg8[%parallel_loop3A_489, %parallel_loop3A_490, %parallel_loop3A_491] {strides = array<i32>} : memref<2x128x192xf32, #tpu.memory_space<vmem>>, vector<16xf32>,
        %parallel_loop3A_493 = arith.mulf %parallel_loop3A_492, %parallel_loop3A_149 : vector<16xf32>
        %parallel_loop3A_494 = arith.addf %parallel_loop3A_485, %parallel_loop3A_493 : vector<16xf32>
        %parallel_loop3A_495 = arith.constant 64 : i32
        %parallel_loop3A_496 = arith.addi %parallel_loop3A_495, %parallel_loop3A_141 : i32
        %parallel_loop3A_497 = arith.constant 0 : i32
        %parallel_loop3A_498 = arith.index_cast %parallel_loop3A_497 : i32 to index
        %parallel_loop3A_499 = arith.index_cast %parallel_loop3A_496 : i32 to index
        %parallel_loop3A_500 = arith.constant 128 : index
        %parallel_loop3A_501 = tpu.vector_load %arg8[%parallel_loop3A_498, %parallel_loop3A_499, %parallel_loop3A_500] {strides = array<i32>} : memref<2x128x192xf32, #tpu.memory_space<vmem>>, vector<16xf32>,
        %parallel_loop3A_502 = arith.mulf %parallel_loop3A_501, %parallel_loop3A_153 : vector<16xf32>
        %parallel_loop3A_503 = arith.addf %parallel_loop3A_494, %parallel_loop3A_502 : vector<16xf32>
        %parallel_loop3A_504 = arith.constant 96 : i32
        %parallel_loop3A_505 = arith.addi %parallel_loop3A_504, %parallel_loop3A_141 : i32
        %parallel_loop3A_506 = arith.constant 0 : i32
        %parallel_loop3A_507 = arith.index_cast %parallel_loop3A_506 : i32 to index
        %parallel_loop3A_508 = arith.index_cast %parallel_loop3A_505 : i32 to index
        %parallel_loop3A_509 = arith.constant 128 : index
        %parallel_loop3A_510 = tpu.vector_load %arg8[%parallel_loop3A_507, %parallel_loop3A_508, %parallel_loop3A_509] {strides = array<i32>} : memref<2x128x192xf32, #tpu.memory_space<vmem>>, vector<16xf32>,
        %parallel_loop3A_511 = arith.mulf %parallel_loop3A_510, %parallel_loop3A_157 : vector<16xf32>
        %parallel_loop3A_512 = arith.addf %parallel_loop3A_503, %parallel_loop3A_511 : vector<16xf32>
        %parallel_loop3A_513 = arith.constant 0 : i32
        %parallel_loop3A_514 = arith.index_cast %parallel_loop3A_513 : i32 to index
        %parallel_loop3A_515 = arith.index_cast %parallel_loop3A_141 : i32 to index
        %parallel_loop3A_516 = arith.constant 128 : index
        %parallel_loop3A_517 = tpu.vector_load %arg9[%parallel_loop3A_514, %parallel_loop3A_515, %parallel_loop3A_516] {strides = array<i32>} : memref<2x32x192xf32, #tpu.memory_space<vmem>>, vector<16xf32>,
        tpu.vector_store %arg9[%parallel_loop3A_514, %parallel_loop3A_515, %parallel_loop3A_516], %parallel_loop3A_512 {strides = array<i32>} : memref<2x32x192xf32, #tpu.memory_space<vmem>>, vector<16xf32>,
        %parallel_loop3A_518 = arith.constant 0 : i32
        %parallel_loop3A_519 = arith.addi %parallel_loop3A_518, %parallel_loop3A_141 : i32
        %parallel_loop3A_520 = arith.constant 0 : i32
        %parallel_loop3A_521 = arith.index_cast %parallel_loop3A_520 : i32 to index
        %parallel_loop3A_522 = arith.index_cast %parallel_loop3A_519 : i32 to index
        %parallel_loop3A_523 = arith.constant 144 : index
        %parallel_loop3A_524 = tpu.vector_load %arg8[%parallel_loop3A_521, %parallel_loop3A_522, %parallel_loop3A_523] {strides = array<i32>} : memref<2x128x192xf32, #tpu.memory_space<vmem>>, vector<16xf32>,
        %parallel_loop3A_525 = arith.mulf %parallel_loop3A_524, %parallel_loop3A_145 : vector<16xf32>
        %parallel_loop3A_526 = arith.constant 32 : i32
        %parallel_loop3A_527 = arith.addi %parallel_loop3A_526, %parallel_loop3A_141 : i32
        %parallel_loop3A_528 = arith.constant 0 : i32
        %parallel_loop3A_529 = arith.index_cast %parallel_loop3A_528 : i32 to index
        %parallel_loop3A_530 = arith.index_cast %parallel_loop3A_527 : i32 to index
        %parallel_loop3A_531 = arith.constant 144 : index
        %parallel_loop3A_532 = tpu.vector_load %arg8[%parallel_loop3A_529, %parallel_loop3A_530, %parallel_loop3A_531] {strides = array<i32>} : memref<2x128x192xf32, #tpu.memory_space<vmem>>, vector<16xf32>,
        %parallel_loop3A_533 = arith.mulf %parallel_loop3A_532, %parallel_loop3A_149 : vector<16xf32>
        %parallel_loop3A_534 = arith.addf %parallel_loop3A_525, %parallel_loop3A_533 : vector<16xf32>
        %parallel_loop3A_535 = arith.constant 64 : i32
        %parallel_loop3A_536 = arith.addi %parallel_loop3A_535, %parallel_loop3A_141 : i32
        %parallel_loop3A_537 = arith.constant 0 : i32
        %parallel_loop3A_538 = arith.index_cast %parallel_loop3A_537 : i32 to index
        %parallel_loop3A_539 = arith.index_cast %parallel_loop3A_536 : i32 to index
        %parallel_loop3A_540 = arith.constant 144 : index
        %parallel_loop3A_541 = tpu.vector_load %arg8[%parallel_loop3A_538, %parallel_loop3A_539, %parallel_loop3A_540] {strides = array<i32>} : memref<2x128x192xf32, #tpu.memory_space<vmem>>, vector<16xf32>,
        %parallel_loop3A_542 = arith.mulf %parallel_loop3A_541, %parallel_loop3A_153 : vector<16xf32>
        %parallel_loop3A_543 = arith.addf %parallel_loop3A_534, %parallel_loop3A_542 : vector<16xf32>
        %parallel_loop3A_544 = arith.constant 96 : i32
        %parallel_loop3A_545 = arith.addi %parallel_loop3A_544, %parallel_loop3A_141 : i32
        %parallel_loop3A_546 = arith.constant 0 : i32
        %parallel_loop3A_547 = arith.index_cast %parallel_loop3A_546 : i32 to index
        %parallel_loop3A_548 = arith.index_cast %parallel_loop3A_545 : i32 to index
        %parallel_loop3A_549 = arith.constant 144 : index
        %parallel_loop3A_550 = tpu.vector_load %arg8[%parallel_loop3A_547, %parallel_loop3A_548, %parallel_loop3A_549] {strides = array<i32>} : memref<2x128x192xf32, #tpu.memory_space<vmem>>, vector<16xf32>,
        %parallel_loop3A_551 = arith.mulf %parallel_loop3A_550, %parallel_loop3A_157 : vector<16xf32>
        %parallel_loop3A_552 = arith.addf %parallel_loop3A_543, %parallel_loop3A_551 : vector<16xf32>
        %parallel_loop3A_553 = arith.constant 0 : i32
        %parallel_loop3A_554 = arith.index_cast %parallel_loop3A_553 : i32 to index
        %parallel_loop3A_555 = arith.index_cast %parallel_loop3A_141 : i32 to index
        %parallel_loop3A_556 = arith.constant 144 : index
        %parallel_loop3A_557 = tpu.vector_load %arg9[%parallel_loop3A_554, %parallel_loop3A_555, %parallel_loop3A_556] {strides = array<i32>} : memref<2x32x192xf32, #tpu.memory_space<vmem>>, vector<16xf32>,
        tpu.vector_store %arg9[%parallel_loop3A_554, %parallel_loop3A_555, %parallel_loop3A_556], %parallel_loop3A_552 {strides = array<i32>} : memref<2x32x192xf32, #tpu.memory_space<vmem>>, vector<16xf32>,
        %parallel_loop3A_558 = arith.constant 0 : i32
        %parallel_loop3A_559 = arith.addi %parallel_loop3A_558, %parallel_loop3A_141 : i32
        %parallel_loop3A_560 = arith.constant 0 : i32
        %parallel_loop3A_561 = arith.index_cast %parallel_loop3A_560 : i32 to index
        %parallel_loop3A_562 = arith.index_cast %parallel_loop3A_559 : i32 to index
        %parallel_loop3A_563 = arith.constant 160 : index
        %parallel_loop3A_564 = tpu.vector_load %arg8[%parallel_loop3A_561, %parallel_loop3A_562, %parallel_loop3A_563] {strides = array<i32>} : memref<2x128x192xf32, #tpu.memory_space<vmem>>, vector<16xf32>,
        %parallel_loop3A_565 = arith.mulf %parallel_loop3A_564, %parallel_loop3A_145 : vector<16xf32>
        %parallel_loop3A_566 = arith.constant 32 : i32
        %parallel_loop3A_567 = arith.addi %parallel_loop3A_566, %parallel_loop3A_141 : i32
        %parallel_loop3A_568 = arith.constant 0 : i32
        %parallel_loop3A_569 = arith.index_cast %parallel_loop3A_568 : i32 to index
        %parallel_loop3A_570 = arith.index_cast %parallel_loop3A_567 : i32 to index
        %parallel_loop3A_571 = arith.constant 160 : index
        %parallel_loop3A_572 = tpu.vector_load %arg8[%parallel_loop3A_569, %parallel_loop3A_570, %parallel_loop3A_571] {strides = array<i32>} : memref<2x128x192xf32, #tpu.memory_space<vmem>>, vector<16xf32>,
        %parallel_loop3A_573 = arith.mulf %parallel_loop3A_572, %parallel_loop3A_149 : vector<16xf32>
        %parallel_loop3A_574 = arith.addf %parallel_loop3A_565, %parallel_loop3A_573 : vector<16xf32>
        %parallel_loop3A_575 = arith.constant 64 : i32
        %parallel_loop3A_576 = arith.addi %parallel_loop3A_575, %parallel_loop3A_141 : i32
        %parallel_loop3A_577 = arith.constant 0 : i32
        %parallel_loop3A_578 = arith.index_cast %parallel_loop3A_577 : i32 to index
        %parallel_loop3A_579 = arith.index_cast %parallel_loop3A_576 : i32 to index
        %parallel_loop3A_580 = arith.constant 160 : index
        %parallel_loop3A_581 = tpu.vector_load %arg8[%parallel_loop3A_578, %parallel_loop3A_579, %parallel_loop3A_580] {strides = array<i32>} : memref<2x128x192xf32, #tpu.memory_space<vmem>>, vector<16xf32>,
        %parallel_loop3A_582 = arith.mulf %parallel_loop3A_581, %parallel_loop3A_153 : vector<16xf32>
        %parallel_loop3A_583 = arith.addf %parallel_loop3A_574, %parallel_loop3A_582 : vector<16xf32>
        %parallel_loop3A_584 = arith.constant 96 : i32
        %parallel_loop3A_585 = arith.addi %parallel_loop3A_584, %parallel_loop3A_141 : i32
        %parallel_loop3A_586 = arith.constant 0 : i32
        %parallel_loop3A_587 = arith.index_cast %parallel_loop3A_586 : i32 to index
        %parallel_loop3A_588 = arith.index_cast %parallel_loop3A_585 : i32 to index
        %parallel_loop3A_589 = arith.constant 160 : index
        %parallel_loop3A_590 = tpu.vector_load %arg8[%parallel_loop3A_587, %parallel_loop3A_588, %parallel_loop3A_589] {strides = array<i32>} : memref<2x128x192xf32, #tpu.memory_space<vmem>>, vector<16xf32>,
        %parallel_loop3A_591 = arith.mulf %parallel_loop3A_590, %parallel_loop3A_157 : vector<16xf32>
        %parallel_loop3A_592 = arith.addf %parallel_loop3A_583, %parallel_loop3A_591 : vector<16xf32>
        %parallel_loop3A_593 = arith.constant 0 : i32
        %parallel_loop3A_594 = arith.index_cast %parallel_loop3A_593 : i32 to index
        %parallel_loop3A_595 = arith.index_cast %parallel_loop3A_141 : i32 to index
        %parallel_loop3A_596 = arith.constant 160 : index
        %parallel_loop3A_597 = tpu.vector_load %arg9[%parallel_loop3A_594, %parallel_loop3A_595, %parallel_loop3A_596] {strides = array<i32>} : memref<2x32x192xf32, #tpu.memory_space<vmem>>, vector<16xf32>,
        tpu.vector_store %arg9[%parallel_loop3A_594, %parallel_loop3A_595, %parallel_loop3A_596], %parallel_loop3A_592 {strides = array<i32>} : memref<2x32x192xf32, #tpu.memory_space<vmem>>, vector<16xf32>,
        %parallel_loop3A_598 = arith.constant 0 : i32
        %parallel_loop3A_599 = arith.addi %parallel_loop3A_598, %parallel_loop3A_141 : i32
        %parallel_loop3A_600 = arith.constant 0 : i32
        %parallel_loop3A_601 = arith.index_cast %parallel_loop3A_600 : i32 to index
        %parallel_loop3A_602 = arith.index_cast %parallel_loop3A_599 : i32 to index
        %parallel_loop3A_603 = arith.constant 176 : index
        %parallel_loop3A_604 = tpu.vector_load %arg8[%parallel_loop3A_601, %parallel_loop3A_602, %parallel_loop3A_603] {strides = array<i32>} : memref<2x128x192xf32, #tpu.memory_space<vmem>>, vector<16xf32>,
        %parallel_loop3A_605 = arith.mulf %parallel_loop3A_604, %parallel_loop3A_145 : vector<16xf32>
        %parallel_loop3A_606 = arith.constant 32 : i32
        %parallel_loop3A_607 = arith.addi %parallel_loop3A_606, %parallel_loop3A_141 : i32
        %parallel_loop3A_608 = arith.constant 0 : i32
        %parallel_loop3A_609 = arith.index_cast %parallel_loop3A_608 : i32 to index
        %parallel_loop3A_610 = arith.index_cast %parallel_loop3A_607 : i32 to index
        %parallel_loop3A_611 = arith.constant 176 : index
        %parallel_loop3A_612 = tpu.vector_load %arg8[%parallel_loop3A_609, %parallel_loop3A_610, %parallel_loop3A_611] {strides = array<i32>} : memref<2x128x192xf32, #tpu.memory_space<vmem>>, vector<16xf32>,
        %parallel_loop3A_613 = arith.mulf %parallel_loop3A_612, %parallel_loop3A_149 : vector<16xf32>
        %parallel_loop3A_614 = arith.addf %parallel_loop3A_605, %parallel_loop3A_613 : vector<16xf32>
        %parallel_loop3A_615 = arith.constant 64 : i32
        %parallel_loop3A_616 = arith.addi %parallel_loop3A_615, %parallel_loop3A_141 : i32
        %parallel_loop3A_617 = arith.constant 0 : i32
        %parallel_loop3A_618 = arith.index_cast %parallel_loop3A_617 : i32 to index
        %parallel_loop3A_619 = arith.index_cast %parallel_loop3A_616 : i32 to index
        %parallel_loop3A_620 = arith.constant 176 : index
        %parallel_loop3A_621 = tpu.vector_load %arg8[%parallel_loop3A_618, %parallel_loop3A_619, %parallel_loop3A_620] {strides = array<i32>} : memref<2x128x192xf32, #tpu.memory_space<vmem>>, vector<16xf32>,
        %parallel_loop3A_622 = arith.mulf %parallel_loop3A_621, %parallel_loop3A_153 : vector<16xf32>
        %parallel_loop3A_623 = arith.addf %parallel_loop3A_614, %parallel_loop3A_622 : vector<16xf32>
        %parallel_loop3A_624 = arith.constant 96 : i32
        %parallel_loop3A_625 = arith.addi %parallel_loop3A_624, %parallel_loop3A_141 : i32
        %parallel_loop3A_626 = arith.constant 0 : i32
        %parallel_loop3A_627 = arith.index_cast %parallel_loop3A_626 : i32 to index
        %parallel_loop3A_628 = arith.index_cast %parallel_loop3A_625 : i32 to index
        %parallel_loop3A_629 = arith.constant 176 : index
        %parallel_loop3A_630 = tpu.vector_load %arg8[%parallel_loop3A_627, %parallel_loop3A_628, %parallel_loop3A_629] {strides = array<i32>} : memref<2x128x192xf32, #tpu.memory_space<vmem>>, vector<16xf32>,
        %parallel_loop3A_631 = arith.mulf %parallel_loop3A_630, %parallel_loop3A_157 : vector<16xf32>
        %parallel_loop3A_632 = arith.addf %parallel_loop3A_623, %parallel_loop3A_631 : vector<16xf32>
        %parallel_loop3A_633 = arith.constant 0 : i32
        %parallel_loop3A_634 = arith.index_cast %parallel_loop3A_633 : i32 to index
        %parallel_loop3A_635 = arith.index_cast %parallel_loop3A_141 : i32 to index
        %parallel_loop3A_636 = arith.constant 176 : index
        %parallel_loop3A_637 = tpu.vector_load %arg9[%parallel_loop3A_634, %parallel_loop3A_635, %parallel_loop3A_636] {strides = array<i32>} : memref<2x32x192xf32, #tpu.memory_space<vmem>>, vector<16xf32>,
        tpu.vector_store %arg9[%parallel_loop3A_634, %parallel_loop3A_635, %parallel_loop3A_636], %parallel_loop3A_632 {strides = array<i32>} : memref<2x32x192xf32, #tpu.memory_space<vmem>>, vector<16xf32>,
      } {sc.loop_unroll_factor = 2 : i64, sc.parallel_access}
      %mul3A_77 = arith.constant 32 : i32
      %mul3A_78 = arith.muli %mul3A_54, %mul3A_77 : i32
      %add3A_79 = arith.addi %mul3A_2, %mul3A_78 : i32
      %dma_start3A_80 = arith.constant 0 : i32
      %dma_start3A_81 = arith.constant 0 : i32
      %dma_start3A_82 = arith.constant 0 : i32
      %dma_start3A_83 = tpu.memref_slice %arg9[%dma_start3A_80, %dma_start3A_81, %dma_start3A_82] : memref<2x32x192xf32, #tpu.memory_space<vmem>> -> memref<1x32x192xf32, #tpu.memory_space<vmem>>
      %dma_start3A_84 = tpu.memref_squeeze %dma_start3A_83 : memref<1x32x192xf32, #tpu.memory_space<vmem>> -> memref<32x192xf32, #tpu.memory_space<vmem>>
      %dma_start3A_85 = arith.constant 0 : i32
      %dma_start3A_86 = tpu.memref_slice %arg5[%add3A_79, %dma_start3A_85] : memref<147456x192xf32, #tpu.memory_space<hbm>> -> memref<32x192xf32, #tpu.memory_space<hbm>>
      %dma_start3A_87 = arith.constant 0 : i32
      %dma_start3A_88 = tpu.memref_slice %arg5[%add3A_79, %dma_start3A_87] : memref<147456x192xf32, #tpu.memory_space<hbm>> -> memref<32x192xf32, #tpu.memory_space<hbm>>
      %dma_start3A_89 = arith.constant 0 : i32
      %dma_start3A_90 = arith.constant 0 : i32
      %dma_start3A_91 = tpu.memref_slice %arg9[%dma_start3A_80, %dma_start3A_89, %dma_start3A_90] : memref<2x32x192xf32, #tpu.memory_space<vmem>> -> memref<1x32x192xf32, #tpu.memory_space<vmem>>
      %dma_start3A_92 = tpu.memref_squeeze %dma_start3A_91 : memref<1x32x192xf32, #tpu.memory_space<vmem>> -> memref<32x192xf32, #tpu.memory_space<vmem>>
      tpu.enqueue_dma source(%dma_start3A_92 : memref<32x192xf32, #tpu.memory_space<vmem>>) target(%dma_start3A_88 : memref<32x192xf32, #tpu.memory_space<hbm>>) target_semaphore(%arg11 : memref<!tpu.dma_semaphore, #tpu.memory_space<semaphore_mem>>)
      %mul3A_93 = arith.constant 2 : i32
      %mul3A_94 = arith.muli %mul3A_93, %scan3A_52 : i32
      %add3A_95 = arith.constant 1 : i32
      %add3A_96 = arith.addi %mul3A_94, %add3A_95 : i32
      %add3A_97 = arith.constant 1 : i32
      %add3A_98 = arith.addi %add3A_96, %add3A_97 : i32
      %lt3A_99 = arith.constant 144 : i32
      %lt3A_100 = arith.cmpi slt, %add3A_98, %lt3A_99 : i32
      %convert_element_type3A_101 = arith.extui %lt3A_100 : i1 to i32
      %cond3A_102 = arith.constant 0 : i32
      %cond3A_103 = arith.cmpi ne, %convert_element_type3A_101, %cond3A_102 : i32
      scf.if %cond3A_103 {
        %add3A_141 = arith.constant 1 : i32
        %add3A_142 = arith.addi %add3A_96, %add3A_141 : i32
        %dma_start3A_143 = arith.constant 0 : i32
        %dma_start3A_144 = arith.constant 0 : i32
        %dma_start3A_145 = arith.constant 0 : i32
        %dma_start3A_146 = tpu.memref_slice %arg8[%dma_start3A_143, %dma_start3A_144, %dma_start3A_145] : memref<2x128x192xf32, #tpu.memory_space<vmem>> -> memref<1x128x192xf32, #tpu.memory_space<vmem>>
        %dma_start3A_147 = tpu.memref_squeeze %dma_start3A_146 : memref<1x128x192xf32, #tpu.memory_space<vmem>> -> memref<128x192xf32, #tpu.memory_space<vmem>>
        %dma_start3A_148 = arith.constant 0 : i32
        %dma_start3A_149 = tpu.memref_slice %arg6[%add3A_142, %dma_start3A_148] : memref<144x128xi32, #tpu.memory_space<vmem>> -> memref<1x128xi32, #tpu.memory_space<vmem>>
        %dma_start3A_150 = tpu.memref_squeeze %dma_start3A_149 : memref<1x128xi32, #tpu.memory_space<vmem>> -> memref<128xi32, #tpu.memory_space<vmem>>
        %dma_start3A_151 = arith.constant 0 : i32
        %dma_start3A_152 = arith.constant 0 : i32
        %dma_start3A_153 = tpu.memref_slice %arg2[%dma_start3A_151, %dma_start3A_152] : memref<147456x192xf32, #tpu.memory_space<hbm>> -> memref<147456x192xf32, #tpu.memory_space<hbm>>
        tpu.enqueue_indirect_dma source(%dma_start3A_153 : memref<147456x192xf32, #tpu.memory_space<hbm>>) target(%dma_start3A_147 : memref<128x192xf32, #tpu.memory_space<vmem>>) offsets(%dma_start3A_150 : memref<128xi32, #tpu.memory_space<vmem>>) semaphore(%arg10 : memref<!tpu.dma_semaphore, #tpu.memory_space<semaphore_mem>>)
      } else {
      }
      %dma_wait3A_104 = arith.constant 0 : i32
      %dma_wait3A_105 = arith.constant 1 : i32
      %dma_wait3A_106 = arith.constant 0 : i32
      %dma_wait3A_107 = arith.constant 0 : i32
      %dma_wait3A_108 = tpu.memref_slice %arg8[%dma_wait3A_105, %dma_wait3A_106, %dma_wait3A_107] : memref<2x128x192xf32, #tpu.memory_space<vmem>> -> memref<1x128x192xf32, #tpu.memory_space<vmem>>
      %dma_wait3A_109 = tpu.memref_squeeze %dma_wait3A_108 : memref<1x128x192xf32, #tpu.memory_space<vmem>> -> memref<128x192xf32, #tpu.memory_space<vmem>>
      %dma_wait3A_110 = arith.constant 0 : i32
      %dma_wait3A_111 = tpu.memref_slice %arg6[%dma_wait3A_104, %dma_wait3A_110] : memref<144x128xi32, #tpu.memory_space<vmem>> -> memref<1x128xi32, #tpu.memory_space<vmem>>
      %dma_wait3A_112 = tpu.memref_squeeze %dma_wait3A_111 : memref<1x128xi32, #tpu.memory_space<vmem>> -> memref<128xi32, #tpu.memory_space<vmem>>
      %dma_wait3A_113 = arith.constant 0 : i32
      %dma_wait3A_114 = arith.constant 0 : i32
      %dma_wait3A_115 = tpu.memref_slice %arg2[%dma_wait3A_113, %dma_wait3A_114] : memref<147456x192xf32, #tpu.memory_space<hbm>> -> memref<147456x192xf32, #tpu.memory_space<hbm>>
      tpu.wait_indirect_dma semaphore(%arg10 : memref<!tpu.dma_semaphore, #tpu.memory_space<semaphore_mem>>) src(%dma_wait3A_115 : memref<147456x192xf32, #tpu.memory_space<hbm>>) dst(%dma_wait3A_109 : memref<128x192xf32, #tpu.memory_space<vmem>>)
      %ge3A_116 = arith.constant 2 : i32
      %ge3A_117 = arith.cmpi sge, %add3A_96, %ge3A_116 : i32
      %convert_element_type3A_118 = arith.extui %ge3A_117 : i1 to i32
      %cond3A_119 = arith.constant 0 : i32
      %cond3A_120 = arith.cmpi ne, %convert_element_type3A_118, %cond3A_119 : i32
      scf.if %cond3A_120 {
        %dma_wait3A_141 = arith.constant 0 : i32
        %dma_wait3A_142 = arith.constant 0 : i32
        %dma_wait3A_143 = arith.constant 0 : i32
        %dma_wait3A_144 = tpu.memref_slice %arg9[%dma_wait3A_141, %dma_wait3A_142, %dma_wait3A_143] : memref<2x32x192xf32, #tpu.memory_space<vmem>> -> memref<1x32x192xf32, #tpu.memory_space<vmem>>
        %dma_wait3A_145 = tpu.memref_squeeze %dma_wait3A_144 : memref<1x32x192xf32, #tpu.memory_space<vmem>> -> memref<32x192xf32, #tpu.memory_space<vmem>>
        %dma_wait3A_146 = arith.constant 0 : i32
        %dma_wait3A_147 = arith.constant 0 : i32
        %dma_wait3A_148 = tpu.memref_slice %arg5[%dma_wait3A_146, %dma_wait3A_147] : memref<147456x192xf32, #tpu.memory_space<hbm>> -> memref<32x192xf32, #tpu.memory_space<hbm>>
        %dma_wait3A_149 = arith.constant 0 : i32
        %dma_wait3A_150 = arith.constant 0 : i32
        %dma_wait3A_151 = tpu.memref_slice %arg5[%dma_wait3A_149, %dma_wait3A_150] : memref<147456x192xf32, #tpu.memory_space<hbm>> -> memref<32x192xf32, #tpu.memory_space<hbm>>
        %dma_wait3A_152 = arith.constant 0 : i32
        %dma_wait3A_153 = arith.constant 0 : i32
        %dma_wait3A_154 = tpu.memref_slice %arg9[%dma_wait3A_141, %dma_wait3A_152, %dma_wait3A_153] : memref<2x32x192xf32, #tpu.memory_space<vmem>> -> memref<1x32x192xf32, #tpu.memory_space<vmem>>
        %dma_wait3A_155 = tpu.memref_squeeze %dma_wait3A_154 : memref<1x32x192xf32, #tpu.memory_space<vmem>> -> memref<32x192xf32, #tpu.memory_space<vmem>>
        tpu.wait_dma2 semaphore(%arg11 : memref<!tpu.dma_semaphore, #tpu.memory_space<semaphore_mem>>) src(%dma_wait3A_155 : memref<32x192xf32, #tpu.memory_space<vmem>>) dst(%dma_wait3A_151 : memref<32x192xf32, #tpu.memory_space<hbm>>)
      } else {
      }
      %broadcast_in_dim3A_121 = vector.broadcast %add3A_96 : i32 to vector<16xi32>
      %parallel_loop3A_122 = arith.constant 0 : i32
      %parallel_loop3A_123 = arith.constant 32 : i32
      %parallel_loop3A_124 = arith.constant 1 : i32
      scf.for %parallel_loop3A_141 = %parallel_loop3A_122 to %parallel_loop3A_123 step %parallel_loop3A_124  : i32 {
        %parallel_loop3A_142 = arith.constant 0 : i32
        %parallel_loop3A_143 = arith.addi %parallel_loop3A_142, %parallel_loop3A_141 : i32
        %parallel_loop3A_144 = vector.broadcast %parallel_loop3A_143 : i32 to vector<16xi32>
        %parallel_loop3A_145 = tpu.vector_load_idx %arg7[%broadcast_in_dim3A_121, %parallel_loop3A_144] : memref<144x128xf32, #tpu.memory_space<vmem>>[vector<16xi32>, vector<16xi32>], vector<16xf32>,
        %parallel_loop3A_146 = arith.constant 32 : i32
        %parallel_loop3A_147 = arith.addi %parallel_loop3A_146, %parallel_loop3A_141 : i32
        %parallel_loop3A_148 = vector.broadcast %parallel_loop3A_147 : i32 to vector<16xi32>
        %parallel_loop3A_149 = tpu.vector_load_idx %arg7[%broadcast_in_dim3A_121, %parallel_loop3A_148] : memref<144x128xf32, #tpu.memory_space<vmem>>[vector<16xi32>, vector<16xi32>], vector<16xf32>,
        %parallel_loop3A_150 = arith.constant 64 : i32
        %parallel_loop3A_151 = arith.addi %parallel_loop3A_150, %parallel_loop3A_141 : i32
        %parallel_loop3A_152 = vector.broadcast %parallel_loop3A_151 : i32 to vector<16xi32>
        %parallel_loop3A_153 = tpu.vector_load_idx %arg7[%broadcast_in_dim3A_121, %parallel_loop3A_152] : memref<144x128xf32, #tpu.memory_space<vmem>>[vector<16xi32>, vector<16xi32>], vector<16xf32>,
        %parallel_loop3A_154 = arith.constant 96 : i32
        %parallel_loop3A_155 = arith.addi %parallel_loop3A_154, %parallel_loop3A_141 : i32
        %parallel_loop3A_156 = vector.broadcast %parallel_loop3A_155 : i32 to vector<16xi32>
        %parallel_loop3A_157 = tpu.vector_load_idx %arg7[%broadcast_in_dim3A_121, %parallel_loop3A_156] : memref<144x128xf32, #tpu.memory_space<vmem>>[vector<16xi32>, vector<16xi32>], vector<16xf32>,
        %parallel_loop3A_158 = arith.constant 0 : i32
        %parallel_loop3A_159 = arith.addi %parallel_loop3A_158, %parallel_loop3A_141 : i32
        %parallel_loop3A_160 = arith.constant 1 : i32
        %parallel_loop3A_161 = arith.index_cast %parallel_loop3A_160 : i32 to index
        %parallel_loop3A_162 = arith.index_cast %parallel_loop3A_159 : i32 to index
        %parallel_loop3A_163 = arith.constant 0 : index
        %parallel_loop3A_164 = tpu.vector_load %arg8[%parallel_loop3A_161, %parallel_loop3A_162, %parallel_loop3A_163] {strides = array<i32>} : memref<2x128x192xf32, #tpu.memory_space<vmem>>, vector<16xf32>,
        %parallel_loop3A_165 = arith.mulf %parallel_loop3A_164, %parallel_loop3A_145 : vector<16xf32>
        %parallel_loop3A_166 = arith.constant 32 : i32
        %parallel_loop3A_167 = arith.addi %parallel_loop3A_166, %parallel_loop3A_141 : i32
        %parallel_loop3A_168 = arith.constant 1 : i32
        %parallel_loop3A_169 = arith.index_cast %parallel_loop3A_168 : i32 to index
        %parallel_loop3A_170 = arith.index_cast %parallel_loop3A_167 : i32 to index
        %parallel_loop3A_171 = arith.constant 0 : index
        %parallel_loop3A_172 = tpu.vector_load %arg8[%parallel_loop3A_169, %parallel_loop3A_170, %parallel_loop3A_171] {strides = array<i32>} : memref<2x128x192xf32, #tpu.memory_space<vmem>>, vector<16xf32>,
        %parallel_loop3A_173 = arith.mulf %parallel_loop3A_172, %parallel_loop3A_149 : vector<16xf32>
        %parallel_loop3A_174 = arith.addf %parallel_loop3A_165, %parallel_loop3A_173 : vector<16xf32>
        %parallel_loop3A_175 = arith.constant 64 : i32
        %parallel_loop3A_176 = arith.addi %parallel_loop3A_175, %parallel_loop3A_141 : i32
        %parallel_loop3A_177 = arith.constant 1 : i32
        %parallel_loop3A_178 = arith.index_cast %parallel_loop3A_177 : i32 to index
        %parallel_loop3A_179 = arith.index_cast %parallel_loop3A_176 : i32 to index
        %parallel_loop3A_180 = arith.constant 0 : index
        %parallel_loop3A_181 = tpu.vector_load %arg8[%parallel_loop3A_178, %parallel_loop3A_179, %parallel_loop3A_180] {strides = array<i32>} : memref<2x128x192xf32, #tpu.memory_space<vmem>>, vector<16xf32>,
        %parallel_loop3A_182 = arith.mulf %parallel_loop3A_181, %parallel_loop3A_153 : vector<16xf32>
        %parallel_loop3A_183 = arith.addf %parallel_loop3A_174, %parallel_loop3A_182 : vector<16xf32>
        %parallel_loop3A_184 = arith.constant 96 : i32
        %parallel_loop3A_185 = arith.addi %parallel_loop3A_184, %parallel_loop3A_141 : i32
        %parallel_loop3A_186 = arith.constant 1 : i32
        %parallel_loop3A_187 = arith.index_cast %parallel_loop3A_186 : i32 to index
        %parallel_loop3A_188 = arith.index_cast %parallel_loop3A_185 : i32 to index
        %parallel_loop3A_189 = arith.constant 0 : index
        %parallel_loop3A_190 = tpu.vector_load %arg8[%parallel_loop3A_187, %parallel_loop3A_188, %parallel_loop3A_189] {strides = array<i32>} : memref<2x128x192xf32, #tpu.memory_space<vmem>>, vector<16xf32>,
        %parallel_loop3A_191 = arith.mulf %parallel_loop3A_190, %parallel_loop3A_157 : vector<16xf32>
        %parallel_loop3A_192 = arith.addf %parallel_loop3A_183, %parallel_loop3A_191 : vector<16xf32>
        %parallel_loop3A_193 = arith.constant 1 : i32
        %parallel_loop3A_194 = arith.index_cast %parallel_loop3A_193 : i32 to index
        %parallel_loop3A_195 = arith.index_cast %parallel_loop3A_141 : i32 to index
        %parallel_loop3A_196 = arith.constant 0 : index
        %parallel_loop3A_197 = tpu.vector_load %arg9[%parallel_loop3A_194, %parallel_loop3A_195, %parallel_loop3A_196] {strides = array<i32>} : memref<2x32x192xf32, #tpu.memory_space<vmem>>, vector<16xf32>,
        tpu.vector_store %arg9[%parallel_loop3A_194, %parallel_loop3A_195, %parallel_loop3A_196], %parallel_loop3A_192 {strides = array<i32>} : memref<2x32x192xf32, #tpu.memory_space<vmem>>, vector<16xf32>,
        %parallel_loop3A_198 = arith.constant 0 : i32
        %parallel_loop3A_199 = arith.addi %parallel_loop3A_198, %parallel_loop3A_141 : i32
        %parallel_loop3A_200 = arith.constant 1 : i32
        %parallel_loop3A_201 = arith.index_cast %parallel_loop3A_200 : i32 to index
        %parallel_loop3A_202 = arith.index_cast %parallel_loop3A_199 : i32 to index
        %parallel_loop3A_203 = arith.constant 16 : index
        %parallel_loop3A_204 = tpu.vector_load %arg8[%parallel_loop3A_201, %parallel_loop3A_202, %parallel_loop3A_203] {strides = array<i32>} : memref<2x128x192xf32, #tpu.memory_space<vmem>>, vector<16xf32>,
        %parallel_loop3A_205 = arith.mulf %parallel_loop3A_204, %parallel_loop3A_145 : vector<16xf32>
        %parallel_loop3A_206 = arith.constant 32 : i32
        %parallel_loop3A_207 = arith.addi %parallel_loop3A_206, %parallel_loop3A_141 : i32
        %parallel_loop3A_208 = arith.constant 1 : i32
        %parallel_loop3A_209 = arith.index_cast %parallel_loop3A_208 : i32 to index
        %parallel_loop3A_210 = arith.index_cast %parallel_loop3A_207 : i32 to index
        %parallel_loop3A_211 = arith.constant 16 : index
        %parallel_loop3A_212 = tpu.vector_load %arg8[%parallel_loop3A_209, %parallel_loop3A_210, %parallel_loop3A_211] {strides = array<i32>} : memref<2x128x192xf32, #tpu.memory_space<vmem>>, vector<16xf32>,
        %parallel_loop3A_213 = arith.mulf %parallel_loop3A_212, %parallel_loop3A_149 : vector<16xf32>
        %parallel_loop3A_214 = arith.addf %parallel_loop3A_205, %parallel_loop3A_213 : vector<16xf32>
        %parallel_loop3A_215 = arith.constant 64 : i32
        %parallel_loop3A_216 = arith.addi %parallel_loop3A_215, %parallel_loop3A_141 : i32
        %parallel_loop3A_217 = arith.constant 1 : i32
        %parallel_loop3A_218 = arith.index_cast %parallel_loop3A_217 : i32 to index
        %parallel_loop3A_219 = arith.index_cast %parallel_loop3A_216 : i32 to index
        %parallel_loop3A_220 = arith.constant 16 : index
        %parallel_loop3A_221 = tpu.vector_load %arg8[%parallel_loop3A_218, %parallel_loop3A_219, %parallel_loop3A_220] {strides = array<i32>} : memref<2x128x192xf32, #tpu.memory_space<vmem>>, vector<16xf32>,
        %parallel_loop3A_222 = arith.mulf %parallel_loop3A_221, %parallel_loop3A_153 : vector<16xf32>
        %parallel_loop3A_223 = arith.addf %parallel_loop3A_214, %parallel_loop3A_222 : vector<16xf32>
        %parallel_loop3A_224 = arith.constant 96 : i32
        %parallel_loop3A_225 = arith.addi %parallel_loop3A_224, %parallel_loop3A_141 : i32
        %parallel_loop3A_226 = arith.constant 1 : i32
        %parallel_loop3A_227 = arith.index_cast %parallel_loop3A_226 : i32 to index
        %parallel_loop3A_228 = arith.index_cast %parallel_loop3A_225 : i32 to index
        %parallel_loop3A_229 = arith.constant 16 : index
        %parallel_loop3A_230 = tpu.vector_load %arg8[%parallel_loop3A_227, %parallel_loop3A_228, %parallel_loop3A_229] {strides = array<i32>} : memref<2x128x192xf32, #tpu.memory_space<vmem>>, vector<16xf32>,
        %parallel_loop3A_231 = arith.mulf %parallel_loop3A_230, %parallel_loop3A_157 : vector<16xf32>
        %parallel_loop3A_232 = arith.addf %parallel_loop3A_223, %parallel_loop3A_231 : vector<16xf32>
        %parallel_loop3A_233 = arith.constant 1 : i32
        %parallel_loop3A_234 = arith.index_cast %parallel_loop3A_233 : i32 to index
        %parallel_loop3A_235 = arith.index_cast %parallel_loop3A_141 : i32 to index
        %parallel_loop3A_236 = arith.constant 16 : index
        %parallel_loop3A_237 = tpu.vector_load %arg9[%parallel_loop3A_234, %parallel_loop3A_235, %parallel_loop3A_236] {strides = array<i32>} : memref<2x32x192xf32, #tpu.memory_space<vmem>>, vector<16xf32>,
        tpu.vector_store %arg9[%parallel_loop3A_234, %parallel_loop3A_235, %parallel_loop3A_236], %parallel_loop3A_232 {strides = array<i32>} : memref<2x32x192xf32, #tpu.memory_space<vmem>>, vector<16xf32>,
        %parallel_loop3A_238 = arith.constant 0 : i32
        %parallel_loop3A_239 = arith.addi %parallel_loop3A_238, %parallel_loop3A_141 : i32
        %parallel_loop3A_240 = arith.constant 1 : i32
        %parallel_loop3A_241 = arith.index_cast %parallel_loop3A_240 : i32 to index
        %parallel_loop3A_242 = arith.index_cast %parallel_loop3A_239 : i32 to index
        %parallel_loop3A_243 = arith.constant 32 : index
        %parallel_loop3A_244 = tpu.vector_load %arg8[%parallel_loop3A_241, %parallel_loop3A_242, %parallel_loop3A_243] {strides = array<i32>} : memref<2x128x192xf32, #tpu.memory_space<vmem>>, vector<16xf32>,
        %parallel_loop3A_245 = arith.mulf %parallel_loop3A_244, %parallel_loop3A_145 : vector<16xf32>
        %parallel_loop3A_246 = arith.constant 32 : i32
        %parallel_loop3A_247 = arith.addi %parallel_loop3A_246, %parallel_loop3A_141 : i32
        %parallel_loop3A_248 = arith.constant 1 : i32
        %parallel_loop3A_249 = arith.index_cast %parallel_loop3A_248 : i32 to index
        %parallel_loop3A_250 = arith.index_cast %parallel_loop3A_247 : i32 to index
        %parallel_loop3A_251 = arith.constant 32 : index
        %parallel_loop3A_252 = tpu.vector_load %arg8[%parallel_loop3A_249, %parallel_loop3A_250, %parallel_loop3A_251] {strides = array<i32>} : memref<2x128x192xf32, #tpu.memory_space<vmem>>, vector<16xf32>,
        %parallel_loop3A_253 = arith.mulf %parallel_loop3A_252, %parallel_loop3A_149 : vector<16xf32>
        %parallel_loop3A_254 = arith.addf %parallel_loop3A_245, %parallel_loop3A_253 : vector<16xf32>
        %parallel_loop3A_255 = arith.constant 64 : i32
        %parallel_loop3A_256 = arith.addi %parallel_loop3A_255, %parallel_loop3A_141 : i32
        %parallel_loop3A_257 = arith.constant 1 : i32
        %parallel_loop3A_258 = arith.index_cast %parallel_loop3A_257 : i32 to index
        %parallel_loop3A_259 = arith.index_cast %parallel_loop3A_256 : i32 to index
        %parallel_loop3A_260 = arith.constant 32 : index
        %parallel_loop3A_261 = tpu.vector_load %arg8[%parallel_loop3A_258, %parallel_loop3A_259, %parallel_loop3A_260] {strides = array<i32>} : memref<2x128x192xf32, #tpu.memory_space<vmem>>, vector<16xf32>,
        %parallel_loop3A_262 = arith.mulf %parallel_loop3A_261, %parallel_loop3A_153 : vector<16xf32>
        %parallel_loop3A_263 = arith.addf %parallel_loop3A_254, %parallel_loop3A_262 : vector<16xf32>
        %parallel_loop3A_264 = arith.constant 96 : i32
        %parallel_loop3A_265 = arith.addi %parallel_loop3A_264, %parallel_loop3A_141 : i32
        %parallel_loop3A_266 = arith.constant 1 : i32
        %parallel_loop3A_267 = arith.index_cast %parallel_loop3A_266 : i32 to index
        %parallel_loop3A_268 = arith.index_cast %parallel_loop3A_265 : i32 to index
        %parallel_loop3A_269 = arith.constant 32 : index
        %parallel_loop3A_270 = tpu.vector_load %arg8[%parallel_loop3A_267, %parallel_loop3A_268, %parallel_loop3A_269] {strides = array<i32>} : memref<2x128x192xf32, #tpu.memory_space<vmem>>, vector<16xf32>,
        %parallel_loop3A_271 = arith.mulf %parallel_loop3A_270, %parallel_loop3A_157 : vector<16xf32>
        %parallel_loop3A_272 = arith.addf %parallel_loop3A_263, %parallel_loop3A_271 : vector<16xf32>
        %parallel_loop3A_273 = arith.constant 1 : i32
        %parallel_loop3A_274 = arith.index_cast %parallel_loop3A_273 : i32 to index
        %parallel_loop3A_275 = arith.index_cast %parallel_loop3A_141 : i32 to index
        %parallel_loop3A_276 = arith.constant 32 : index
        %parallel_loop3A_277 = tpu.vector_load %arg9[%parallel_loop3A_274, %parallel_loop3A_275, %parallel_loop3A_276] {strides = array<i32>} : memref<2x32x192xf32, #tpu.memory_space<vmem>>, vector<16xf32>,
        tpu.vector_store %arg9[%parallel_loop3A_274, %parallel_loop3A_275, %parallel_loop3A_276], %parallel_loop3A_272 {strides = array<i32>} : memref<2x32x192xf32, #tpu.memory_space<vmem>>, vector<16xf32>,
        %parallel_loop3A_278 = arith.constant 0 : i32
        %parallel_loop3A_279 = arith.addi %parallel_loop3A_278, %parallel_loop3A_141 : i32
        %parallel_loop3A_280 = arith.constant 1 : i32
        %parallel_loop3A_281 = arith.index_cast %parallel_loop3A_280 : i32 to index
        %parallel_loop3A_282 = arith.index_cast %parallel_loop3A_279 : i32 to index
        %parallel_loop3A_283 = arith.constant 48 : index
        %parallel_loop3A_284 = tpu.vector_load %arg8[%parallel_loop3A_281, %parallel_loop3A_282, %parallel_loop3A_283] {strides = array<i32>} : memref<2x128x192xf32, #tpu.memory_space<vmem>>, vector<16xf32>,
        %parallel_loop3A_285 = arith.mulf %parallel_loop3A_284, %parallel_loop3A_145 : vector<16xf32>
        %parallel_loop3A_286 = arith.constant 32 : i32
        %parallel_loop3A_287 = arith.addi %parallel_loop3A_286, %parallel_loop3A_141 : i32
        %parallel_loop3A_288 = arith.constant 1 : i32
        %parallel_loop3A_289 = arith.index_cast %parallel_loop3A_288 : i32 to index
        %parallel_loop3A_290 = arith.index_cast %parallel_loop3A_287 : i32 to index
        %parallel_loop3A_291 = arith.constant 48 : index
        %parallel_loop3A_292 = tpu.vector_load %arg8[%parallel_loop3A_289, %parallel_loop3A_290, %parallel_loop3A_291] {strides = array<i32>} : memref<2x128x192xf32, #tpu.memory_space<vmem>>, vector<16xf32>,
        %parallel_loop3A_293 = arith.mulf %parallel_loop3A_292, %parallel_loop3A_149 : vector<16xf32>
        %parallel_loop3A_294 = arith.addf %parallel_loop3A_285, %parallel_loop3A_293 : vector<16xf32>
        %parallel_loop3A_295 = arith.constant 64 : i32
        %parallel_loop3A_296 = arith.addi %parallel_loop3A_295, %parallel_loop3A_141 : i32
        %parallel_loop3A_297 = arith.constant 1 : i32
        %parallel_loop3A_298 = arith.index_cast %parallel_loop3A_297 : i32 to index
        %parallel_loop3A_299 = arith.index_cast %parallel_loop3A_296 : i32 to index
        %parallel_loop3A_300 = arith.constant 48 : index
        %parallel_loop3A_301 = tpu.vector_load %arg8[%parallel_loop3A_298, %parallel_loop3A_299, %parallel_loop3A_300] {strides = array<i32>} : memref<2x128x192xf32, #tpu.memory_space<vmem>>, vector<16xf32>,
        %parallel_loop3A_302 = arith.mulf %parallel_loop3A_301, %parallel_loop3A_153 : vector<16xf32>
        %parallel_loop3A_303 = arith.addf %parallel_loop3A_294, %parallel_loop3A_302 : vector<16xf32>
        %parallel_loop3A_304 = arith.constant 96 : i32
        %parallel_loop3A_305 = arith.addi %parallel_loop3A_304, %parallel_loop3A_141 : i32
        %parallel_loop3A_306 = arith.constant 1 : i32
        %parallel_loop3A_307 = arith.index_cast %parallel_loop3A_306 : i32 to index
        %parallel_loop3A_308 = arith.index_cast %parallel_loop3A_305 : i32 to index
        %parallel_loop3A_309 = arith.constant 48 : index
        %parallel_loop3A_310 = tpu.vector_load %arg8[%parallel_loop3A_307, %parallel_loop3A_308, %parallel_loop3A_309] {strides = array<i32>} : memref<2x128x192xf32, #tpu.memory_space<vmem>>, vector<16xf32>,
        %parallel_loop3A_311 = arith.mulf %parallel_loop3A_310, %parallel_loop3A_157 : vector<16xf32>
        %parallel_loop3A_312 = arith.addf %parallel_loop3A_303, %parallel_loop3A_311 : vector<16xf32>
        %parallel_loop3A_313 = arith.constant 1 : i32
        %parallel_loop3A_314 = arith.index_cast %parallel_loop3A_313 : i32 to index
        %parallel_loop3A_315 = arith.index_cast %parallel_loop3A_141 : i32 to index
        %parallel_loop3A_316 = arith.constant 48 : index
        %parallel_loop3A_317 = tpu.vector_load %arg9[%parallel_loop3A_314, %parallel_loop3A_315, %parallel_loop3A_316] {strides = array<i32>} : memref<2x32x192xf32, #tpu.memory_space<vmem>>, vector<16xf32>,
        tpu.vector_store %arg9[%parallel_loop3A_314, %parallel_loop3A_315, %parallel_loop3A_316], %parallel_loop3A_312 {strides = array<i32>} : memref<2x32x192xf32, #tpu.memory_space<vmem>>, vector<16xf32>,
        %parallel_loop3A_318 = arith.constant 0 : i32
        %parallel_loop3A_319 = arith.addi %parallel_loop3A_318, %parallel_loop3A_141 : i32
        %parallel_loop3A_320 = arith.constant 1 : i32
        %parallel_loop3A_321 = arith.index_cast %parallel_loop3A_320 : i32 to index
        %parallel_loop3A_322 = arith.index_cast %parallel_loop3A_319 : i32 to index
        %parallel_loop3A_323 = arith.constant 64 : index
        %parallel_loop3A_324 = tpu.vector_load %arg8[%parallel_loop3A_321, %parallel_loop3A_322, %parallel_loop3A_323] {strides = array<i32>} : memref<2x128x192xf32, #tpu.memory_space<vmem>>, vector<16xf32>,
        %parallel_loop3A_325 = arith.mulf %parallel_loop3A_324, %parallel_loop3A_145 : vector<16xf32>
        %parallel_loop3A_326 = arith.constant 32 : i32
        %parallel_loop3A_327 = arith.addi %parallel_loop3A_326, %parallel_loop3A_141 : i32
        %parallel_loop3A_328 = arith.constant 1 : i32
        %parallel_loop3A_329 = arith.index_cast %parallel_loop3A_328 : i32 to index
        %parallel_loop3A_330 = arith.index_cast %parallel_loop3A_327 : i32 to index
        %parallel_loop3A_331 = arith.constant 64 : index
        %parallel_loop3A_332 = tpu.vector_load %arg8[%parallel_loop3A_329, %parallel_loop3A_330, %parallel_loop3A_331] {strides = array<i32>} : memref<2x128x192xf32, #tpu.memory_space<vmem>>, vector<16xf32>,
        %parallel_loop3A_333 = arith.mulf %parallel_loop3A_332, %parallel_loop3A_149 : vector<16xf32>
        %parallel_loop3A_334 = arith.addf %parallel_loop3A_325, %parallel_loop3A_333 : vector<16xf32>
        %parallel_loop3A_335 = arith.constant 64 : i32
        %parallel_loop3A_336 = arith.addi %parallel_loop3A_335, %parallel_loop3A_141 : i32
        %parallel_loop3A_337 = arith.constant 1 : i32
        %parallel_loop3A_338 = arith.index_cast %parallel_loop3A_337 : i32 to index
        %parallel_loop3A_339 = arith.index_cast %parallel_loop3A_336 : i32 to index
        %parallel_loop3A_340 = arith.constant 64 : index
        %parallel_loop3A_341 = tpu.vector_load %arg8[%parallel_loop3A_338, %parallel_loop3A_339, %parallel_loop3A_340] {strides = array<i32>} : memref<2x128x192xf32, #tpu.memory_space<vmem>>, vector<16xf32>,
        %parallel_loop3A_342 = arith.mulf %parallel_loop3A_341, %parallel_loop3A_153 : vector<16xf32>
        %parallel_loop3A_343 = arith.addf %parallel_loop3A_334, %parallel_loop3A_342 : vector<16xf32>
        %parallel_loop3A_344 = arith.constant 96 : i32
        %parallel_loop3A_345 = arith.addi %parallel_loop3A_344, %parallel_loop3A_141 : i32
        %parallel_loop3A_346 = arith.constant 1 : i32
        %parallel_loop3A_347 = arith.index_cast %parallel_loop3A_346 : i32 to index
        %parallel_loop3A_348 = arith.index_cast %parallel_loop3A_345 : i32 to index
        %parallel_loop3A_349 = arith.constant 64 : index
        %parallel_loop3A_350 = tpu.vector_load %arg8[%parallel_loop3A_347, %parallel_loop3A_348, %parallel_loop3A_349] {strides = array<i32>} : memref<2x128x192xf32, #tpu.memory_space<vmem>>, vector<16xf32>,
        %parallel_loop3A_351 = arith.mulf %parallel_loop3A_350, %parallel_loop3A_157 : vector<16xf32>
        %parallel_loop3A_352 = arith.addf %parallel_loop3A_343, %parallel_loop3A_351 : vector<16xf32>
        %parallel_loop3A_353 = arith.constant 1 : i32
        %parallel_loop3A_354 = arith.index_cast %parallel_loop3A_353 : i32 to index
        %parallel_loop3A_355 = arith.index_cast %parallel_loop3A_141 : i32 to index
        %parallel_loop3A_356 = arith.constant 64 : index
        %parallel_loop3A_357 = tpu.vector_load %arg9[%parallel_loop3A_354, %parallel_loop3A_355, %parallel_loop3A_356] {strides = array<i32>} : memref<2x32x192xf32, #tpu.memory_space<vmem>>, vector<16xf32>,
        tpu.vector_store %arg9[%parallel_loop3A_354, %parallel_loop3A_355, %parallel_loop3A_356], %parallel_loop3A_352 {strides = array<i32>} : memref<2x32x192xf32, #tpu.memory_space<vmem>>, vector<16xf32>,
        %parallel_loop3A_358 = arith.constant 0 : i32
        %parallel_loop3A_359 = arith.addi %parallel_loop3A_358, %parallel_loop3A_141 : i32
        %parallel_loop3A_360 = arith.constant 1 : i32
        %parallel_loop3A_361 = arith.index_cast %parallel_loop3A_360 : i32 to index
        %parallel_loop3A_362 = arith.index_cast %parallel_loop3A_359 : i32 to index
        %parallel_loop3A_363 = arith.constant 80 : index
        %parallel_loop3A_364 = tpu.vector_load %arg8[%parallel_loop3A_361, %parallel_loop3A_362, %parallel_loop3A_363] {strides = array<i32>} : memref<2x128x192xf32, #tpu.memory_space<vmem>>, vector<16xf32>,
        %parallel_loop3A_365 = arith.mulf %parallel_loop3A_364, %parallel_loop3A_145 : vector<16xf32>
        %parallel_loop3A_366 = arith.constant 32 : i32
        %parallel_loop3A_367 = arith.addi %parallel_loop3A_366, %parallel_loop3A_141 : i32
        %parallel_loop3A_368 = arith.constant 1 : i32
        %parallel_loop3A_369 = arith.index_cast %parallel_loop3A_368 : i32 to index
        %parallel_loop3A_370 = arith.index_cast %parallel_loop3A_367 : i32 to index
        %parallel_loop3A_371 = arith.constant 80 : index
        %parallel_loop3A_372 = tpu.vector_load %arg8[%parallel_loop3A_369, %parallel_loop3A_370, %parallel_loop3A_371] {strides = array<i32>} : memref<2x128x192xf32, #tpu.memory_space<vmem>>, vector<16xf32>,
        %parallel_loop3A_373 = arith.mulf %parallel_loop3A_372, %parallel_loop3A_149 : vector<16xf32>
        %parallel_loop3A_374 = arith.addf %parallel_loop3A_365, %parallel_loop3A_373 : vector<16xf32>
        %parallel_loop3A_375 = arith.constant 64 : i32
        %parallel_loop3A_376 = arith.addi %parallel_loop3A_375, %parallel_loop3A_141 : i32
        %parallel_loop3A_377 = arith.constant 1 : i32
        %parallel_loop3A_378 = arith.index_cast %parallel_loop3A_377 : i32 to index
        %parallel_loop3A_379 = arith.index_cast %parallel_loop3A_376 : i32 to index
        %parallel_loop3A_380 = arith.constant 80 : index
        %parallel_loop3A_381 = tpu.vector_load %arg8[%parallel_loop3A_378, %parallel_loop3A_379, %parallel_loop3A_380] {strides = array<i32>} : memref<2x128x192xf32, #tpu.memory_space<vmem>>, vector<16xf32>,
        %parallel_loop3A_382 = arith.mulf %parallel_loop3A_381, %parallel_loop3A_153 : vector<16xf32>
        %parallel_loop3A_383 = arith.addf %parallel_loop3A_374, %parallel_loop3A_382 : vector<16xf32>
        %parallel_loop3A_384 = arith.constant 96 : i32
        %parallel_loop3A_385 = arith.addi %parallel_loop3A_384, %parallel_loop3A_141 : i32
        %parallel_loop3A_386 = arith.constant 1 : i32
        %parallel_loop3A_387 = arith.index_cast %parallel_loop3A_386 : i32 to index
        %parallel_loop3A_388 = arith.index_cast %parallel_loop3A_385 : i32 to index
        %parallel_loop3A_389 = arith.constant 80 : index
        %parallel_loop3A_390 = tpu.vector_load %arg8[%parallel_loop3A_387, %parallel_loop3A_388, %parallel_loop3A_389] {strides = array<i32>} : memref<2x128x192xf32, #tpu.memory_space<vmem>>, vector<16xf32>,
        %parallel_loop3A_391 = arith.mulf %parallel_loop3A_390, %parallel_loop3A_157 : vector<16xf32>
        %parallel_loop3A_392 = arith.addf %parallel_loop3A_383, %parallel_loop3A_391 : vector<16xf32>
        %parallel_loop3A_393 = arith.constant 1 : i32
        %parallel_loop3A_394 = arith.index_cast %parallel_loop3A_393 : i32 to index
        %parallel_loop3A_395 = arith.index_cast %parallel_loop3A_141 : i32 to index
        %parallel_loop3A_396 = arith.constant 80 : index
        %parallel_loop3A_397 = tpu.vector_load %arg9[%parallel_loop3A_394, %parallel_loop3A_395, %parallel_loop3A_396] {strides = array<i32>} : memref<2x32x192xf32, #tpu.memory_space<vmem>>, vector<16xf32>,
        tpu.vector_store %arg9[%parallel_loop3A_394, %parallel_loop3A_395, %parallel_loop3A_396], %parallel_loop3A_392 {strides = array<i32>} : memref<2x32x192xf32, #tpu.memory_space<vmem>>, vector<16xf32>,
        %parallel_loop3A_398 = arith.constant 0 : i32
        %parallel_loop3A_399 = arith.addi %parallel_loop3A_398, %parallel_loop3A_141 : i32
        %parallel_loop3A_400 = arith.constant 1 : i32
        %parallel_loop3A_401 = arith.index_cast %parallel_loop3A_400 : i32 to index
        %parallel_loop3A_402 = arith.index_cast %parallel_loop3A_399 : i32 to index
        %parallel_loop3A_403 = arith.constant 96 : index
        %parallel_loop3A_404 = tpu.vector_load %arg8[%parallel_loop3A_401, %parallel_loop3A_402, %parallel_loop3A_403] {strides = array<i32>} : memref<2x128x192xf32, #tpu.memory_space<vmem>>, vector<16xf32>,
        %parallel_loop3A_405 = arith.mulf %parallel_loop3A_404, %parallel_loop3A_145 : vector<16xf32>
        %parallel_loop3A_406 = arith.constant 32 : i32
        %parallel_loop3A_407 = arith.addi %parallel_loop3A_406, %parallel_loop3A_141 : i32
        %parallel_loop3A_408 = arith.constant 1 : i32
        %parallel_loop3A_409 = arith.index_cast %parallel_loop3A_408 : i32 to index
        %parallel_loop3A_410 = arith.index_cast %parallel_loop3A_407 : i32 to index
        %parallel_loop3A_411 = arith.constant 96 : index
        %parallel_loop3A_412 = tpu.vector_load %arg8[%parallel_loop3A_409, %parallel_loop3A_410, %parallel_loop3A_411] {strides = array<i32>} : memref<2x128x192xf32, #tpu.memory_space<vmem>>, vector<16xf32>,
        %parallel_loop3A_413 = arith.mulf %parallel_loop3A_412, %parallel_loop3A_149 : vector<16xf32>
        %parallel_loop3A_414 = arith.addf %parallel_loop3A_405, %parallel_loop3A_413 : vector<16xf32>
        %parallel_loop3A_415 = arith.constant 64 : i32
        %parallel_loop3A_416 = arith.addi %parallel_loop3A_415, %parallel_loop3A_141 : i32
        %parallel_loop3A_417 = arith.constant 1 : i32
        %parallel_loop3A_418 = arith.index_cast %parallel_loop3A_417 : i32 to index
        %parallel_loop3A_419 = arith.index_cast %parallel_loop3A_416 : i32 to index
        %parallel_loop3A_420 = arith.constant 96 : index
        %parallel_loop3A_421 = tpu.vector_load %arg8[%parallel_loop3A_418, %parallel_loop3A_419, %parallel_loop3A_420] {strides = array<i32>} : memref<2x128x192xf32, #tpu.memory_space<vmem>>, vector<16xf32>,
        %parallel_loop3A_422 = arith.mulf %parallel_loop3A_421, %parallel_loop3A_153 : vector<16xf32>
        %parallel_loop3A_423 = arith.addf %parallel_loop3A_414, %parallel_loop3A_422 : vector<16xf32>
        %parallel_loop3A_424 = arith.constant 96 : i32
        %parallel_loop3A_425 = arith.addi %parallel_loop3A_424, %parallel_loop3A_141 : i32
        %parallel_loop3A_426 = arith.constant 1 : i32
        %parallel_loop3A_427 = arith.index_cast %parallel_loop3A_426 : i32 to index
        %parallel_loop3A_428 = arith.index_cast %parallel_loop3A_425 : i32 to index
        %parallel_loop3A_429 = arith.constant 96 : index
        %parallel_loop3A_430 = tpu.vector_load %arg8[%parallel_loop3A_427, %parallel_loop3A_428, %parallel_loop3A_429] {strides = array<i32>} : memref<2x128x192xf32, #tpu.memory_space<vmem>>, vector<16xf32>,
        %parallel_loop3A_431 = arith.mulf %parallel_loop3A_430, %parallel_loop3A_157 : vector<16xf32>
        %parallel_loop3A_432 = arith.addf %parallel_loop3A_423, %parallel_loop3A_431 : vector<16xf32>
        %parallel_loop3A_433 = arith.constant 1 : i32
        %parallel_loop3A_434 = arith.index_cast %parallel_loop3A_433 : i32 to index
        %parallel_loop3A_435 = arith.index_cast %parallel_loop3A_141 : i32 to index
        %parallel_loop3A_436 = arith.constant 96 : index
        %parallel_loop3A_437 = tpu.vector_load %arg9[%parallel_loop3A_434, %parallel_loop3A_435, %parallel_loop3A_436] {strides = array<i32>} : memref<2x32x192xf32, #tpu.memory_space<vmem>>, vector<16xf32>,
        tpu.vector_store %arg9[%parallel_loop3A_434, %parallel_loop3A_435, %parallel_loop3A_436], %parallel_loop3A_432 {strides = array<i32>} : memref<2x32x192xf32, #tpu.memory_space<vmem>>, vector<16xf32>,
        %parallel_loop3A_438 = arith.constant 0 : i32
        %parallel_loop3A_439 = arith.addi %parallel_loop3A_438, %parallel_loop3A_141 : i32
        %parallel_loop3A_440 = arith.constant 1 : i32
        %parallel_loop3A_441 = arith.index_cast %parallel_loop3A_440 : i32 to index
        %parallel_loop3A_442 = arith.index_cast %parallel_loop3A_439 : i32 to index
        %parallel_loop3A_443 = arith.constant 112 : index
        %parallel_loop3A_444 = tpu.vector_load %arg8[%parallel_loop3A_441, %parallel_loop3A_442, %parallel_loop3A_443] {strides = array<i32>} : memref<2x128x192xf32, #tpu.memory_space<vmem>>, vector<16xf32>,
        %parallel_loop3A_445 = arith.mulf %parallel_loop3A_444, %parallel_loop3A_145 : vector<16xf32>
        %parallel_loop3A_446 = arith.constant 32 : i32
        %parallel_loop3A_447 = arith.addi %parallel_loop3A_446, %parallel_loop3A_141 : i32
        %parallel_loop3A_448 = arith.constant 1 : i32
        %parallel_loop3A_449 = arith.index_cast %parallel_loop3A_448 : i32 to index
        %parallel_loop3A_450 = arith.index_cast %parallel_loop3A_447 : i32 to index
        %parallel_loop3A_451 = arith.constant 112 : index
        %parallel_loop3A_452 = tpu.vector_load %arg8[%parallel_loop3A_449, %parallel_loop3A_450, %parallel_loop3A_451] {strides = array<i32>} : memref<2x128x192xf32, #tpu.memory_space<vmem>>, vector<16xf32>,
        %parallel_loop3A_453 = arith.mulf %parallel_loop3A_452, %parallel_loop3A_149 : vector<16xf32>
        %parallel_loop3A_454 = arith.addf %parallel_loop3A_445, %parallel_loop3A_453 : vector<16xf32>
        %parallel_loop3A_455 = arith.constant 64 : i32
        %parallel_loop3A_456 = arith.addi %parallel_loop3A_455, %parallel_loop3A_141 : i32
        %parallel_loop3A_457 = arith.constant 1 : i32
        %parallel_loop3A_458 = arith.index_cast %parallel_loop3A_457 : i32 to index
        %parallel_loop3A_459 = arith.index_cast %parallel_loop3A_456 : i32 to index
        %parallel_loop3A_460 = arith.constant 112 : index
        %parallel_loop3A_461 = tpu.vector_load %arg8[%parallel_loop3A_458, %parallel_loop3A_459, %parallel_loop3A_460] {strides = array<i32>} : memref<2x128x192xf32, #tpu.memory_space<vmem>>, vector<16xf32>,
        %parallel_loop3A_462 = arith.mulf %parallel_loop3A_461, %parallel_loop3A_153 : vector<16xf32>
        %parallel_loop3A_463 = arith.addf %parallel_loop3A_454, %parallel_loop3A_462 : vector<16xf32>
        %parallel_loop3A_464 = arith.constant 96 : i32
        %parallel_loop3A_465 = arith.addi %parallel_loop3A_464, %parallel_loop3A_141 : i32
        %parallel_loop3A_466 = arith.constant 1 : i32
        %parallel_loop3A_467 = arith.index_cast %parallel_loop3A_466 : i32 to index
        %parallel_loop3A_468 = arith.index_cast %parallel_loop3A_465 : i32 to index
        %parallel_loop3A_469 = arith.constant 112 : index
        %parallel_loop3A_470 = tpu.vector_load %arg8[%parallel_loop3A_467, %parallel_loop3A_468, %parallel_loop3A_469] {strides = array<i32>} : memref<2x128x192xf32, #tpu.memory_space<vmem>>, vector<16xf32>,
        %parallel_loop3A_471 = arith.mulf %parallel_loop3A_470, %parallel_loop3A_157 : vector<16xf32>
        %parallel_loop3A_472 = arith.addf %parallel_loop3A_463, %parallel_loop3A_471 : vector<16xf32>
        %parallel_loop3A_473 = arith.constant 1 : i32
        %parallel_loop3A_474 = arith.index_cast %parallel_loop3A_473 : i32 to index
        %parallel_loop3A_475 = arith.index_cast %parallel_loop3A_141 : i32 to index
        %parallel_loop3A_476 = arith.constant 112 : index
        %parallel_loop3A_477 = tpu.vector_load %arg9[%parallel_loop3A_474, %parallel_loop3A_475, %parallel_loop3A_476] {strides = array<i32>} : memref<2x32x192xf32, #tpu.memory_space<vmem>>, vector<16xf32>,
        tpu.vector_store %arg9[%parallel_loop3A_474, %parallel_loop3A_475, %parallel_loop3A_476], %parallel_loop3A_472 {strides = array<i32>} : memref<2x32x192xf32, #tpu.memory_space<vmem>>, vector<16xf32>,
        %parallel_loop3A_478 = arith.constant 0 : i32
        %parallel_loop3A_479 = arith.addi %parallel_loop3A_478, %parallel_loop3A_141 : i32
        %parallel_loop3A_480 = arith.constant 1 : i32
        %parallel_loop3A_481 = arith.index_cast %parallel_loop3A_480 : i32 to index
        %parallel_loop3A_482 = arith.index_cast %parallel_loop3A_479 : i32 to index
        %parallel_loop3A_483 = arith.constant 128 : index
        %parallel_loop3A_484 = tpu.vector_load %arg8[%parallel_loop3A_481, %parallel_loop3A_482, %parallel_loop3A_483] {strides = array<i32>} : memref<2x128x192xf32, #tpu.memory_space<vmem>>, vector<16xf32>,
        %parallel_loop3A_485 = arith.mulf %parallel_loop3A_484, %parallel_loop3A_145 : vector<16xf32>
        %parallel_loop3A_486 = arith.constant 32 : i32
        %parallel_loop3A_487 = arith.addi %parallel_loop3A_486, %parallel_loop3A_141 : i32
        %parallel_loop3A_488 = arith.constant 1 : i32
        %parallel_loop3A_489 = arith.index_cast %parallel_loop3A_488 : i32 to index
        %parallel_loop3A_490 = arith.index_cast %parallel_loop3A_487 : i32 to index
        %parallel_loop3A_491 = arith.constant 128 : index
        %parallel_loop3A_492 = tpu.vector_load %arg8[%parallel_loop3A_489, %parallel_loop3A_490, %parallel_loop3A_491] {strides = array<i32>} : memref<2x128x192xf32, #tpu.memory_space<vmem>>, vector<16xf32>,
        %parallel_loop3A_493 = arith.mulf %parallel_loop3A_492, %parallel_loop3A_149 : vector<16xf32>
        %parallel_loop3A_494 = arith.addf %parallel_loop3A_485, %parallel_loop3A_493 : vector<16xf32>
        %parallel_loop3A_495 = arith.constant 64 : i32
        %parallel_loop3A_496 = arith.addi %parallel_loop3A_495, %parallel_loop3A_141 : i32
        %parallel_loop3A_497 = arith.constant 1 : i32
        %parallel_loop3A_498 = arith.index_cast %parallel_loop3A_497 : i32 to index
        %parallel_loop3A_499 = arith.index_cast %parallel_loop3A_496 : i32 to index
        %parallel_loop3A_500 = arith.constant 128 : index
        %parallel_loop3A_501 = tpu.vector_load %arg8[%parallel_loop3A_498, %parallel_loop3A_499, %parallel_loop3A_500] {strides = array<i32>} : memref<2x128x192xf32, #tpu.memory_space<vmem>>, vector<16xf32>,
        %parallel_loop3A_502 = arith.mulf %parallel_loop3A_501, %parallel_loop3A_153 : vector<16xf32>
        %parallel_loop3A_503 = arith.addf %parallel_loop3A_494, %parallel_loop3A_502 : vector<16xf32>
        %parallel_loop3A_504 = arith.constant 96 : i32
        %parallel_loop3A_505 = arith.addi %parallel_loop3A_504, %parallel_loop3A_141 : i32
        %parallel_loop3A_506 = arith.constant 1 : i32
        %parallel_loop3A_507 = arith.index_cast %parallel_loop3A_506 : i32 to index
        %parallel_loop3A_508 = arith.index_cast %parallel_loop3A_505 : i32 to index
        %parallel_loop3A_509 = arith.constant 128 : index
        %parallel_loop3A_510 = tpu.vector_load %arg8[%parallel_loop3A_507, %parallel_loop3A_508, %parallel_loop3A_509] {strides = array<i32>} : memref<2x128x192xf32, #tpu.memory_space<vmem>>, vector<16xf32>,
        %parallel_loop3A_511 = arith.mulf %parallel_loop3A_510, %parallel_loop3A_157 : vector<16xf32>
        %parallel_loop3A_512 = arith.addf %parallel_loop3A_503, %parallel_loop3A_511 : vector<16xf32>
        %parallel_loop3A_513 = arith.constant 1 : i32
        %parallel_loop3A_514 = arith.index_cast %parallel_loop3A_513 : i32 to index
        %parallel_loop3A_515 = arith.index_cast %parallel_loop3A_141 : i32 to index
        %parallel_loop3A_516 = arith.constant 128 : index
        %parallel_loop3A_517 = tpu.vector_load %arg9[%parallel_loop3A_514, %parallel_loop3A_515, %parallel_loop3A_516] {strides = array<i32>} : memref<2x32x192xf32, #tpu.memory_space<vmem>>, vector<16xf32>,
        tpu.vector_store %arg9[%parallel_loop3A_514, %parallel_loop3A_515, %parallel_loop3A_516], %parallel_loop3A_512 {strides = array<i32>} : memref<2x32x192xf32, #tpu.memory_space<vmem>>, vector<16xf32>,
        %parallel_loop3A_518 = arith.constant 0 : i32
        %parallel_loop3A_519 = arith.addi %parallel_loop3A_518, %parallel_loop3A_141 : i32
        %parallel_loop3A_520 = arith.constant 1 : i32
        %parallel_loop3A_521 = arith.index_cast %parallel_loop3A_520 : i32 to index
        %parallel_loop3A_522 = arith.index_cast %parallel_loop3A_519 : i32 to index
        %parallel_loop3A_523 = arith.constant 144 : index
        %parallel_loop3A_524 = tpu.vector_load %arg8[%parallel_loop3A_521, %parallel_loop3A_522, %parallel_loop3A_523] {strides = array<i32>} : memref<2x128x192xf32, #tpu.memory_space<vmem>>, vector<16xf32>,
        %parallel_loop3A_525 = arith.mulf %parallel_loop3A_524, %parallel_loop3A_145 : vector<16xf32>
        %parallel_loop3A_526 = arith.constant 32 : i32
        %parallel_loop3A_527 = arith.addi %parallel_loop3A_526, %parallel_loop3A_141 : i32
        %parallel_loop3A_528 = arith.constant 1 : i32
        %parallel_loop3A_529 = arith.index_cast %parallel_loop3A_528 : i32 to index
        %parallel_loop3A_530 = arith.index_cast %parallel_loop3A_527 : i32 to index
        %parallel_loop3A_531 = arith.constant 144 : index
        %parallel_loop3A_532 = tpu.vector_load %arg8[%parallel_loop3A_529, %parallel_loop3A_530, %parallel_loop3A_531] {strides = array<i32>} : memref<2x128x192xf32, #tpu.memory_space<vmem>>, vector<16xf32>,
        %parallel_loop3A_533 = arith.mulf %parallel_loop3A_532, %parallel_loop3A_149 : vector<16xf32>
        %parallel_loop3A_534 = arith.addf %parallel_loop3A_525, %parallel_loop3A_533 : vector<16xf32>
        %parallel_loop3A_535 = arith.constant 64 : i32
        %parallel_loop3A_536 = arith.addi %parallel_loop3A_535, %parallel_loop3A_141 : i32
        %parallel_loop3A_537 = arith.constant 1 : i32
        %parallel_loop3A_538 = arith.index_cast %parallel_loop3A_537 : i32 to index
        %parallel_loop3A_539 = arith.index_cast %parallel_loop3A_536 : i32 to index
        %parallel_loop3A_540 = arith.constant 144 : index
        %parallel_loop3A_541 = tpu.vector_load %arg8[%parallel_loop3A_538, %parallel_loop3A_539, %parallel_loop3A_540] {strides = array<i32>} : memref<2x128x192xf32, #tpu.memory_space<vmem>>, vector<16xf32>,
        %parallel_loop3A_542 = arith.mulf %parallel_loop3A_541, %parallel_loop3A_153 : vector<16xf32>
        %parallel_loop3A_543 = arith.addf %parallel_loop3A_534, %parallel_loop3A_542 : vector<16xf32>
        %parallel_loop3A_544 = arith.constant 96 : i32
        %parallel_loop3A_545 = arith.addi %parallel_loop3A_544, %parallel_loop3A_141 : i32
        %parallel_loop3A_546 = arith.constant 1 : i32
        %parallel_loop3A_547 = arith.index_cast %parallel_loop3A_546 : i32 to index
        %parallel_loop3A_548 = arith.index_cast %parallel_loop3A_545 : i32 to index
        %parallel_loop3A_549 = arith.constant 144 : index
        %parallel_loop3A_550 = tpu.vector_load %arg8[%parallel_loop3A_547, %parallel_loop3A_548, %parallel_loop3A_549] {strides = array<i32>} : memref<2x128x192xf32, #tpu.memory_space<vmem>>, vector<16xf32>,
        %parallel_loop3A_551 = arith.mulf %parallel_loop3A_550, %parallel_loop3A_157 : vector<16xf32>
        %parallel_loop3A_552 = arith.addf %parallel_loop3A_543, %parallel_loop3A_551 : vector<16xf32>
        %parallel_loop3A_553 = arith.constant 1 : i32
        %parallel_loop3A_554 = arith.index_cast %parallel_loop3A_553 : i32 to index
        %parallel_loop3A_555 = arith.index_cast %parallel_loop3A_141 : i32 to index
        %parallel_loop3A_556 = arith.constant 144 : index
        %parallel_loop3A_557 = tpu.vector_load %arg9[%parallel_loop3A_554, %parallel_loop3A_555, %parallel_loop3A_556] {strides = array<i32>} : memref<2x32x192xf32, #tpu.memory_space<vmem>>, vector<16xf32>,
        tpu.vector_store %arg9[%parallel_loop3A_554, %parallel_loop3A_555, %parallel_loop3A_556], %parallel_loop3A_552 {strides = array<i32>} : memref<2x32x192xf32, #tpu.memory_space<vmem>>, vector<16xf32>,
        %parallel_loop3A_558 = arith.constant 0 : i32
        %parallel_loop3A_559 = arith.addi %parallel_loop3A_558, %parallel_loop3A_141 : i32
        %parallel_loop3A_560 = arith.constant 1 : i32
        %parallel_loop3A_561 = arith.index_cast %parallel_loop3A_560 : i32 to index
        %parallel_loop3A_562 = arith.index_cast %parallel_loop3A_559 : i32 to index
        %parallel_loop3A_563 = arith.constant 160 : index
        %parallel_loop3A_564 = tpu.vector_load %arg8[%parallel_loop3A_561, %parallel_loop3A_562, %parallel_loop3A_563] {strides = array<i32>} : memref<2x128x192xf32, #tpu.memory_space<vmem>>, vector<16xf32>,
        %parallel_loop3A_565 = arith.mulf %parallel_loop3A_564, %parallel_loop3A_145 : vector<16xf32>
        %parallel_loop3A_566 = arith.constant 32 : i32
        %parallel_loop3A_567 = arith.addi %parallel_loop3A_566, %parallel_loop3A_141 : i32
        %parallel_loop3A_568 = arith.constant 1 : i32
        %parallel_loop3A_569 = arith.index_cast %parallel_loop3A_568 : i32 to index
        %parallel_loop3A_570 = arith.index_cast %parallel_loop3A_567 : i32 to index
        %parallel_loop3A_571 = arith.constant 160 : index
        %parallel_loop3A_572 = tpu.vector_load %arg8[%parallel_loop3A_569, %parallel_loop3A_570, %parallel_loop3A_571] {strides = array<i32>} : memref<2x128x192xf32, #tpu.memory_space<vmem>>, vector<16xf32>,
        %parallel_loop3A_573 = arith.mulf %parallel_loop3A_572, %parallel_loop3A_149 : vector<16xf32>
        %parallel_loop3A_574 = arith.addf %parallel_loop3A_565, %parallel_loop3A_573 : vector<16xf32>
        %parallel_loop3A_575 = arith.constant 64 : i32
        %parallel_loop3A_576 = arith.addi %parallel_loop3A_575, %parallel_loop3A_141 : i32
        %parallel_loop3A_577 = arith.constant 1 : i32
        %parallel_loop3A_578 = arith.index_cast %parallel_loop3A_577 : i32 to index
        %parallel_loop3A_579 = arith.index_cast %parallel_loop3A_576 : i32 to index
        %parallel_loop3A_580 = arith.constant 160 : index
        %parallel_loop3A_581 = tpu.vector_load %arg8[%parallel_loop3A_578, %parallel_loop3A_579, %parallel_loop3A_580] {strides = array<i32>} : memref<2x128x192xf32, #tpu.memory_space<vmem>>, vector<16xf32>,
        %parallel_loop3A_582 = arith.mulf %parallel_loop3A_581, %parallel_loop3A_153 : vector<16xf32>
        %parallel_loop3A_583 = arith.addf %parallel_loop3A_574, %parallel_loop3A_582 : vector<16xf32>
        %parallel_loop3A_584 = arith.constant 96 : i32
        %parallel_loop3A_585 = arith.addi %parallel_loop3A_584, %parallel_loop3A_141 : i32
        %parallel_loop3A_586 = arith.constant 1 : i32
        %parallel_loop3A_587 = arith.index_cast %parallel_loop3A_586 : i32 to index
        %parallel_loop3A_588 = arith.index_cast %parallel_loop3A_585 : i32 to index
        %parallel_loop3A_589 = arith.constant 160 : index
        %parallel_loop3A_590 = tpu.vector_load %arg8[%parallel_loop3A_587, %parallel_loop3A_588, %parallel_loop3A_589] {strides = array<i32>} : memref<2x128x192xf32, #tpu.memory_space<vmem>>, vector<16xf32>,
        %parallel_loop3A_591 = arith.mulf %parallel_loop3A_590, %parallel_loop3A_157 : vector<16xf32>
        %parallel_loop3A_592 = arith.addf %parallel_loop3A_583, %parallel_loop3A_591 : vector<16xf32>
        %parallel_loop3A_593 = arith.constant 1 : i32
        %parallel_loop3A_594 = arith.index_cast %parallel_loop3A_593 : i32 to index
        %parallel_loop3A_595 = arith.index_cast %parallel_loop3A_141 : i32 to index
        %parallel_loop3A_596 = arith.constant 160 : index
        %parallel_loop3A_597 = tpu.vector_load %arg9[%parallel_loop3A_594, %parallel_loop3A_595, %parallel_loop3A_596] {strides = array<i32>} : memref<2x32x192xf32, #tpu.memory_space<vmem>>, vector<16xf32>,
        tpu.vector_store %arg9[%parallel_loop3A_594, %parallel_loop3A_595, %parallel_loop3A_596], %parallel_loop3A_592 {strides = array<i32>} : memref<2x32x192xf32, #tpu.memory_space<vmem>>, vector<16xf32>,
        %parallel_loop3A_598 = arith.constant 0 : i32
        %parallel_loop3A_599 = arith.addi %parallel_loop3A_598, %parallel_loop3A_141 : i32
        %parallel_loop3A_600 = arith.constant 1 : i32
        %parallel_loop3A_601 = arith.index_cast %parallel_loop3A_600 : i32 to index
        %parallel_loop3A_602 = arith.index_cast %parallel_loop3A_599 : i32 to index
        %parallel_loop3A_603 = arith.constant 176 : index
        %parallel_loop3A_604 = tpu.vector_load %arg8[%parallel_loop3A_601, %parallel_loop3A_602, %parallel_loop3A_603] {strides = array<i32>} : memref<2x128x192xf32, #tpu.memory_space<vmem>>, vector<16xf32>,
        %parallel_loop3A_605 = arith.mulf %parallel_loop3A_604, %parallel_loop3A_145 : vector<16xf32>
        %parallel_loop3A_606 = arith.constant 32 : i32
        %parallel_loop3A_607 = arith.addi %parallel_loop3A_606, %parallel_loop3A_141 : i32
        %parallel_loop3A_608 = arith.constant 1 : i32
        %parallel_loop3A_609 = arith.index_cast %parallel_loop3A_608 : i32 to index
        %parallel_loop3A_610 = arith.index_cast %parallel_loop3A_607 : i32 to index
        %parallel_loop3A_611 = arith.constant 176 : index
        %parallel_loop3A_612 = tpu.vector_load %arg8[%parallel_loop3A_609, %parallel_loop3A_610, %parallel_loop3A_611] {strides = array<i32>} : memref<2x128x192xf32, #tpu.memory_space<vmem>>, vector<16xf32>,
        %parallel_loop3A_613 = arith.mulf %parallel_loop3A_612, %parallel_loop3A_149 : vector<16xf32>
        %parallel_loop3A_614 = arith.addf %parallel_loop3A_605, %parallel_loop3A_613 : vector<16xf32>
        %parallel_loop3A_615 = arith.constant 64 : i32
        %parallel_loop3A_616 = arith.addi %parallel_loop3A_615, %parallel_loop3A_141 : i32
        %parallel_loop3A_617 = arith.constant 1 : i32
        %parallel_loop3A_618 = arith.index_cast %parallel_loop3A_617 : i32 to index
        %parallel_loop3A_619 = arith.index_cast %parallel_loop3A_616 : i32 to index
        %parallel_loop3A_620 = arith.constant 176 : index
        %parallel_loop3A_621 = tpu.vector_load %arg8[%parallel_loop3A_618, %parallel_loop3A_619, %parallel_loop3A_620] {strides = array<i32>} : memref<2x128x192xf32, #tpu.memory_space<vmem>>, vector<16xf32>,
        %parallel_loop3A_622 = arith.mulf %parallel_loop3A_621, %parallel_loop3A_153 : vector<16xf32>
        %parallel_loop3A_623 = arith.addf %parallel_loop3A_614, %parallel_loop3A_622 : vector<16xf32>
        %parallel_loop3A_624 = arith.constant 96 : i32
        %parallel_loop3A_625 = arith.addi %parallel_loop3A_624, %parallel_loop3A_141 : i32
        %parallel_loop3A_626 = arith.constant 1 : i32
        %parallel_loop3A_627 = arith.index_cast %parallel_loop3A_626 : i32 to index
        %parallel_loop3A_628 = arith.index_cast %parallel_loop3A_625 : i32 to index
        %parallel_loop3A_629 = arith.constant 176 : index
        %parallel_loop3A_630 = tpu.vector_load %arg8[%parallel_loop3A_627, %parallel_loop3A_628, %parallel_loop3A_629] {strides = array<i32>} : memref<2x128x192xf32, #tpu.memory_space<vmem>>, vector<16xf32>,
        %parallel_loop3A_631 = arith.mulf %parallel_loop3A_630, %parallel_loop3A_157 : vector<16xf32>
        %parallel_loop3A_632 = arith.addf %parallel_loop3A_623, %parallel_loop3A_631 : vector<16xf32>
        %parallel_loop3A_633 = arith.constant 1 : i32
        %parallel_loop3A_634 = arith.index_cast %parallel_loop3A_633 : i32 to index
        %parallel_loop3A_635 = arith.index_cast %parallel_loop3A_141 : i32 to index
        %parallel_loop3A_636 = arith.constant 176 : index
        %parallel_loop3A_637 = tpu.vector_load %arg9[%parallel_loop3A_634, %parallel_loop3A_635, %parallel_loop3A_636] {strides = array<i32>} : memref<2x32x192xf32, #tpu.memory_space<vmem>>, vector<16xf32>,
        tpu.vector_store %arg9[%parallel_loop3A_634, %parallel_loop3A_635, %parallel_loop3A_636], %parallel_loop3A_632 {strides = array<i32>} : memref<2x32x192xf32, #tpu.memory_space<vmem>>, vector<16xf32>,
      } {sc.loop_unroll_factor = 2 : i64, sc.parallel_access}
      %mul3A_125 = arith.constant 32 : i32
      %mul3A_126 = arith.muli %add3A_96, %mul3A_125 : i32
      %add3A_127 = arith.addi %mul3A_2, %mul3A_126 : i32
      %dma_start3A_128 = arith.constant 1 : i32
      %dma_start3A_129 = arith.constant 0 : i32
      %dma_start3A_130 = arith.constant 0 : i32
      %dma_start3A_131 = tpu.memref_slice %arg9[%dma_start3A_128, %dma_start3A_129, %dma_start3A_130] : memref<2x32x192xf32, #tpu.memory_space<vmem>> -> memref<1x32x192xf32, #tpu.memory_space<vmem>>
      %dma_start3A_132 = tpu.memref_squeeze %dma_start3A_131 : memref<1x32x192xf32, #tpu.memory_space<vmem>> -> memref<32x192xf32, #tpu.memory_space<vmem>>
      %dma_start3A_133 = arith.constant 0 : i32
      %dma_start3A_134 = tpu.memref_slice %arg5[%add3A_127, %dma_start3A_133] : memref<147456x192xf32, #tpu.memory_space<hbm>> -> memref<32x192xf32, #tpu.memory_space<hbm>>
      %dma_start3A_135 = arith.constant 0 : i32
      %dma_start3A_136 = tpu.memref_slice %arg5[%add3A_127, %dma_start3A_135] : memref<147456x192xf32, #tpu.memory_space<hbm>> -> memref<32x192xf32, #tpu.memory_space<hbm>>
      %dma_start3A_137 = arith.constant 0 : i32
      %dma_start3A_138 = arith.constant 0 : i32
      %dma_start3A_139 = tpu.memref_slice %arg9[%dma_start3A_128, %dma_start3A_137, %dma_start3A_138] : memref<2x32x192xf32, #tpu.memory_space<vmem>> -> memref<1x32x192xf32, #tpu.memory_space<vmem>>
      %dma_start3A_140 = tpu.memref_squeeze %dma_start3A_139 : memref<1x32x192xf32, #tpu.memory_space<vmem>> -> memref<32x192xf32, #tpu.memory_space<vmem>>
      tpu.enqueue_dma source(%dma_start3A_140 : memref<32x192xf32, #tpu.memory_space<vmem>>) target(%dma_start3A_136 : memref<32x192xf32, #tpu.memory_space<hbm>>) target_semaphore(%arg11 : memref<!tpu.dma_semaphore, #tpu.memory_space<semaphore_mem>>)
    }
    %scan3A_22 = arith.constant 72 : i32
    %dma_wait3A = arith.constant 0 : i32
    %dma_wait3A_23 = arith.constant 0 : i32
    %dma_wait3A_24 = arith.constant 0 : i32
    %dma_wait3A_25 = tpu.memref_slice %arg9[%dma_wait3A, %dma_wait3A_23, %dma_wait3A_24] : memref<2x32x192xf32, #tpu.memory_space<vmem>> -> memref<1x32x192xf32, #tpu.memory_space<vmem>>
    %dma_wait3A_26 = tpu.memref_squeeze %dma_wait3A_25 : memref<1x32x192xf32, #tpu.memory_space<vmem>> -> memref<32x192xf32, #tpu.memory_space<vmem>>
    %dma_wait3A_27 = arith.constant 0 : i32
    %dma_wait3A_28 = arith.constant 0 : i32
    %dma_wait3A_29 = tpu.memref_slice %arg5[%dma_wait3A_27, %dma_wait3A_28] : memref<147456x192xf32, #tpu.memory_space<hbm>> -> memref<32x192xf32, #tpu.memory_space<hbm>>
    %dma_wait3A_30 = arith.constant 0 : i32
    %dma_wait3A_31 = arith.constant 0 : i32
    %dma_wait3A_32 = tpu.memref_slice %arg5[%dma_wait3A_30, %dma_wait3A_31] : memref<147456x192xf32, #tpu.memory_space<hbm>> -> memref<32x192xf32, #tpu.memory_space<hbm>>
    %dma_wait3A_33 = arith.constant 0 : i32
    %dma_wait3A_34 = arith.constant 0 : i32
    %dma_wait3A_35 = tpu.memref_slice %arg9[%dma_wait3A, %dma_wait3A_33, %dma_wait3A_34] : memref<2x32x192xf32, #tpu.memory_space<vmem>> -> memref<1x32x192xf32, #tpu.memory_space<vmem>>
    %dma_wait3A_36 = tpu.memref_squeeze %dma_wait3A_35 : memref<1x32x192xf32, #tpu.memory_space<vmem>> -> memref<32x192xf32, #tpu.memory_space<vmem>>
    tpu.wait_dma2 semaphore(%arg11 : memref<!tpu.dma_semaphore, #tpu.memory_space<semaphore_mem>>) src(%dma_wait3A_36 : memref<32x192xf32, #tpu.memory_space<vmem>>) dst(%dma_wait3A_32 : memref<32x192xf32, #tpu.memory_space<hbm>>)
    %dma_wait3A_37 = arith.constant 0 : i32
    %dma_wait3A_38 = arith.constant 0 : i32
    %dma_wait3A_39 = arith.constant 0 : i32
    %dma_wait3A_40 = tpu.memref_slice %arg9[%dma_wait3A_37, %dma_wait3A_38, %dma_wait3A_39] : memref<2x32x192xf32, #tpu.memory_space<vmem>> -> memref<1x32x192xf32, #tpu.memory_space<vmem>>
    %dma_wait3A_41 = tpu.memref_squeeze %dma_wait3A_40 : memref<1x32x192xf32, #tpu.memory_space<vmem>> -> memref<32x192xf32, #tpu.memory_space<vmem>>
    %dma_wait3A_42 = arith.constant 0 : i32
    %dma_wait3A_43 = arith.constant 0 : i32
    %dma_wait3A_44 = tpu.memref_slice %arg5[%dma_wait3A_42, %dma_wait3A_43] : memref<147456x192xf32, #tpu.memory_space<hbm>> -> memref<32x192xf32, #tpu.memory_space<hbm>>
    %dma_wait3A_45 = arith.constant 0 : i32
    %dma_wait3A_46 = arith.constant 0 : i32
    %dma_wait3A_47 = tpu.memref_slice %arg5[%dma_wait3A_45, %dma_wait3A_46] : memref<147456x192xf32, #tpu.memory_space<hbm>> -> memref<32x192xf32, #tpu.memory_space<hbm>>
    %dma_wait3A_48 = arith.constant 0 : i32
    %dma_wait3A_49 = arith.constant 0 : i32
    %dma_wait3A_50 = tpu.memref_slice %arg9[%dma_wait3A_37, %dma_wait3A_48, %dma_wait3A_49] : memref<2x32x192xf32, #tpu.memory_space<vmem>> -> memref<1x32x192xf32, #tpu.memory_space<vmem>>
    %dma_wait3A_51 = tpu.memref_squeeze %dma_wait3A_50 : memref<1x32x192xf32, #tpu.memory_space<vmem>> -> memref<32x192xf32, #tpu.memory_space<vmem>>
    tpu.wait_dma2 semaphore(%arg11 : memref<!tpu.dma_semaphore, #tpu.memory_space<semaphore_mem>>) src(%dma_wait3A_51 : memref<32x192xf32, #tpu.memory_space<vmem>>) dst(%dma_wait3A_47 : memref<32x192xf32, #tpu.memory_space<hbm>>)
    return
  }
}

</mosaic_0001>

<sc_bundles>
// kernel: kernel.3.cloned.1.call-start
scs
__scs_entry_jumppad:
0x0: {  	(pc) =	sbr.rel $0x88, $3  }
0x1: {  	(tag) =	ssettag $0x0;
	lr =	simm.s32 $0x1  }
0x2: {  	[smem:$0x3F9F] =	sst lr;
	_ =	strace $0xD0000000  }
0x3: {  	_ = 	snop  }
0x4: {  	_ = 	snop  }
0x5: {  	_ = 	snop  }
0x6: {  	_ = 	snop  }
0x7: {  	_ = 	snop  }
__scs_overlays_trampoline_lowered:
0x8: {  	[smem:$0x3FAE] =	sst s0  }
0x9: {  	[smem:$0x3FAF] =	sst s1  }
0xa: {  	[smem:$0x3FB0] =	sst s2  }
0xb: {  	[smem:$0x3FB1] =	sst s3  }
0xc: {  	[smem:$0x3FB2] =	sst s4  }
0xd: {  	[smem:$0x3FB3] =	sst s5  }
0xe: {  	[smem:$0x3FB4] =	sst s6  }
0xf: {  	[smem:$0x3FB5] =	sst s7  }
0x10: {  	[smem:$0x3FB6] =	sst s8  }
0x11: {  	[smem:$0x3FB7] =	sst s9;
	s0 =	simm.s32 @!p0 $0x0  }
0x12: {  	s1 =	sld [smem:$0x3F9D];
	s0 =	simm.s32 @p0 $0x1  }
0x13: {  	[smem:$0x3FB8] =	sst s0;
	s0 =	simm.s32 @!p1 $0x0  }
0x14: {  	s2 =	sld [smem:$0x3F9C];
	s0 =	simm.s32 @p1 $0x1  }
0x15: {  	[smem:$0x3FB9] =	sst s0;
	s0 =	simm.s32 @!p2 $0x0  }
0x16: {  	s3 =	sld [smem:$0x3FDB];
	s0 =	simm.s32 @p2 $0x1  }
0x17: {  	s4 =	simm.s32 $0x1BF5;
	[smem:$0x3FBB] =	sst s0  }
0x18: {  	s0 =	sld [smem:$0x3F9E];
	_ =	swait.ge [sflag:s4], $0x0  }
0x19: {  	s7 =	sld [smem:$0x3F9F]  }
0x1a: {  	s8 =	sadd.s32 $0xFFFFE003, lr  }
0x1b: {  	s9 =	sadd.s32 $0xFFFFFEF7, lr;
	s5 =	simm.s32 $0xFFFFFFFF;
	p2 =	slt.u32 s8, $0xFFFFF086  }
0x1c: {  	p1 =	slt.u32 s9, $0xF7A;
	s5 =	simm.s32 @!p2 $0x0  }
0x1d: {  	s5 =	simm.s32 @p1 $0x1;
	p0 =	seq.s32 s7, s2  }
0x1e: {  	s7 =	smul.u32 @!p0 $0xF7A, s2;
	p2 =	seq.s32 @!p0 s5, $0x0  }
0x1f: {  	s9 =	smul.u32 $0xF7A, s1;
	s8 =	simm.s32 @!p0 $0x1BF5;
	p2 =	por !p2, p0  }
0x20: {  	[sflag:s8] =	ssyncset.s32 @!p0 $0xFFFFF086;
	s6 =	sadd.s32 @!p0 s3, s7;
	s7 =	simm.s32 @!p0 $0x108  }
0x21: {  	s3 =	sadd.s32 s3, s9;
	s6 =	sadd.s32 @!p0 $0x88, s6;
	s7 =	simm.s32 @p2 $0x1082  }
0x22: {  	[simem:s7], [sflag:s8] =	dma.local @!p0 [hbm:s6], $0xF7A  }
0x23: {  	s9 =	sor.u32 $0xD0000000, s2;
	s6 =	simm.s32 $0x108;
	_ =	swait.ge @!p0 [sflag:s8], $0x0  }
0x24: {  	s3 =	sadd.s32 $0x88, s3;
	s6 =	simm.s32 @!p1 $0x1082;
	[sflag:s4] =	ssyncset.s32 $0xFFFFF086  }
0x25: {  	[simem:s6], [sflag:s4] =	dma.local [hbm:s3], $0xF7A  }
0x26: {  	[smem:$0x3F9F] =	sst s1;
	(tag) =	ssettag s2;
	_ =	strace s9  }
0x27: {  	s1 =	sld [smem:$0x3FAF]  }
0x28: {  	s2 =	sld [smem:$0x3FB0]  }
0x29: {  	s4 =	sld [smem:$0x3FB2]  }
0x2a: {  	p0 =	seq.s32 s5, $0x0;
	s5 =	sld [smem:$0x3FB3]  }
0x2b: {  	s6 =	sld [smem:$0x3FB4]  }
0x2c: {  	s7 =	sld [smem:$0x3FB5]  }
0x2d: {  	s3 =	simm.s32 $0x108;
	s8 =	sld [smem:$0x3FB6]  }
0x2e: {  	s3 =	simm.s32 @!p0 $0x1082;
	s9 =	sld [smem:$0x3FB7]  }
0x2f: {  	lr =	sadd.s32 s0, s3;
	s0 =	sld [smem:$0x3FAE]  }
0x30: {  	s3 =	sld [smem:$0x3FB1]  }
0x31: {  	[smem:$0x3FBA] =	sst s10  }
0x32: {  	s10 =	sld [smem:$0x3FB8];
	_ =	sdelay $0x3  }
0x33: {  	p0 =	seq.s32 s10, $0x1;
	s10 =	sld [smem:$0x3FBA];
	_ =	sdelay $0x3  }
0x34: {  	[smem:$0x3FBA] =	sst s10  }
0x35: {  	s10 =	sld [smem:$0x3FB9];
	_ =	sdelay $0x3  }
0x36: {  	p1 =	seq.s32 s10, $0x1;
	s10 =	sld [smem:$0x3FBA];
	_ =	sdelay $0x3  }
0x37: {  	[smem:$0x3FBA] =	sst s10  }
0x38: {  	s10 =	sld [smem:$0x3FBB]  }
0x39: {  	_ = 	snop;
	(pc) =	sbr.ind lr, $3  }
0x3a: {  	_ = 	snop  }
0x3b: {  	_ = 	snop  }
0x3c: {  	p2 =	seq.s32 s10, $0x1;
	s10 =	sld [smem:$0x3FBA]  }
0x3d: {  	_ =	shalt  }
0x3e: {  	_ =	shalt  }
0x3f: {  	_ =	shalt  }
0x40: {  	_ =	shalt  }
0x41: {  	_ =	shalt  }
0x42: {  	_ =	shalt  }
0x43: {  	_ =	shalt  }
0x44: {  	_ =	shalt  }
0x45: {  	_ =	shalt  }
0x46: {  	_ =	shalt  }
0x47: {  	_ =	shalt  }
0x48: {  	_ =	shalt  }
0x49: {  	_ =	shalt  }
0x4a: {  	_ =	shalt  }
0x4b: {  	_ =	shalt  }
0x4c: {  	_ =	shalt  }
0x4d: {  	_ =	shalt  }
0x4e: {  	_ =	shalt  }
0x4f: {  	_ =	shalt  }
0x50: {  	_ =	shalt  }
0x51: {  	_ =	shalt  }
0x52: {  	_ =	shalt  }
0x53: {  	_ =	shalt  }
0x54: {  	_ =	shalt  }
0x55: {  	_ =	shalt  }
0x56: {  	_ =	shalt  }
0x57: {  	_ =	shalt  }
0x58: {  	_ =	shalt  }
0x59: {  	_ =	shalt  }
0x5a: {  	_ =	shalt  }
0x5b: {  	_ =	shalt  }
0x5c: {  	_ =	shalt  }
0x5d: {  	_ =	shalt  }
0x5e: {  	_ =	shalt  }
0x5f: {  	_ =	shalt  }
0x60: {  	_ =	shalt  }
0x61: {  	_ =	shalt  }
0x62: {  	_ =	shalt  }
0x63: {  	_ =	shalt  }
0x64: {  	_ =	shalt  }
0x65: {  	_ =	shalt  }
0x66: {  	_ =	shalt  }
0x67: {  	_ =	shalt  }
0x68: {  	_ =	shalt  }
0x69: {  	_ =	shalt  }
0x6a: {  	_ =	shalt  }
0x6b: {  	_ =	shalt  }
0x6c: {  	_ =	shalt  }
0x6d: {  	_ =	shalt  }
0x6e: {  	_ =	shalt  }
0x6f: {  	_ =	shalt  }
0x70: {  	_ =	shalt  }
0x71: {  	_ =	shalt  }
0x72: {  	_ =	shalt  }
0x73: {  	_ =	shalt  }
0x74: {  	_ =	shalt  }
0x75: {  	_ =	shalt  }
0x76: {  	_ =	shalt  }
0x77: {  	_ =	shalt  }
0x78: {  	_ =	shalt  }
0x79: {  	_ =	shalt  }
0x7a: {  	_ =	shalt  }
0x7b: {  	_ =	shalt  }
0x7c: {  	_ =	shalt  }
0x7d: {  	_ =	shalt  }
0x7e: {  	_ =	shalt  }
0x7f: {  	_ =	shalt  }
0x80: {  	_ =	shalt  }
0x81: {  	_ =	shalt  }
0x82: {  	_ =	shalt  }
0x83: {  	_ =	shalt  }
0x84: {  	_ =	shalt  }
0x85: {  	_ =	shalt  }
0x86: {  	_ =	shalt  }
0x87: {  	_ =	shalt  }
.Lfunc_end0:
.L_simem_size_0:
called_computation.1_lowered:
.L_overlay_start_0:
0x88: {  	s2 =	sld [smem:$0x3FD9]  }
0x89: {  	s3 =	sld [smem:$0x3FFE];
	_ =	sdelay $0x1  }
0x8a: {  	s1 =	srdreg.scid  }
0x8b: {  	s0 =	sand.u32 $0x1, s1  }
0x8c: {  	s17 =	sshll.u32 s0, $0xA;
	s2 =	sadd.s32 s3, s2  }
0x8d: {  	s2 =	sadd.s32 s2, s17  }
0x8e: {  	[smem:$0x3FC6] =	sst s2  }
0x8f: {  	_ = 	snop  }
0x90: {  	s2 =	sld [smem:$0x3FD0];
	(tm) =	ssettm $0x1  }
0x91: {  	s18 =	sld [smem:$0x3FFB];
	_ =	sdelay $0x3  }
0x92: {  	_ =	strace s18  }
0x93: {  	s3 =	sld [smem:$0x3FFC];
	_ =	sdelay $0x3  }
0x94: {  	_ =	strace s3  }
0x95: {  	s3 =	sld [smem:$0x3FFD];
	_ =	sdelay $0x3  }
0x96: {  	_ =	strace s3  }
0x97: {  	_ =	strace $0x8FFFFFFF  }
0x98: {  	s19 =	sld [smem:$0x3FDB];
	_ =	sdelay $0x1  }
0x99: {  	s4 =	simm.s32 $_scs_section_size  }
0x9a: {  	s5 =	simm.s32 $_size__tile_overlayer_lowered;
	s6 =	simm.s32 $_tile_overlayer_lowered  }
0x9b: {  	s22 =	simm.s32 $0x1BFF;
	s21 =	sshll.u32 s6, $0x1;
	s3 =	sadd.s32 s4, s19  }
0x9c: {  	s7 =	simm.s32 $0x0;
	s20 =	sshll.u32 s5, $0x1;
	s5 =	sadd.s32 s21, s3  }
0x9d: {  	[timem:s7], [sflag:s22] =	dma.local [hbm:s5], s20  }
0x9e: {  	_ =	swait.ge [sflag:s22], s20  }
0x9f: {  	s4 =	ssub.s32 $0x0, s20;
	[sflag:s22] =	ssyncset.done $0x0  }
0xa0: {  	[sflag:s22] =	ssyncadd.s32 s4;
	_ =	sdelay $0x1  }
0xa1: {  	s23 =	simm.s32 $0x1B8B  }
0xa2: {  	_ =	swait.ge [sflag:s23], $0x1  }
0xa3: {  	[sflag:s23] =	ssyncset.done $0x0  }
0xa4: {  	s25 =	simm.s32 $0x1B8E;
	s24 =	sld [smem:$0x3FFE];
	[sflag:s23] =	ssyncadd.s32 $0xFFFFFFFF  }
0xa5: {  	s26 =	simm.s32 $execute0_lowered;
	[smem:$0x3FD2] =	sst s25  }
0xa6: {  	s5 =	sshll.u32 s26, $0x1;
	_ =	strace $0x80000046;
	[dreg:$0x1] =	wrdreg $0xFFFFFFFF  }
0xa7: {  	s28 =	simm.s32 $_size_execute0_lowered;
	s3 =	sadd.s32 s3, s5;
	[dreg:$0x0] =	wrdreg $0x0  }
0xa8: {  	s5 =	sshll.u32 s28, $0x1;
	[dreg:$0x2] =	wrdreg s3  }
0xa9: {  	[dreg:$0x3] =	wrdreg s5  }
0xaa: {  	[dreg:$0x4] =	wrdreg $0xC0  }
0xab: {  	_ =	task [dreg:s7], $0x5FFFF  }
0xac: {  	[dreg:$0x1] =	wrdreg $0xFFFFFFFF  }
0xad: {  	[dreg:$0x0] =	wrdreg $0x60  }
0xae: {  	[dreg:$0x2] =	wrdreg s2  }
0xaf: {  	[dreg:$0x3] =	wrdreg s24  }
0xb0: {  	[dreg:$0x4] =	wrdreg $0x9  }
0xb1: {  	_ =	task.clear_ibuf [dreg:s7], $0x5FFFF;
	_ =	strace $0x90000046  }
0xb2: {  	s29 =	simm.s32 $0x9;
	_ =	strace $0x80000048  }
0xb3: {  	_ =	swait.ge [sflag:s29], $0x1  }
0xb4: {  	[sflag:s29] =	ssyncadd.s32 $0xFFFFFFFF  }
0xb5: {  	_ =	strace $0x90000048  }
0xb6: {  	_ =	sfence  }
0xb7: {  	s30 =	sld [smem:$0x0];
	_ =	sdelay $0x2  }
0xb8: {  	s31 =	sshll.u32 s1, $0xD;
	s1 =	sshrl.u32 s1, $0x2  }
0xb9: {  	s3 =	sand.u32 $0x4000, s31;
	s1 =	sadd.s32 s1, s30  }
0xba: {  	s0 =	sor.u32 s3, s0;
	s1 =	sshll.u32 s1, $0x11  }
0xbb: {  	s0 =	sor.u32 s1, s0  }
0xbc: {  	s0 =	sadd.s32 $0x8F2B, s0  }
0xbd: {  	[sflag:s0] =	ssyncadd.remote.s32 $0x1  }
0xbe: {  	_ =	sfence.sel $0xFFFF  }
0xbf: {  	[dreg:$0x0] =	wrdreg $0xFFFFFFFF;
	(pc) =	sbr.abs _section_cstart, $3  }
0xc0: {  	[dreg:$0x1] =	wrdreg $0xFFFFFFFF  }
0xc1: {  	_ =	task.clear_ibuf [dreg:s7], $0x2FFFF;
	_ =	strace $0x9FFFFFFF  }
0xc2: {  	(tm) =	ssettm $0x7FFFFFFF  }
0xc3: {  	_ =	shalt  }
tec
execute0_lowered:
.L_overlay_start_1:
0x0: {  	(tag) =	ssettag $0x1  }
0x1: {  	s2 =	rddreg [dreg:$0x0];
	s1 =	srdreg.scid  }
0x2: {  	s0 =	stileid.u32;
	s4 =	rddreg [dreg:$0x1]  }
0x3: {  	s3 =	simm.s32 $0x0;
	s9 =	simm.s32 $0x3;
	s10 =	simm.s32 $0x4800  }
0x4: {  	s11 =	simm.s32 $0x80;
	s12 =	simm.s32 $0x9000;
	s13 =	simm.s32 $0xF000  }
0x5: {  	s14 =	simm.s32 $0x1;
	s15 =	simm.s32 $0x15000;
	s16 =	simm.s32 $0x2  }
0x6: {  	s17 =	simm.s32 $0x16800;
	s5 =	sand.u32 $0x1, s1;
	s6 =	sshll.u32 s0, $0x1  }
0x7: {  	s18 =	simm.s32 $0x0;
	s6 =	sor.u32 s5, s6;
	s5 =	ssub.s32 $0x2, s5  }
0x8: {  	[smem:$0x7FF] =	sst s3;
	s7 =	smul.u32 $0x900, s6;
	s8 =	sshrl.u32 s5, $0x1  }
0x9: {  	s1 =	rddreg [dreg:$0x2];
	_ =	strace $0x80000047;
	s8 =	ssub.s32 s5, s8  }
0xa: {  	s5 =	smul.u32 $0x1200, s6;
	s7 =	sadd.s32 s7, s4;
	s4 =	sadd.s32 $0x24C00, s4  }
0xb: {  	s8 =	smax.u32 s8, $0x1;
	s6 =	sadd.s32 $0x12C00, s7;
	s7 =	sadd.s32 $0xC00, s7  }
.LBB2_1:
0xc: {  	[tilespmem:s3], [sflag:$0x3] =	stream.linear.gather [hbm4b:s6+s3], $0x4800, $0x38;
	[tilespmem:$0x18000] =	vst v63  }
0xd: {  	_ =	swait.ge [sflag:s9], $0x4800  }
0xe: {  	[sflag:s9] =	ssyncset.done $0x0  }
0xf: {  	[sflag:s9] =	ssyncadd.s32 $0xFFFFB800  }
0x10: {  	[tilespmem:s10], [sflag:$0x3] =	stream.linear.gather [hbm4b:s7+s3], $0x4800, $0x38;
	[tilespmem:$0x18000] =	vst v63  }
0x11: {  	_ =	swait.ge [sflag:s9], $0x4800  }
0x12: {  	[sflag:s9] =	ssyncset.done $0x0  }
0x13: {  	s19 =	simm.s32 $0x0;
	[sflag:s9] =	ssyncadd.s32 $0xFFFFB800  }
0x14: {  	[tilespmem:s12], [sflag:$0x1] =	stream.indirect.gather [hbm4b:s2+s11], $0xC0, s3, s11, $0xb8;
	[tilespmem:$0x18000] =	vst v63  }
.LBB2_2:
0x15: {  	s21 =	sshll.u32 s19, $0x1  }
0x16: {  	s20 =	sshllo.u32 s19, $0x1;
	s23 =	simm.s32 $0x0;
	s29 =	simm.s32 $0x60  }
0x17: {  	s24 =	simm.s32 $0x40;
	s22 =	sshll.u32 s21, $0x7;
	s21 =	sshll.u32 s20, $0x7;
	v1 =	vmov s23;
	v2 =	vmov s29  }
0x18: {  	s30 =	simm.s32 $0x20;
	v3 =	vmov s24;
	v0 =	vmov s22;
	s25 =	sand.u32 $0x3FFFFF80, s21;
	v1 =	vand.u32 $0x1E, v1  }
0x19: {  	v4 =	vmov s30;
	v2 =	vand.u32 $0x7E, v2;
	[tilespmem:s13], [sflag:$0x1] =	stream.indirect.gather [hbm4b:s2+s11], $0xC0, s25, s11, $0xb8;
	v1 =	vor.u32 v0, v1;
	[tilespmem:$0x18000] =	vst v63  }
0x1a: {  	v3 =	vand.u32 $0x5E, v3;
	v2 =	vor.u32 v0, v2;
	_ =	swait.ge [sflag:s14], $0x6000;
	v1 =	vbroadcast v1, $0x0  }
0x1b: {  	p0 =	seq.s32 s19, $0x0;
	v4 =	vand.u32 $0x3E, v4;
	v3 =	vor.u32 v0, v3;
	v2 =	vbroadcast v2, $0x0;
	[sflag:s14] =	ssyncset.done $0x0  }
0x1c: {  	s24 =	simm.s32 @!p0 $0x2;
	v4 =	vor.u32 v0, v4;
	v3 =	vbroadcast v3, $0x0;
	[sflag:s14] =	ssyncadd.s32 $0xFFFFA000  }
0x1d: {  	v4 =	vbroadcast v4, $0x0;
	_ =	swait.ge @!p0 [sflag:s24], $0x1800  }
0x1e: {  	[sflag:s24] =	ssyncset.done @!p0 $0x0  }
0x1f: {  	[sflag:s24] =	ssyncadd.s32 @!p0 $0xFFFFE800  }
0x20: {  	v8 =	vld.idx.msk [tilespmem:v1+s10+$0x0], $0xffff  }
0x21: {  	v2 =	vld.idx.msk [tilespmem:v2+s10+$0x0], $0xffff  }
0x22: {  	v3 =	vld.idx.msk [tilespmem:v3+s10+$0x0], $0xffff  }
0x23: {  	s22 =	simm.s32 $0x0;
	v9 =	vld.idx.msk [tilespmem:v4+s10+$0x0], $0xffff  }
0x24: {  	v10 =	vld [tilespmem:s22+$0x9170]  }
0x25: {  	v12 =	vld [tilespmem:s22+$0xA970]  }
0x26: {  	v13 =	vld [tilespmem:s22+$0x9000]  }
0x27: {  	v14 =	vld [tilespmem:s22+$0xA800]  }
0x28: {  	v15 =	vld [tilespmem:s22+$0x9010]  }
0x29: {  	v16 =	vld [tilespmem:s22+$0xA810]  }
0x2a: {  	v17 =	vld [tilespmem:s22+$0x9020]  }
0x2b: {  	v18 =	vld [tilespmem:s22+$0xA820]  }
0x2c: {  	v19 =	vld [tilespmem:s22+$0x9030]  }
0x2d: {  	v20 =	vld [tilespmem:s22+$0xA830]  }
0x2e: {  	v21 =	vld [tilespmem:s22+$0x9040]  }
0x2f: {  	v22 =	vld [tilespmem:s22+$0xA840]  }
0x30: {  	v23 =	vld [tilespmem:s22+$0x9050]  }
0x31: {  	v24 =	vld [tilespmem:s22+$0xA850]  }
0x32: {  	v25 =	vld [tilespmem:s22+$0x9060]  }
0x33: {  	v26 =	vld [tilespmem:s22+$0xA860]  }
0x34: {  	v27 =	vld [tilespmem:s22+$0x9070]  }
0x35: {  	v28 =	vld [tilespmem:s22+$0xA870]  }
0x36: {  	v29 =	vld [tilespmem:s22+$0x9080]  }
0x37: {  	v30 =	vld [tilespmem:s22+$0x9090]  }
0x38: {  	v31 =	vld [tilespmem:s22+$0x90A0]  }
0x39: {  	v32 =	vld [tilespmem:s22+$0x90B0]  }
0x3a: {  	v33 =	vld [tilespmem:s22+$0x90C0]  }
0x3b: {  	v34 =	vld [tilespmem:s22+$0xA8C0]  }
0x3c: {  	v35 =	vld [tilespmem:s22+$0x90D0]  }
0x3d: {  	v36 =	vld [tilespmem:s22+$0xA8D0]  }
0x3e: {  	v37 =	vld [tilespmem:s22+$0x90E0]  }
0x3f: {  	v38 =	vld [tilespmem:s22+$0xA8E0]  }
0x40: {  	v39 =	vld [tilespmem:s22+$0x90F0]  }
0x41: {  	s31 =	simm.s32 $0x1;
	v40 =	vld [tilespmem:s22+$0xA8F0]  }
0x42: {  	v5 =	vmov s31;
	v41 =	vld [tilespmem:s22+$0x9100]  }
0x43: {  	v5 =	vand.u32 $0x1F, v5;
	v42 =	vld [tilespmem:s22+$0xA900]  }
0x44: {  	s25 =	simm.s32 $0x21;
	v5 =	vor.u32 v0, v5;
	v43 =	vld [tilespmem:s22+$0x9110]  }
0x45: {  	v6 =	vmov s25;
	v5 =	vbroadcast v5, $0x0;
	v44 =	vld [tilespmem:s22+$0xA910]  }
0x46: {  	s26 =	simm.s32 $0x41;
	v6 =	vand.u32 $0x3F, v6;
	v45 =	vld [tilespmem:s22+$0x9120]  }
0x47: {  	s28 =	simm.s32 $0x61;
	v7 =	vmov s26;
	v6 =	vor.u32 v0, v6;
	v46 =	vld [tilespmem:s22+$0xA920]  }
0x48: {  	v1 =	vbroadcast v6, $0x0;
	v6 =	vand.u32 $0x5F, v7;
	v7 =	vmov s28;
	v47 =	vld [tilespmem:s22+$0x9130]  }
0x49: {  	v48 =	vld [tilespmem:s22+$0xA930];
	v7 =	vand.u32 $0x7F, v7  }
0x4a: {  	v51 =	vld [tilespmem:s22+$0xC080];
	v6 =	vor.u32 v0, v6;
	v4 =	vor.u32 v0, v7  }
0x4b: {  	v6 =	vbroadcast v6, $0x0;
	v7 =	vbroadcast v4, $0x0;
	v4 =	vld.idx.msk [tilespmem:v5+s10+$0x0], $0xffff  }
0x4c: {  	v54 =	vld [tilespmem:s22+$0xC090];
	v13 =	vmul.f32 v13, v8;
	v14 =	vmul.f32 v14, v9  }
0x4d: {  	v57 =	vld [tilespmem:s22+$0xC0A0];
	v15 =	vmul.f32 v15, v8;
	v16 =	vmul.f32 v16, v9  }
0x4e: {  	v5 =	vld.idx.msk [tilespmem:v1+s10+$0x0], $0xffff;
	v13 =	vadd.f32 v14, v13;
	v14 =	vmul.f32 v17, v8  }
0x4f: {  	v17 =	vmul.f32 v18, v9;
	v18 =	vld [tilespmem:s22+$0x9140];
	v15 =	vadd.f32 v16, v15;
	v16 =	vmul.f32 v19, v8  }
0x50: {  	v19 =	vmul.f32 v20, v9;
	v20 =	vld [tilespmem:s22+$0xA940];
	v10 =	vmul.f32 v10, v4  }
0x51: {  	v11 =	vld.idx.msk [tilespmem:v6+s10+$0x0], $0xffff;
	v62 =	vmul.f32 v39, v4;
	v49 =	vmul.f32 v41, v4  }
0x52: {  	v6 =	vld [tilespmem:s22+$0xC170];
	v52 =	vmul.f32 v43, v4;
	v55 =	vmul.f32 v45, v4  }
0x53: {  	v58 =	vmul.f32 v47, v4;
	v1 =	vld.idx.msk [tilespmem:v7+s10+$0x0], $0xffff;
	v14 =	vadd.f32 v17, v14;
	v17 =	vmul.f32 v21, v8  }
0x54: {  	v7 =	vld [tilespmem:s22+$0xD970];
	v21 =	vmul.f32 v22, v9;
	v16 =	vadd.f32 v19, v16;
	v19 =	vmul.f32 v23, v8  }
0x55: {  	v22 =	vld [tilespmem:s22+$0x9150];
	v23 =	vmul.f32 v24, v9;
	v12 =	vmul.f32 v12, v5  }
0x56: {  	v24 =	vld [tilespmem:s22+$0xA950];
	v17 =	vadd.f32 v21, v17;
	v21 =	vmul.f32 v25, v8;
	v25 =	vmul.f32 v26, v9  }
0x57: {  	v26 =	vld [tilespmem:s22+$0x9160];
	v19 =	vadd.f32 v23, v19;
	v23 =	vmul.f32 v27, v8;
	v27 =	vmul.f32 v28, v9  }
0x58: {  	v28 =	vld [tilespmem:s22+$0xA960];
	v60 =	vmul.f32 v36, v5;
	v61 =	vmul.f32 v38, v5  }
0x59: {  	v36 =	vld [tilespmem:s22+$0xC060];
	v63 =	vmul.f32 v40, v5;
	v10 =	vadd.f32 v12, v10;
	v6 =	vmul.f32 v6, v11  }
0x5a: {  	v50 =	vmul.f32 v42, v5;
	v53 =	vmul.f32 v44, v5;
	v12 =	vld [tilespmem:s22+$0xA880]  }
0x5b: {  	v56 =	vmul.f32 v46, v5;
	v7 =	vmul.f32 v7, v1;
	v6 =	vadd.f32 v6, v10;
	v10 =	vld [tilespmem:s22+$0xA890]  }
0x5c: {  	v38 =	vld [tilespmem:s22+$0xC070];
	v59 =	vmul.f32 v48, v5;
	v18 =	vmul.f32 v18, v4  }
0x5d: {  	v21 =	vadd.f32 v25, v21;
	v25 =	vmul.f32 v29, v8;
	v29 =	vld [tilespmem:s22+$0xC000];
	v6 =	vadd.f32 v7, v6  }
0x5e: {  	v20 =	vmul.f32 v20, v5;
	v23 =	vadd.f32 v27, v23;
	v27 =	vmul.f32 v30, v8;
	v7 =	vld [tilespmem:s22+$0xA8A0]  }
0x5f: {  	v39 =	vadd.f32 v56, v55;
	v22 =	vmul.f32 v22, v4;
	v12 =	vmul.f32 v12, v9;
	[tilespmem:s22+$0x15170] =	vst v6;
	v6 =	vld [tilespmem:s22+$0xA8B0]  }
0x60: {  	v41 =	vadd.f32 v59, v58;
	v55 =	vld [tilespmem:s22+$0xD820];
	v24 =	vmul.f32 v24, v5;
	v10 =	vmul.f32 v10, v9  }
0x61: {  	v12 =	vadd.f32 v12, v25;
	v25 =	vmul.f32 v31, v8;
	v8 =	vmul.f32 v32, v8;
	v32 =	vld [tilespmem:s22+$0xC040]  }
0x62: {  	v48 =	vld [tilespmem:s22+$0xC120];
	v18 =	vadd.f32 v20, v18;
	v22 =	vadd.f32 v24, v22;
	v24 =	vmul.f32 v29, v3  }
0x63: {  	v30 =	vld [tilespmem:s22+$0xC010];
	v7 =	vmul.f32 v7, v9;
	v10 =	vadd.f32 v10, v27;
	v27 =	vmul.f32 v34, v5  }
0x64: {  	v20 =	vld [tilespmem:s22+$0xC0E0];
	v13 =	vadd.f32 v24, v13;
	v5 =	vmul.f32 v28, v5;
	v6 =	vmul.f32 v6, v9  }
0x65: {  	v31 =	vld [tilespmem:s22+$0xC020];
	v28 =	vmul.f32 v55, v2;
	v7 =	vadd.f32 v7, v25;
	v25 =	vmul.f32 v33, v4  }
0x66: {  	v9 =	vld [tilespmem:s22+$0xC030];
	v33 =	vadd.f32 v63, v62;
	v24 =	vmul.f32 v32, v3;
	v6 =	vadd.f32 v6, v8  }
0x67: {  	v34 =	vld [tilespmem:s22+$0xC050];
	v8 =	vmul.f32 v35, v4;
	v25 =	vadd.f32 v27, v25;
	v27 =	vmul.f32 v37, v4  }
0x68: {  	v62 =	vld [tilespmem:s22+$0xC0D0];
	v35 =	vadd.f32 v50, v49;
	v4 =	vmul.f32 v26, v4;
	v50 =	vmul.f32 v54, v3  }
0x69: {  	v17 =	vadd.f32 v24, v17;
	v24 =	vmul.f32 v38, v3;
	v8 =	vadd.f32 v60, v8;
	v60 =	vld [tilespmem:s22+$0xC0B0]  }
0x6a: {  	v27 =	vadd.f32 v61, v27;
	v61 =	vld [tilespmem:s22+$0xC0C0];
	v47 =	vadd.f32 v5, v4;
	v4 =	vmul.f32 v31, v3  }
0x6b: {  	v26 =	vmul.f32 v30, v3;
	v32 =	vadd.f32 v50, v10;
	v10 =	vld [tilespmem:s22+$0xD800];
	v5 =	vmul.f32 v9, v3  }
0x6c: {  	v23 =	vadd.f32 v24, v23;
	v24 =	vld [tilespmem:s22+$0xC150];
	v14 =	vadd.f32 v4, v14;
	v4 =	vmul.f32 v34, v3  }
0x6d: {  	v63 =	vld [tilespmem:s22+$0xC0F0];
	v37 =	vadd.f32 v53, v52;
	v16 =	vadd.f32 v5, v16;
	v5 =	vmul.f32 v36, v3  }
0x6e: {  	v49 =	vld [tilespmem:s22+$0xC130];
	v15 =	vadd.f32 v26, v15;
	v19 =	vadd.f32 v4, v19;
	v4 =	vmul.f32 v51, v3  }
0x6f: {  	v9 =	vld [tilespmem:s22+$0xC100];
	v14 =	vadd.f32 v28, v14;
	v21 =	vadd.f32 v5, v21;
	v5 =	vmul.f32 v57, v3  }
0x70: {  	s29 =	simm.s32 $0x62;
	v26 =	vld [tilespmem:s22+$0xC110];
	v3 =	vmul.f32 v60, v3;
	v57 =	vmul.f32 v10, v2;
	v52 =	vadd.f32 v4, v12  }
0x71: {  	v51 =	vld [tilespmem:s22+$0xC140];
	v4 =	vmul.f32 v61, v11;
	v24 =	vmul.f32 v24, v11;
	v61 =	vmov s29  }
0x72: {  	v53 =	vadd.f32 v5, v7;
	v5 =	vmul.f32 v62, v11;
	v54 =	vadd.f32 v3, v6  }
0x73: {  	v58 =	vld [tilespmem:s22+$0xD850];
	v3 =	vmul.f32 v20, v11;
	v7 =	vmul.f32 v63, v11;
	v13 =	vadd.f32 v57, v13  }
0x74: {  	v20 =	vld [tilespmem:s22+$0xD810];
	v25 =	vadd.f32 v4, v25;
	v6 =	vadd.f32 v5, v8;
	v5 =	vmul.f32 v9, v11  }
0x75: {  	v12 =	vld [tilespmem:s22+$0xC160];
	v4 =	vadd.f32 v7, v33;
	v7 =	vmul.f32 v26, v11;
	v8 =	vmul.f32 v48, v11  }
0x76: {  	s26 =	simm.s32 $0x42;
	v3 =	vadd.f32 v3, v27;
	v26 =	vld [tilespmem:s22+$0xD830];
	v9 =	vmul.f32 v49, v11;
	v56 =	vmul.f32 v51, v11  }
0x77: {  	v27 =	vld [tilespmem:s22+$0xD840];
	[tilespmem:s22+$0x15000] =	vst v13;
	v13 =	vmov s26;
	v5 =	vadd.f32 v5, v35;
	v7 =	vadd.f32 v7, v37  }
0x78: {  	s24 =	simm.s32 $0x2;
	v59 =	vld [tilespmem:s22+$0xD860];
	v13 =	vand.u32 $0x5E, v13;
	v8 =	vadd.f32 v8, v39;
	v9 =	vadd.f32 v9, v41  }
0x79: {  	s30 =	simm.s32 $0x22;
	v62 =	vld [tilespmem:s22+$0xD8A0];
	v10 =	vadd.f32 v56, v18;
	v18 =	vmov s24;
	v20 =	vmul.f32 v20, v2  }
0x7a: {  	v60 =	vld [tilespmem:s22+$0xD870];
	v11 =	vmul.f32 v12, v11;
	v12 =	vadd.f32 v24, v22;
	v24 =	vmov s30  }
0x7b: {  	v63 =	vor.u32 v0, v13;
	v15 =	vadd.f32 v20, v15;
	v20 =	vld [tilespmem:s22+$0xD880];
	v26 =	vmul.f32 v26, v2  }
0x7c: {  	[tilespmem:s22+$0x15020] =	vst v14;
	v22 =	vld [tilespmem:s22+$0xD890];
	v18 =	vand.u32 $0x1E, v18;
	v14 =	vand.u32 $0x3E, v24;
	v27 =	vmul.f32 v27, v2  }
0x7d: {  	v24 =	vmul.f32 v59, v2;
	v16 =	vadd.f32 v26, v16;
	v26 =	vmul.f32 v58, v2  }
0x7e: {  	v28 =	vmul.f32 v62, v2;
	v11 =	vadd.f32 v11, v47;
	[tilespmem:s22+$0x15010] =	vst v15;
	v17 =	vadd.f32 v27, v17;
	v27 =	vld [tilespmem:s22+$0xD8B0]  }
0x7f: {  	v18 =	vor.u32 v0, v18;
	[tilespmem:s22+$0x15030] =	vst v16;
	v16 =	vadd.f32 v26, v19;
	v19 =	vmul.f32 v60, v2;
	v26 =	vld [tilespmem:s22+$0xD8C0]  }
0x80: {  	v13 =	vbroadcast v18, $0x0;
	[tilespmem:s22+$0x15040] =	vst v17;
	v17 =	vadd.f32 v24, v21;
	v24 =	vld [tilespmem:s22+$0xD8D0];
	v20 =	vmul.f32 v20, v2  }
0x81: {  	v15 =	vand.u32 $0x7E, v61;
	[tilespmem:s22+$0x15050] =	vst v16;
	v18 =	vadd.f32 v19, v23;
	v19 =	vmul.f32 v22, v2;
	v23 =	vld [tilespmem:s22+$0xD8E0]  }
0x82: {  	v14 =	vor.u32 v0, v14;
	v15 =	vor.u32 v0, v15;
	v21 =	vld [tilespmem:s22+$0xD8F0];
	[tilespmem:s22+$0x15060] =	vst v17;
	v20 =	vadd.f32 v20, v52  }
0x83: {  	v16 =	vbroadcast v15, $0x0;
	v22 =	vld [tilespmem:s22+$0xD900];
	v2 =	vmul.f32 v27, v2;
	[tilespmem:s22+$0x15070] =	vst v18;
	v15 =	vadd.f32 v19, v32  }
0x84: {  	v17 =	vbroadcast v63, $0x0;
	v19 =	vadd.f32 v28, v53;
	[tilespmem:s22+$0x15080] =	vst v20;
	v27 =	vmul.f32 v26, v1;
	v20 =	vld [tilespmem:s22+$0xD910]  }
0x85: {  	s31 =	simm.s32 $0x3;
	v26 =	vbroadcast v14, $0x0;
	v14 =	vadd.f32 v2, v54;
	v18 =	vmul.f32 v24, v1;
	v24 =	vld [tilespmem:s22+$0xD920];
	[tilespmem:s22+$0x15090] =	vst v15  }
0x86: {  	s25 =	simm.s32 $0x4;
	s26 =	simm.s32 $0x23;
	v15 =	vmov s31;
	[tilespmem:s22+$0x150A0] =	vst v19;
	v2 =	vadd.f32 v27, v25;
	v19 =	vmul.f32 v23, v1;
	v25 =	vld [tilespmem:s22+$0xD930]  }
.LBB2_3:
0x87: {  	p1 =	slt.u32 s25, $0x1E;
	v15 =	vand.u32 $0x1F, v15;
	v23 =	vmov s26;
	[tilespmem:s22+$0x150B0] =	vst v14;
	v21 =	vmul.f32 v21, v1;
	v27 =	vld [tilespmem:s22+$0xD940]  }
0x88: {  	s26 =	sadd.s32 $0x41, s24;
	v14 =	vor.u32 v0, v15;
	v15 =	vand.u32 $0x3F, v23;
	[tilespmem:s22+$0x150C0] =	vst v2;
	v22 =	vmul.f32 v22, v1;
	v23 =	vld [tilespmem:s22+$0xD950]  }
0x89: {  	v28 =	vbroadcast v14, $0x0;
	v2 =	vor.u32 v0, v15;
	v14 =	vmov s26;
	v29 =	vld [tilespmem:s22+$0xD960]  }
0x8a: {  	s26 =	sadd.s32 $0x61, s24;
	v20 =	vmul.f32 v20, v1;
	s24 =	smov.u32 s25;
	v15 =	vld.idx.msk [tilespmem:v13+s10+$0x0], $0xffff;
	v13 =	vbroadcast v2, $0x0;
	v14 =	vand.u32 $0x5F, v14  }
0x8b: {  	v30 =	vmov s26;
	v24 =	vmul.f32 v24, v1;
	v2 =	vld.idx.msk [tilespmem:v16+s10+$0x0], $0xffff;
	v16 =	vor.u32 v0, v14  }
0x8c: {  	s23 =	sadd.s32 $0x600, s23;
	v30 =	vand.u32 $0x7F, v30;
	v25 =	vmul.f32 v25, v1;
	v14 =	vld.idx.msk [tilespmem:v17+s10+$0x0], $0xffff;
	v17 =	vbroadcast v16, $0x0  }
0x8d: {  	s26 =	sshra.s32 s23, $0x2;
	v27 =	vmul.f32 v27, v1;
	v16 =	vld.idx.msk [tilespmem:v26+s10+$0x0], $0xffff;
	v26 =	vor.u32 v0, v30;
	v23 =	vmul.f32 v23, v1  }
0x8e: {  	v18 =	vadd.f32 v18, v6;
	v26 =	vbroadcast v26, $0x0;
	v30 =	vld [tilespmem:s26+$0x9170];
	v1 =	vmul.f32 v29, v1  }
0x8f: {  	v19 =	vadd.f32 v19, v3;
	v4 =	vadd.f32 v21, v4;
	v6 =	vld.idx.msk [tilespmem:v28+s10+$0x0], $0xffff  }
0x90: {  	v5 =	vadd.f32 v22, v5;
	v7 =	vadd.f32 v20, v7;
	v3 =	vld.idx.msk [tilespmem:v13+s10+$0x0], $0xffff;
	[tilespmem:s22+$0x150D0] =	vst v18  }
0x91: {  	v8 =	vadd.f32 v24, v8;
	v9 =	vadd.f32 v25, v9;
	v18 =	vld [tilespmem:s26+$0xA970];
	[tilespmem:s22+$0x150E0] =	vst v19  }
0x92: {  	v13 =	vld.idx.msk [tilespmem:v17+s10+$0x0], $0xffff;
	[tilespmem:s22+$0x150F0] =	vst v4;
	v4 =	vadd.f32 v27, v10;
	v10 =	vadd.f32 v23, v12  }
0x93: {  	v12 =	vld [tilespmem:s26+$0xC170];
	[tilespmem:s22+$0x15100] =	vst v5;
	v5 =	vadd.f32 v1, v11  }
0x94: {  	v1 =	vld.idx.msk [tilespmem:v26+s10+$0x0], $0xffff;
	[tilespmem:s22+$0x15110] =	vst v7  }
0x95: {  	v7 =	vld [tilespmem:s26+$0xD970];
	[tilespmem:s22+$0x15120] =	vst v8  }
0x96: {  	v11 =	vmul.f32 v30, v6;
	v8 =	vld [tilespmem:s26+$0x9000];
	v17 =	vmul.f32 v18, v3;
	[tilespmem:s22+$0x15130] =	vst v9  }
0x97: {  	v9 =	vld [tilespmem:s26+$0xA800];
	[tilespmem:s22+$0x15140] =	vst v4  }
0x98: {  	v4 =	vld [tilespmem:s26+$0x9010];
	v11 =	vadd.f32 v17, v11;
	v12 =	vmul.f32 v12, v13;
	[tilespmem:s22+$0x15150] =	vst v10  }
0x99: {  	v10 =	vld [tilespmem:s26+$0xA810];
	[tilespmem:s22+$0x15160] =	vst v5;
	s22 =	smov.u32 s26  }
0x9a: {  	v5 =	vld [tilespmem:s22+$0x9020];
	v11 =	vadd.f32 v12, v11;
	v7 =	vmul.f32 v7, v1  }
0x9b: {  	v8 =	vmul.f32 v8, v15;
	v12 =	vld [tilespmem:s22+$0xA820]  }
0x9c: {  	v9 =	vmul.f32 v9, v16;
	v17 =	vld [tilespmem:s22+$0x9030];
	v7 =	vadd.f32 v7, v11  }
0x9d: {  	v11 =	vmul.f32 v4, v15;
	v18 =	vld [tilespmem:s22+$0xA830]  }
0x9e: {  	v4 =	vadd.f32 v9, v8;
	v8 =	vmul.f32 v10, v16;
	v9 =	vld [tilespmem:s22+$0x9040];
	[tilespmem:s22+$0x15170] =	vst v7  }
0x9f: {  	v7 =	vmul.f32 v5, v15;
	v10 =	vld [tilespmem:s22+$0xA840]  }
0xa0: {  	v5 =	vadd.f32 v8, v11;
	v8 =	vmul.f32 v12, v16;
	v11 =	vld [tilespmem:s22+$0x9050]  }
0xa1: {  	v12 =	vmul.f32 v17, v15;
	v17 =	vld [tilespmem:s22+$0xA850]  }
0xa2: {  	v7 =	vadd.f32 v8, v7;
	v8 =	vmul.f32 v18, v16;
	v18 =	vld [tilespmem:s22+$0x9060]  }
0xa3: {  	v9 =	vmul.f32 v9, v15;
	v19 =	vld [tilespmem:s22+$0xA860]  }
0xa4: {  	v8 =	vadd.f32 v8, v12;
	v10 =	vmul.f32 v10, v16;
	v12 =	vld [tilespmem:s22+$0x9070]  }
0xa5: {  	v11 =	vmul.f32 v11, v15;
	v20 =	vld [tilespmem:s22+$0xA870]  }
0xa6: {  	v9 =	vadd.f32 v10, v9;
	v10 =	vmul.f32 v17, v16;
	v17 =	vld [tilespmem:s22+$0x9080]  }
0xa7: {  	v18 =	vmul.f32 v18, v15;
	v21 =	vld [tilespmem:s22+$0xA880]  }
0xa8: {  	v10 =	vadd.f32 v10, v11;
	v11 =	vmul.f32 v19, v16;
	v19 =	vld [tilespmem:s22+$0x9090]  }
0xa9: {  	v12 =	vmul.f32 v12, v15;
	v22 =	vld [tilespmem:s22+$0xA890]  }
0xaa: {  	v11 =	vadd.f32 v11, v18;
	v18 =	vmul.f32 v20, v16;
	v20 =	vld [tilespmem:s22+$0x90A0]  }
0xab: {  	v17 =	vmul.f32 v17, v15;
	v23 =	vld [tilespmem:s22+$0xA8A0]  }
0xac: {  	v12 =	vadd.f32 v18, v12;
	v18 =	vmul.f32 v21, v16;
	v21 =	vld [tilespmem:s22+$0x90B0]  }
0xad: {  	v19 =	vmul.f32 v19, v15;
	v24 =	vld [tilespmem:s22+$0xA8B0]  }
0xae: {  	v17 =	vadd.f32 v18, v17;
	v18 =	vmul.f32 v22, v16;
	v22 =	vld [tilespmem:s22+$0x90C0]  }
0xaf: {  	v20 =	vmul.f32 v20, v15;
	v25 =	vld [tilespmem:s22+$0xA8C0]  }
0xb0: {  	v18 =	vadd.f32 v18, v19;
	v19 =	vmul.f32 v23, v16;
	v23 =	vld [tilespmem:s22+$0x90D0]  }
0xb1: {  	v15 =	vmul.f32 v21, v15;
	v21 =	vld [tilespmem:s22+$0xA8D0]  }
0xb2: {  	v19 =	vadd.f32 v19, v20;
	v16 =	vmul.f32 v24, v16;
	v20 =	vld [tilespmem:s22+$0x90E0]  }
0xb3: {  	v22 =	vmul.f32 v22, v6;
	v24 =	vld [tilespmem:s22+$0xA8E0]  }
0xb4: {  	v15 =	vadd.f32 v16, v15;
	v16 =	vmul.f32 v25, v3;
	v25 =	vld [tilespmem:s22+$0x90F0]  }
0xb5: {  	v23 =	vmul.f32 v23, v6;
	v26 =	vld [tilespmem:s22+$0xA8F0]  }
0xb6: {  	v16 =	vadd.f32 v16, v22;
	v21 =	vmul.f32 v21, v3;
	v22 =	vld [tilespmem:s22+$0x9100]  }
0xb7: {  	v20 =	vmul.f32 v20, v6;
	v27 =	vld [tilespmem:s22+$0xA900]  }
0xb8: {  	v21 =	vadd.f32 v21, v23;
	v23 =	vmul.f32 v24, v3;
	v24 =	vld [tilespmem:s22+$0x9110]  }
0xb9: {  	v25 =	vmul.f32 v25, v6;
	v28 =	vld [tilespmem:s22+$0xA910]  }
0xba: {  	v20 =	vadd.f32 v23, v20;
	v23 =	vmul.f32 v26, v3;
	v26 =	vld [tilespmem:s22+$0x9120]  }
0xbb: {  	v22 =	vmul.f32 v22, v6;
	v29 =	vld [tilespmem:s22+$0xA920]  }
0xbc: {  	v23 =	vadd.f32 v23, v25;
	v25 =	vmul.f32 v27, v3;
	v27 =	vld [tilespmem:s22+$0x9130]  }
0xbd: {  	v24 =	vmul.f32 v24, v6;
	v30 =	vld [tilespmem:s22+$0xA930]  }
0xbe: {  	v22 =	vadd.f32 v25, v22;
	v25 =	vmul.f32 v28, v3;
	v28 =	vld [tilespmem:s22+$0x9140]  }
0xbf: {  	v26 =	vmul.f32 v26, v6;
	v31 =	vld [tilespmem:s22+$0xA940]  }
0xc0: {  	v24 =	vadd.f32 v25, v24;
	v25 =	vmul.f32 v29, v3;
	v29 =	vld [tilespmem:s22+$0x9150]  }
0xc1: {  	v27 =	vmul.f32 v27, v6;
	v32 =	vld [tilespmem:s22+$0xA950]  }
0xc2: {  	v25 =	vadd.f32 v25, v26;
	v26 =	vmul.f32 v30, v3;
	v30 =	vld [tilespmem:s22+$0x9160]  }
0xc3: {  	v28 =	vmul.f32 v28, v6;
	v33 =	vld [tilespmem:s22+$0xA960]  }
0xc4: {  	v34 =	vld [tilespmem:s22+$0xC000];
	v26 =	vadd.f32 v26, v27;
	v27 =	vmul.f32 v31, v3  }
0xc5: {  	v31 =	vld [tilespmem:s22+$0xC010];
	v29 =	vmul.f32 v29, v6  }
0xc6: {  	v35 =	vld [tilespmem:s22+$0xC020];
	v27 =	vadd.f32 v27, v28;
	v28 =	vmul.f32 v32, v3  }
0xc7: {  	v32 =	vld [tilespmem:s22+$0xC030];
	v6 =	vmul.f32 v30, v6  }
0xc8: {  	v30 =	vld [tilespmem:s22+$0xC040];
	v28 =	vadd.f32 v28, v29;
	v3 =	vmul.f32 v33, v3  }
0xc9: {  	v29 =	vmul.f32 v34, v14;
	v33 =	vld [tilespmem:s22+$0xC050]  }
0xca: {  	v31 =	vmul.f32 v31, v14;
	v34 =	vld [tilespmem:s22+$0xC060];
	v36 =	vadd.f32 v3, v6  }
0xcb: {  	v29 =	vadd.f32 v29, v4;
	v3 =	vmul.f32 v35, v14;
	v4 =	vld [tilespmem:s22+$0xC070]  }
0xcc: {  	v31 =	vadd.f32 v31, v5;
	v5 =	vmul.f32 v32, v14;
	v6 =	vld [tilespmem:s22+$0xC080]  }
0xcd: {  	v32 =	vadd.f32 v3, v7;
	v3 =	vmul.f32 v30, v14;
	v7 =	vld [tilespmem:s22+$0xC090]  }
0xce: {  	v30 =	vadd.f32 v5, v8;
	v5 =	vmul.f32 v33, v14;
	v8 =	vld [tilespmem:s22+$0xC0A0]  }
0xcf: {  	v33 =	vadd.f32 v3, v9;
	v3 =	vmul.f32 v34, v14;
	v9 =	vld [tilespmem:s22+$0xC0B0]  }
0xd0: {  	v34 =	vadd.f32 v5, v10;
	v4 =	vmul.f32 v4, v14;
	v5 =	vld [tilespmem:s22+$0xC0C0]  }
0xd1: {  	v35 =	vadd.f32 v3, v11;
	v3 =	vmul.f32 v6, v14;
	v6 =	vld [tilespmem:s22+$0xC0D0]  }
0xd2: {  	v37 =	vadd.f32 v4, v12;
	v4 =	vmul.f32 v7, v14;
	v7 =	vld [tilespmem:s22+$0xC0E0]  }
0xd3: {  	v17 =	vadd.f32 v3, v17;
	v3 =	vmul.f32 v8, v14;
	v8 =	vld [tilespmem:s22+$0xC0F0]  }
0xd4: {  	v18 =	vadd.f32 v4, v18;
	v4 =	vmul.f32 v9, v14;
	v9 =	vld [tilespmem:s22+$0xC100]  }
0xd5: {  	v14 =	vadd.f32 v3, v19;
	v3 =	vmul.f32 v5, v13;
	v5 =	vld [tilespmem:s22+$0xC110]  }
0xd6: {  	v15 =	vadd.f32 v4, v15;
	v4 =	vmul.f32 v6, v13;
	v10 =	vld [tilespmem:s22+$0xC120]  }
0xd7: {  	v19 =	vadd.f32 v3, v16;
	v3 =	vmul.f32 v7, v13;
	v11 =	vld [tilespmem:s22+$0xC130]  }
0xd8: {  	v6 =	vadd.f32 v4, v21;
	v4 =	vmul.f32 v8, v13;
	v12 =	vld [tilespmem:s22+$0xC140]  }
0xd9: {  	v3 =	vadd.f32 v3, v20;
	v7 =	vmul.f32 v9, v13;
	v16 =	vld [tilespmem:s22+$0xC150]  }
0xda: {  	v4 =	vadd.f32 v4, v23;
	v8 =	vmul.f32 v5, v13;
	v20 =	vld [tilespmem:s22+$0xC160]  }
0xdb: {  	v21 =	vld [tilespmem:s22+$0xD800];
	v5 =	vadd.f32 v7, v22;
	v9 =	vmul.f32 v10, v13  }
0xdc: {  	v22 =	vld [tilespmem:s22+$0xD810];
	v7 =	vadd.f32 v8, v24;
	v10 =	vmul.f32 v11, v13  }
0xdd: {  	v23 =	vld [tilespmem:s22+$0xD820];
	v8 =	vadd.f32 v9, v25;
	v11 =	vmul.f32 v12, v13  }
0xde: {  	s26 =	sadd.s32 $0x60, s25;
	v24 =	vmov s25;
	v25 =	vld [tilespmem:s22+$0xD830];
	v9 =	vadd.f32 v10, v26;
	v12 =	vmul.f32 v16, v13  }
0xdf: {  	s28 =	sadd.s32 $0x40, s25;
	v16 =	vmov s26;
	v26 =	vld [tilespmem:s22+$0xD840];
	v10 =	vadd.f32 v11, v27;
	v11 =	vmul.f32 v20, v13  }
0xe0: {  	v13 =	vmov s28;
	v20 =	vmul.f32 v21, v2;
	v21 =	vld [tilespmem:s22+$0xD850];
	v12 =	vadd.f32 v12, v28  }
0xe1: {  	v24 =	vand.u32 $0x1E, v24;
	s26 =	sadd.s32 $0x20, s25;
	v22 =	vmul.f32 v22, v2;
	v27 =	vld [tilespmem:s22+$0xD860];
	v11 =	vadd.f32 v11, v36  }
0xe2: {  	v28 =	vmov s26;
	v20 =	vadd.f32 v20, v29;
	v23 =	vmul.f32 v23, v2;
	v29 =	vld [tilespmem:s22+$0xD870]  }
0xe3: {  	v16 =	vand.u32 $0x7E, v16;
	v22 =	vadd.f32 v22, v31;
	v25 =	vmul.f32 v25, v2;
	v31 =	vld [tilespmem:s22+$0xD880]  }
0xe4: {  	v13 =	vand.u32 $0x5E, v13;
	[tilespmem:s22+$0x15000] =	vst v20;
	v20 =	vadd.f32 v23, v32;
	v23 =	vmul.f32 v26, v2;
	v26 =	vld [tilespmem:s22+$0xD890]  }
0xe5: {  	v24 =	vor.u32 v0, v24;
	[tilespmem:s22+$0x15010] =	vst v22;
	v22 =	vadd.f32 v25, v30;
	v21 =	vmul.f32 v21, v2;
	v25 =	vld [tilespmem:s22+$0xD8A0]  }
0xe6: {  	v28 =	vand.u32 $0x3E, v28;
	[tilespmem:s22+$0x15020] =	vst v20;
	v20 =	vadd.f32 v23, v33;
	v23 =	vmul.f32 v27, v2;
	v27 =	vld [tilespmem:s22+$0xD8B0]  }
0xe7: {  	v16 =	vor.u32 v0, v16;
	[tilespmem:s22+$0x15030] =	vst v22;
	v21 =	vadd.f32 v21, v34;
	v22 =	vmul.f32 v29, v2;
	v29 =	vld [tilespmem:s22+$0xD8C0]  }
0xe8: {  	v30 =	vor.u32 v0, v13;
	[tilespmem:s22+$0x15040] =	vst v20;
	v20 =	vadd.f32 v23, v35;
	v23 =	vmul.f32 v31, v2;
	v31 =	vld [tilespmem:s22+$0xD8D0]  }
0xe9: {  	v13 =	vbroadcast v24, $0x0;
	[tilespmem:s22+$0x15050] =	vst v21;
	v22 =	vadd.f32 v22, v37;
	v24 =	vmul.f32 v26, v2;
	v32 =	vld [tilespmem:s22+$0xD8E0]  }
.Ltmp0:
0xea: {  	v26 =	vor.u32 v0, v28;
	[tilespmem:s22+$0x15060] =	vst v20;
	v20 =	vadd.f32 v23, v17;
	v23 =	vmul.f32 v25, v2;
	v21 =	vld [tilespmem:s22+$0xD8F0];
	(pc) =	sbr.rel @p1 .LBB2_3-.Ltmp0, $4  }
0xeb: {  	v16 =	vbroadcast v16, $0x0;
	[tilespmem:s22+$0x15070] =	vst v22;
	v18 =	vadd.f32 v24, v18;
	v2 =	vmul.f32 v27, v2;
	v22 =	vld [tilespmem:s22+$0xD900]  }
0xec: {  	v17 =	vbroadcast v30, $0x0;
	[tilespmem:s22+$0x15080] =	vst v20;
	v23 =	vadd.f32 v23, v14;
	v25 =	vmul.f32 v29, v1;
	v20 =	vld [tilespmem:s22+$0xD910]  }
0xed: {  	s26 =	sadd.s32 $0x1, s25;
	v26 =	vbroadcast v26, $0x0;
	[tilespmem:s22+$0x15090] =	vst v18;
	v14 =	vadd.f32 v2, v15;
	v18 =	vmul.f32 v31, v1;
	v24 =	vld [tilespmem:s22+$0xD920]  }
0xee: {  	s25 =	sadd.s32 $0x2, s25;
	v15 =	vmov s26;
	s26 =	sadd.s32 $0x21, s24;
	[tilespmem:s22+$0x150A0] =	vst v23;
	v2 =	vadd.f32 v25, v19;
	v19 =	vmul.f32 v32, v1;
	v25 =	vld [tilespmem:s22+$0xD930]  }
0xef: {  	_ = 	snop  }
0xf0: {  	v27 =	vld [tilespmem:s22+$0xD940]  }
0xf1: {  	v28 =	vld [tilespmem:s22+$0xD950]  }
0xf2: {  	v30 =	vld [tilespmem:s22+$0xD960]  }
0xf3: {  	v23 =	vmov s26;
	v26 =	vld.idx.msk [tilespmem:v26+s10+$0x0], $0xffff  }
0xf4: {  	s23 =	sadd.s32 $0x600, s23;
	v59 =	vand.u32 $0x3F, v23;
	v23 =	vld.idx.msk [tilespmem:v13+s10+$0x0], $0xffff  }
0xf5: {  	v13 =	vld.idx.msk [tilespmem:v16+s10+$0x0], $0xffff;
	s23 =	sshra.s32 s23, $0x2  }
0xf6: {  	v33 =	vld [tilespmem:s23+$0xD970]  }
0xf7: {  	v34 =	vld [tilespmem:s23+$0x9000]  }
0xf8: {  	v35 =	vld [tilespmem:s23+$0xA800]  }
0xf9: {  	v36 =	vld [tilespmem:s23+$0x9010]  }
0xfa: {  	v37 =	vld [tilespmem:s23+$0xA810]  }
0xfb: {  	v38 =	vld [tilespmem:s23+$0x9020]  }
0xfc: {  	v39 =	vld [tilespmem:s23+$0xA820]  }
0xfd: {  	v40 =	vld [tilespmem:s23+$0x9030]  }
0xfe: {  	v41 =	vld [tilespmem:s23+$0xA830]  }
0xff: {  	v42 =	vld [tilespmem:s23+$0x9040]  }
0x100: {  	v43 =	vld [tilespmem:s23+$0xA840]  }
0x101: {  	v44 =	vld [tilespmem:s23+$0x9050]  }
0x102: {  	v45 =	vld [tilespmem:s23+$0xA850]  }
0x103: {  	v46 =	vld [tilespmem:s23+$0x9060]  }
0x104: {  	v47 =	vld [tilespmem:s23+$0xA860]  }
0x105: {  	v48 =	vld [tilespmem:s23+$0x9070]  }
0x106: {  	v49 =	vld [tilespmem:s23+$0xA870]  }
0x107: {  	v50 =	vld [tilespmem:s23+$0x9080]  }
0x108: {  	v51 =	vld [tilespmem:s23+$0xA880]  }
0x109: {  	v52 =	vld [tilespmem:s23+$0x9090]  }
0x10a: {  	v53 =	vld [tilespmem:s23+$0xA890]  }
0x10b: {  	v54 =	vld [tilespmem:s23+$0x90A0]  }
0x10c: {  	v55 =	vld [tilespmem:s23+$0xA8A0]  }
0x10d: {  	v15 =	vand.u32 $0x1F, v15;
	v56 =	vld [tilespmem:s23+$0x90B0]  }
0x10e: {  	v58 =	vor.u32 v0, v15;
	v57 =	vld [tilespmem:s23+$0xA8B0]  }
0x10f: {  	s25 =	sadd.s32 $0x41, s24;
	s30 =	sadd.s32 $0x61, s24;
	[tilespmem:s22+$0x150C0] =	vst v2;
	v2 =	vbroadcast v58, $0x0;
	v58 =	vld [tilespmem:s23+$0x90C0]  }
0x110: {  	v29 =	vmov s25;
	v62 =	vmov s30;
	v15 =	vor.u32 v0, v59;
	v59 =	vld [tilespmem:s23+$0xA8C0]  }
0x111: {  	v60 =	vand.u32 $0x5F, v29;
	v63 =	vand.u32 $0x7F, v62;
	v62 =	vld [tilespmem:s23+$0x90E0];
	v31 =	vbroadcast v15, $0x0  }
0x112: {  	v61 =	vor.u32 v0, v60;
	v15 =	vld.idx.msk [tilespmem:v17+s10+$0x0], $0xffff  }
0x113: {  	v29 =	vor.u32 v0, v63;
	v60 =	vld [tilespmem:s23+$0x90D0];
	v32 =	vbroadcast v61, $0x0  }
0x114: {  	v0 =	vbroadcast v29, $0x0;
	v29 =	vld [tilespmem:s23+$0x9170]  }
0x115: {  	v61 =	vld [tilespmem:s23+$0xA8D0]  }
0x116: {  	v16 =	vld.idx.msk [tilespmem:v2+s10+$0x0], $0xffff  }
0x117: {  	v17 =	vld.idx.msk [tilespmem:v31+s10+$0x0], $0xffff  }
0x118: {  	v31 =	vld [tilespmem:s23+$0xA970]  }
0x119: {  	v2 =	vld.idx.msk [tilespmem:v32+s10+$0x0], $0xffff  }
0x11a: {  	v32 =	vld [tilespmem:s23+$0xC170]  }
0x11b: {  	v0 =	vld.idx.msk [tilespmem:v0+s10+$0x0], $0xffff;
	[tilespmem:$0x1FFA0] =	vst v62  }
0x11c: {  	v62 =	vld [tilespmem:s23+$0x90F0];
	_ =	sdelay $0x4  }
0x11d: {  	v21 =	vmul.f32 v21, v1;
	v63 =	vld [tilespmem:s23+$0xA8E0];
	[tilespmem:$0x1FFB0] =	vst v62  }
0x11e: {  	v6 =	vadd.f32 v18, v6;
	v18 =	vmul.f32 v22, v1;
	v20 =	vmul.f32 v20, v1;
	v62 =	vld [tilespmem:s23+$0xA8F0]  }
0x11f: {  	v19 =	vadd.f32 v19, v3;
	v3 =	vmul.f32 v24, v1;
	v24 =	vmul.f32 v25, v1  }
0x120: {  	v21 =	vadd.f32 v21, v4;
	v4 =	vmul.f32 v27, v1;
	v27 =	vmul.f32 v28, v1  }
0x121: {  	v30 =	vmul.f32 v30, v1;
	v1 =	vadd.f32 v20, v7;
	v20 =	vadd.f32 v3, v8  }
0x122: {  	v8 =	vadd.f32 v24, v9;
	v7 =	vadd.f32 v4, v10  }
0x123: {  	v12 =	vadd.f32 v27, v12;
	v29 =	vmul.f32 v29, v16;
	v31 =	vmul.f32 v31, v17;
	[tilespmem:$0x1FFC0] =	vst v62  }
0x124: {  	v24 =	vmul.f32 v34, v23;
	v27 =	vmul.f32 v35, v26;
	v11 =	vadd.f32 v30, v11;
	v62 =	vld [tilespmem:s23+$0x9100]  }
0x125: {  	v30 =	vmul.f32 v36, v23;
	v32 =	vmul.f32 v32, v2;
	v9 =	vadd.f32 v31, v29  }
0x126: {  	v34 =	vmul.f32 v39, v26;
	v36 =	vmul.f32 v41, v26;
	v24 =	vadd.f32 v27, v24  }
0x127: {  	v27 =	vmul.f32 v40, v23;
	v4 =	vmul.f32 v33, v0;
	v9 =	vadd.f32 v32, v9  }
0x128: {  	v40 =	vmul.f32 v45, v26;
	v32 =	vmul.f32 v37, v26  }
0x129: {  	v27 =	vadd.f32 v36, v27;
	v4 =	vadd.f32 v4, v9;
	v9 =	vmul.f32 v38, v23;
	[tilespmem:$0x1FFD0] =	vst v62  }
0x12a: {  	v30 =	vadd.f32 v32, v30;
	v32 =	vmul.f32 v42, v23;
	v38 =	vmul.f32 v43, v26;
	v62 =	vld [tilespmem:s23+$0xA900]  }
0x12b: {  	v36 =	vmul.f32 v46, v23;
	v34 =	vadd.f32 v34, v9;
	v9 =	vmul.f32 v44, v23  }
0x12c: {  	v32 =	vadd.f32 v38, v32;
	v38 =	vmul.f32 v48, v23;
	v44 =	vmul.f32 v49, v26  }
0x12d: {  	v46 =	vmul.f32 v51, v26;
	v40 =	vadd.f32 v40, v9;
	v9 =	vmul.f32 v50, v23  }
0x12e: {  	v42 =	vmul.f32 v47, v26;
	v38 =	vadd.f32 v44, v38;
	v44 =	vmul.f32 v58, v16;
	v58 =	vld [tilespmem:$0x1FFA0]  }
0x12f: {  	v46 =	vadd.f32 v46, v9;
	v9 =	vmul.f32 v60, v16;
	v60 =	vld [tilespmem:$0x1FFC0];
	[tilespmem:$0x1FFE0] =	vst v62  }
0x130: {  	v61 =	vmul.f32 v61, v17;
	v36 =	vadd.f32 v42, v36;
	v42 =	vmul.f32 v52, v23;
	v62 =	vld [tilespmem:s23+$0x9110]  }
0x131: {  	v48 =	vmul.f32 v54, v23;
	v54 =	vmul.f32 v53, v26  }
0x132: {  	v52 =	vmul.f32 v59, v17;
	v23 =	vmul.f32 v56, v23  }
0x133: {  	v59 =	vld [tilespmem:$0x1FFB0];
	v56 =	vmul.f32 v55, v26;
	v26 =	vmul.f32 v57, v26  }
0x134: {  	v42 =	vadd.f32 v54, v42;
	v54 =	vadd.f32 v61, v9;
	v61 =	vld [tilespmem:$0x1FFD0]  }
0x135: {  	v23 =	vadd.f32 v26, v23;
	v26 =	vmul.f32 v58, v16;
	v58 =	vmul.f32 v60, v17;
	v60 =	vld [tilespmem:$0x1FFE0];
	[tilespmem:$0x1FFF0] =	vst v62  }
0x136: {  	v62 =	vld [tilespmem:s23+$0xA910]  }
0x137: {  	v22 =	vld [tilespmem:s23+$0x9120]  }
0x138: {  	v25 =	vld [tilespmem:s23+$0xA920]  }
0x139: {  	v28 =	vld [tilespmem:s23+$0x9130]  }
0x13a: {  	v5 =	vadd.f32 v18, v5;
	v18 =	vld [tilespmem:s23+$0xA930]  }
0x13b: {  	v3 =	vld [tilespmem:s23+$0x9140]  }
0x13c: {  	v29 =	vld [tilespmem:s23+$0xA940]  }
0x13d: {  	v10 =	vld [tilespmem:s23+$0x9150]  }
0x13e: {  	v31 =	vld [tilespmem:s23+$0xA950]  }
0x13f: {  	v33 =	vld [tilespmem:s23+$0x9160]  }
0x140: {  	v35 =	vld [tilespmem:s23+$0xA960]  }
0x141: {  	v37 =	vld [tilespmem:s23+$0xC000]  }
0x142: {  	v39 =	vld [tilespmem:s23+$0xC010]  }
0x143: {  	v41 =	vld [tilespmem:s23+$0xC020]  }
0x144: {  	v43 =	vld [tilespmem:s23+$0xC030]  }
0x145: {  	v45 =	vld [tilespmem:s23+$0xC040]  }
0x146: {  	v47 =	vld [tilespmem:s23+$0xC050]  }
0x147: {  	v49 =	vld [tilespmem:s23+$0xC060]  }
0x148: {  	v50 =	vld [tilespmem:s23+$0xC070]  }
0x149: {  	v51 =	vld [tilespmem:s23+$0xC080]  }
0x14a: {  	v48 =	vadd.f32 v56, v48;
	v56 =	vmul.f32 v63, v17;
	v63 =	vld [tilespmem:$0x1FFF0]  }
0x14b: {  	v53 =	vld [tilespmem:s23+$0xC090]  }
0x14c: {  	v55 =	vld [tilespmem:s23+$0xC0A0]  }
0x14d: {  	v57 =	vld [tilespmem:s23+$0xC0B0]  }
0x14e: {  	v44 =	vadd.f32 v52, v44;
	v52 =	vmul.f32 v59, v16;
	v9 =	vmul.f32 v61, v16;
	v59 =	vld [tilespmem:s23+$0xC0C0]  }
0x14f: {  	v26 =	vadd.f32 v56, v26;
	v60 =	vmul.f32 v60, v17;
	v61 =	vld [tilespmem:s23+$0xC0D0];
	v56 =	vmul.f32 v63, v16  }
0x150: {  	v52 =	vadd.f32 v58, v52;
	v58 =	vld [tilespmem:s23+$0xC0F0];
	v62 =	vmul.f32 v62, v17;
	v22 =	vmul.f32 v22, v16  }
0x151: {  	v60 =	vadd.f32 v60, v9;
	v63 =	vld [tilespmem:s23+$0xC0E0];
	v25 =	vmul.f32 v25, v17;
	v9 =	vmul.f32 v28, v16  }
0x152: {  	v18 =	vmul.f32 v18, v17;
	v28 =	vld [tilespmem:s23+$0xC100];
	v3 =	vmul.f32 v3, v16  }
0x153: {  	v29 =	vmul.f32 v29, v17;
	v31 =	vmul.f32 v31, v17;
	v56 =	vadd.f32 v62, v56;
	v62 =	vld [tilespmem:s23+$0xC110]  }
0x154: {  	v39 =	vmul.f32 v39, v15;
	v22 =	vadd.f32 v25, v22;
	v25 =	vmul.f32 v10, v16;
	v10 =	vld [tilespmem:s23+$0xC120]  }
0x155: {  	[tilespmem:s22+$0x150B0] =	vst v14;
	v43 =	vmul.f32 v43, v15;
	v16 =	vmul.f32 v33, v16;
	v33 =	vld [tilespmem:s23+$0xC130]  }
0x156: {  	[tilespmem:s22+$0x150F0] =	vst v21;
	v17 =	vmul.f32 v35, v17;
	v37 =	vmul.f32 v37, v15;
	v21 =	vadd.f32 v39, v30;
	v30 =	vld [tilespmem:s23+$0xD800]  }
0x157: {  	[tilespmem:s22+$0x15100] =	vst v5;
	v41 =	vmul.f32 v41, v15;
	v35 =	vmul.f32 v45, v15;
	v5 =	vadd.f32 v43, v27;
	v27 =	vld [tilespmem:s23+$0xD810]  }
0x158: {  	[tilespmem:s22+$0x150D0] =	vst v6;
	v45 =	vmul.f32 v53, v15;
	v53 =	vmul.f32 v59, v2;
	v18 =	vadd.f32 v18, v9;
	v43 =	vld [tilespmem:s23+$0xD820]  }
0x159: {  	[tilespmem:s22+$0x150E0] =	vst v19;
	v9 =	vadd.f32 v29, v3;
	v14 =	vadd.f32 v37, v24;
	v39 =	vmul.f32 v49, v15;
	v49 =	vld [tilespmem:s23+$0xD830]  }
0x15a: {  	[tilespmem:s22+$0x15140] =	vst v7;
	v59 =	vmul.f32 v61, v2;
	v19 =	vadd.f32 v35, v32;
	v7 =	vadd.f32 v45, v42;
	v35 =	vld [tilespmem:s23+$0xD8F0]  }
0x15b: {  	[tilespmem:s23+$0x15170] =	vst v4;
	v37 =	vmul.f32 v47, v15;
	v4 =	vadd.f32 v53, v44;
	v3 =	vadd.f32 v31, v25;
	v25 =	vld [tilespmem:s23+$0xC140]  }
0x15c: {  	[tilespmem:s22+$0x15160] =	vst v11;
	v47 =	vmul.f32 v55, v15;
	v11 =	vadd.f32 v59, v54;
	v6 =	vadd.f32 v17, v16;
	v17 =	vld [tilespmem:s23+$0xC150]  }
0x15d: {  	[tilespmem:s22+$0x15110] =	vst v1;
	v16 =	vadd.f32 v41, v34;
	v1 =	vadd.f32 v37, v40;
	v40 =	vmul.f32 v50, v15;
	v50 =	vld [tilespmem:s23+$0xD840]  }
0x15e: {  	[tilespmem:s22+$0x15120] =	vst v20;
	v41 =	vmul.f32 v51, v15;
	v20 =	vadd.f32 v39, v36;
	v51 =	vld [tilespmem:s23+$0xD850];
	v30 =	vmul.f32 v30, v13  }
0x15f: {  	v15 =	vmul.f32 v57, v15;
	v24 =	vadd.f32 v47, v48;
	v57 =	vld [tilespmem:s23+$0xD860];
	v55 =	vmul.f32 v27, v13  }
0x160: {  	[tilespmem:s22+$0x15130] =	vst v8;
	v37 =	vld [tilespmem:s23+$0xD870];
	v47 =	vmul.f32 v58, v2;
	v61 =	vmul.f32 v43, v13;
	v14 =	vadd.f32 v30, v14  }
0x161: {  	[tilespmem:s22+$0x15150] =	vst v12;
	v8 =	vadd.f32 v40, v38;
	v40 =	vld [tilespmem:s23+$0xD880];
	v39 =	vmul.f32 v49, v13;
	v38 =	vadd.f32 v55, v21  }
0x162: {  	v29 =	vadd.f32 v41, v46;
	v46 =	vld [tilespmem:s23+$0xD8A0];
	v41 =	vadd.f32 v61, v16;
	v42 =	vmul.f32 v50, v13;
	[tilespmem:s23+$0x15000] =	vst v14  }
0x163: {  	v31 =	vld [tilespmem:s23+$0xC160];
	v44 =	vmul.f32 v63, v2;
	v5 =	vadd.f32 v39, v5;
	v45 =	vmul.f32 v51, v13;
	[tilespmem:s23+$0x15010] =	vst v38  }
0x164: {  	v15 =	vadd.f32 v15, v23;
	v43 =	vld [tilespmem:s23+$0xD890];
	v48 =	vmul.f32 v57, v13;
	[tilespmem:s23+$0x15020] =	vst v41;
	v16 =	vadd.f32 v42, v19  }
0x165: {  	v49 =	vld [tilespmem:s23+$0xD8B0];
	v12 =	vadd.f32 v44, v26;
	v50 =	vmul.f32 v37, v13;
	[tilespmem:s23+$0x15030] =	vst v5;
	v1 =	vadd.f32 v45, v1  }
0x166: {  	v62 =	vmul.f32 v62, v2;
	v51 =	vld [tilespmem:s23+$0xD8C0];
	v53 =	vadd.f32 v48, v20;
	v54 =	vmul.f32 v40, v13;
	[tilespmem:s23+$0x15040] =	vst v16  }
0x167: {  	v10 =	vmul.f32 v10, v2;
	v55 =	vld [tilespmem:s23+$0xD8D0];
	v58 =	vadd.f32 v50, v8;
	v34 =	vmul.f32 v46, v13;
	[tilespmem:s23+$0x15050] =	vst v1  }
0x168: {  	v61 =	vld [tilespmem:s23+$0xD8E0];
	v14 =	vadd.f32 v47, v52;
	v48 =	vmul.f32 v35, v0;
	[tilespmem:s23+$0x15060] =	vst v53;
	v63 =	vadd.f32 v54, v29  }
0x169: {  	v57 =	vmul.f32 v28, v2;
	v38 =	vld [tilespmem:s23+$0xD900];
	v59 =	vmul.f32 v43, v13;
	[tilespmem:s23+$0x15070] =	vst v58;
	v39 =	vadd.f32 v34, v24  }
0x16a: {  	v10 =	vadd.f32 v10, v22;
	v41 =	vld [tilespmem:s23+$0xD910];
	v37 =	vmul.f32 v49, v13;
	v1 =	vadd.f32 v48, v14;
	[tilespmem:s23+$0x15080] =	vst v63  }
0x16b: {  	v23 =	vadd.f32 v57, v60;
	v45 =	vld [tilespmem:s23+$0xD920];
	v36 =	vadd.f32 v59, v7;
	v40 =	vmul.f32 v51, v0;
	[tilespmem:s23+$0x150A0] =	vst v39  }
0x16c: {  	v42 =	vadd.f32 v62, v56;
	v47 =	vld [tilespmem:s23+$0xD930];
	v43 =	vadd.f32 v37, v15;
	v44 =	vmul.f32 v55, v0;
	[tilespmem:s23+$0x150F0] =	vst v1  }
0x16d: {  	v46 =	vmul.f32 v33, v2;
	v52 =	vld [tilespmem:s23+$0xD950];
	v8 =	vmul.f32 v61, v0;
	[tilespmem:s23+$0x15090] =	vst v36;
	v4 =	vadd.f32 v40, v4  }
0x16e: {  	v50 =	vmul.f32 v25, v2;
	v49 =	vld [tilespmem:s23+$0xD940];
	[tilespmem:s23+$0x150B0] =	vst v43;
	v5 =	vadd.f32 v44, v11;
	v51 =	vmul.f32 v38, v0  }
0x16f: {  	v60 =	vmul.f32 v31, v2;
	v54 =	vld [tilespmem:s23+$0xD960];
	v8 =	vadd.f32 v8, v12;
	v19 =	vmul.f32 v41, v0;
	[tilespmem:s23+$0x150C0] =	vst v4  }
0x170: {  	v55 =	vmul.f32 v17, v2;
	v56 =	vmul.f32 v45, v0;
	[tilespmem:s23+$0x150D0] =	vst v5;
	v4 =	vadd.f32 v51, v23  }
0x171: {  	v53 =	vadd.f32 v46, v18;
	v58 =	vmul.f32 v47, v0;
	[tilespmem:s23+$0x150E0] =	vst v8;
	v59 =	vadd.f32 v19, v42  }
0x172: {  	v3 =	vadd.f32 v55, v3;
	v62 =	vmul.f32 v52, v0;
	v10 =	vadd.f32 v56, v10;
	[tilespmem:s23+$0x15100] =	vst v4  }
0x173: {  	v57 =	vadd.f32 v50, v9;
	v61 =	vmul.f32 v49, v0;
	v63 =	vadd.f32 v58, v53;
	[tilespmem:s23+$0x15110] =	vst v59  }
0x174: {  	s31 =	sshll.u32 s19, $0x6;
	p1 =	sne.s32 s19, $0x47;
	v1 =	vadd.f32 v60, v6;
	v0 =	vmul.f32 v54, v0;
	v3 =	vadd.f32 v62, v3;
	[tilespmem:s23+$0x15120] =	vst v10  }
.Ltmp1:
0x175: {  	s22 =	sadd.s32 s5, s31;
	v2 =	vadd.f32 v61, v57;
	[tilespmem:s23+$0x15130] =	vst v63;
	(pc) =	sbr.rel @p1 .LBB2_6-.Ltmp1, $4  }
0x176: {  	s22 =	smul.u32 $0x18, s22;
	v0 =	vadd.f32 v0, v1;
	[tilespmem:s23+$0x15150] =	vst v3  }
0x177: {  	[tilespmem:s23+$0x15140] =	vst v2  }
0x178: {  	s22 =	sadd.s32 s4, s22;
	[tilespmem:s23+$0x15160] =	vst v0  }
0x179: {  	[hbm4b:s22+s3] =	stream.linear.scatter [tilespmem:s15], [sflag:$0x2], $0x1800, $0x38;
	[tilespmem:$0x18000] =	vst v63  }
.Ltmp2:
0x17a: {  	(pc) =	sbr.rel .LBB2_7-.Ltmp2, $4  }
0x17b: {  	_ = 	snop  }
0x17c: {  	_ =	swait.ge [sflag:s14], $0x6000  }
0x17d: {  	[sflag:s14] =	ssyncset.done $0x0  }
0x17e: {  	[sflag:s14] =	ssyncadd.s32 $0xFFFFA000  }
.LBB2_6:
0x17f: {  	s22 =	sshll.u32 s19, $0x8  }
0x180: {  	s22 =	sand.u32 $0x3FFFFF00, s22  }
.Ltmp3:
0x181: {  	s22 =	sadd.s32 $0x100, s22;
	(pc) =	sbr.rel @p0 .LBB2_8-.Ltmp3, $4  }
0x182: {  	[tilespmem:s12], [sflag:$0x1] =	stream.indirect.gather [hbm4b:s2+s11], $0xC0, s22, s11, $0xb8;
	[tilespmem:$0x18000] =	vst v63  }
0x183: {  	_ =	swait.ge [sflag:s14], $0x6000  }
0x184: {  	[sflag:s14] =	ssyncset.done $0x0  }
0x185: {  	[sflag:s14] =	ssyncadd.s32 $0xFFFFA000  }
.LBB2_7:
0x186: {  	_ =	swait.ge [sflag:s16], $0x1800  }
0x187: {  	[sflag:s16] =	ssyncset.done $0x0  }
0x188: {  	[sflag:s16] =	ssyncadd.s32 $0xFFFFE800  }
.LBB2_8:
0x189: {  	v0 =	vmov s21;
	s21 =	simm.s32 $0x0  }
0x18a: {  	v10 =	vld [tilespmem:s21+$0xF170]  }
0x18b: {  	v12 =	vld [tilespmem:s21+$0x10970]  }
0x18c: {  	v13 =	vld [tilespmem:s21+$0xF000]  }
0x18d: {  	v14 =	vld [tilespmem:s21+$0x10800]  }
0x18e: {  	v15 =	vld [tilespmem:s21+$0xF010]  }
0x18f: {  	v16 =	vld [tilespmem:s21+$0x10810]  }
0x190: {  	v17 =	vld [tilespmem:s21+$0xF020]  }
0x191: {  	v18 =	vld [tilespmem:s21+$0x10820]  }
0x192: {  	v19 =	vld [tilespmem:s21+$0xF030]  }
0x193: {  	v20 =	vld [tilespmem:s21+$0x10830]  }
0x194: {  	v21 =	vld [tilespmem:s21+$0xF040]  }
0x195: {  	v22 =	vld [tilespmem:s21+$0x10840]  }
0x196: {  	v23 =	vld [tilespmem:s21+$0xF050]  }
0x197: {  	v24 =	vld [tilespmem:s21+$0x10850]  }
0x198: {  	v25 =	vld [tilespmem:s21+$0xF060]  }
0x199: {  	v26 =	vld [tilespmem:s21+$0x10860]  }
0x19a: {  	v27 =	vld [tilespmem:s21+$0xF070]  }
0x19b: {  	v28 =	vld [tilespmem:s21+$0x10870]  }
0x19c: {  	v29 =	vld [tilespmem:s21+$0xF080]  }
0x19d: {  	v30 =	vld [tilespmem:s21+$0xF090]  }
0x19e: {  	v31 =	vld [tilespmem:s21+$0xF0A0]  }
0x19f: {  	v32 =	vld [tilespmem:s21+$0xF0B0]  }
0x1a0: {  	v33 =	vld [tilespmem:s21+$0xF0C0]  }
0x1a1: {  	v34 =	vld [tilespmem:s21+$0x108C0]  }
0x1a2: {  	v35 =	vld [tilespmem:s21+$0xF0D0]  }
0x1a3: {  	v36 =	vld [tilespmem:s21+$0x108D0]  }
0x1a4: {  	v37 =	vld [tilespmem:s21+$0xF0E0]  }
0x1a5: {  	v38 =	vld [tilespmem:s21+$0x108E0]  }
0x1a6: {  	s22 =	simm.s32 $0x0;
	v39 =	vld [tilespmem:s21+$0xF0F0]  }
0x1a7: {  	s24 =	simm.s32 $0x20;
	v1 =	vmov s22;
	v40 =	vld [tilespmem:s21+$0x108F0]  }
0x1a8: {  	v4 =	vmov s24;
	v41 =	vld [tilespmem:s21+$0xF100];
	v1 =	vand.u32 $0x1E, v1  }
0x1a9: {  	v42 =	vld [tilespmem:s21+$0x10900];
	v4 =	vand.u32 $0x3E, v4;
	v1 =	vor.u32 v0, v1  }
0x1aa: {  	v43 =	vld [tilespmem:s21+$0xF110];
	v4 =	vor.u32 v0, v4;
	v1 =	vbroadcast v1, $0x0  }
0x1ab: {  	s25 =	simm.s32 $0x1;
	v44 =	vld [tilespmem:s21+$0x10910];
	v4 =	vbroadcast v4, $0x0  }
0x1ac: {  	s31 =	simm.s32 $0x60;
	s23 =	simm.s32 $0x40;
	v5 =	vmov s25;
	v45 =	vld [tilespmem:s21+$0xF120]  }
0x1ad: {  	s26 =	simm.s32 $0x21;
	v2 =	vmov s31;
	v3 =	vmov s23;
	v46 =	vld [tilespmem:s21+$0x10920];
	v5 =	vand.u32 $0x1F, v5  }
0x1ae: {  	v6 =	vmov s26;
	v47 =	vld [tilespmem:s21+$0xF130];
	v2 =	vand.u32 $0x7E, v2;
	v5 =	vor.u32 v0, v5  }
0x1af: {  	v48 =	vld [tilespmem:s21+$0x10930];
	v3 =	vand.u32 $0x5E, v3;
	v2 =	vor.u32 v0, v2;
	v5 =	vbroadcast v5, $0x0  }
0x1b0: {  	s28 =	simm.s32 $0x41;
	v6 =	vand.u32 $0x3F, v6;
	v3 =	vor.u32 v0, v3;
	v2 =	vbroadcast v2, $0x0;
	v8 =	vld.idx.msk [tilespmem:v1+s10+$0x0], $0xffff  }
0x1b1: {  	s29 =	simm.s32 $0x61;
	v7 =	vmov s28;
	v6 =	vor.u32 v0, v6;
	v3 =	vbroadcast v3, $0x0;
	v9 =	vld.idx.msk [tilespmem:v4+s10+$0x0], $0xffff  }
0x1b2: {  	v51 =	vld [tilespmem:s21+$0x12080];
	v1 =	vbroadcast v6, $0x0;
	v6 =	vand.u32 $0x5F, v7;
	v7 =	vmov s29  }
0x1b3: {  	v54 =	vld [tilespmem:s21+$0x12090];
	v7 =	vand.u32 $0x7F, v7  }
0x1b4: {  	v57 =	vld [tilespmem:s21+$0x120A0];
	v6 =	vor.u32 v0, v6;
	v4 =	vor.u32 v0, v7  }
0x1b5: {  	v6 =	vbroadcast v6, $0x0;
	v7 =	vbroadcast v4, $0x0;
	v4 =	vld.idx.msk [tilespmem:v5+s10+$0x0], $0xffff  }
0x1b6: {  	v2 =	vld.idx.msk [tilespmem:v2+s10+$0x0], $0xffff;
	v13 =	vmul.f32 v13, v8;
	v14 =	vmul.f32 v14, v9  }
0x1b7: {  	v3 =	vld.idx.msk [tilespmem:v3+s10+$0x0], $0xffff;
	v15 =	vmul.f32 v15, v8;
	v16 =	vmul.f32 v16, v9  }
0x1b8: {  	v5 =	vld.idx.msk [tilespmem:v1+s10+$0x0], $0xffff;
	v13 =	vadd.f32 v14, v13;
	v14 =	vmul.f32 v17, v8  }
0x1b9: {  	v17 =	vmul.f32 v18, v9;
	v18 =	vld [tilespmem:s21+$0xF140];
	v15 =	vadd.f32 v16, v15;
	v16 =	vmul.f32 v19, v8  }
0x1ba: {  	v19 =	vmul.f32 v20, v9;
	v20 =	vld [tilespmem:s21+$0x10940];
	v10 =	vmul.f32 v10, v4  }
0x1bb: {  	v11 =	vld.idx.msk [tilespmem:v6+s10+$0x0], $0xffff;
	v62 =	vmul.f32 v39, v4;
	v49 =	vmul.f32 v41, v4  }
0x1bc: {  	v6 =	vld [tilespmem:s21+$0x12170];
	v52 =	vmul.f32 v43, v4;
	v55 =	vmul.f32 v45, v4  }
0x1bd: {  	v58 =	vmul.f32 v47, v4;
	v1 =	vld.idx.msk [tilespmem:v7+s10+$0x0], $0xffff;
	v14 =	vadd.f32 v17, v14;
	v17 =	vmul.f32 v21, v8  }
0x1be: {  	v7 =	vld [tilespmem:s21+$0x13970];
	v21 =	vmul.f32 v22, v9;
	v16 =	vadd.f32 v19, v16;
	v19 =	vmul.f32 v23, v8  }
0x1bf: {  	v22 =	vld [tilespmem:s21+$0xF150];
	v23 =	vmul.f32 v24, v9;
	v12 =	vmul.f32 v12, v5  }
0x1c0: {  	v24 =	vld [tilespmem:s21+$0x10950];
	v17 =	vadd.f32 v21, v17;
	v21 =	vmul.f32 v25, v8;
	v25 =	vmul.f32 v26, v9  }
0x1c1: {  	v26 =	vld [tilespmem:s21+$0xF160];
	v19 =	vadd.f32 v23, v19;
	v23 =	vmul.f32 v27, v8;
	v27 =	vmul.f32 v28, v9  }
0x1c2: {  	v28 =	vld [tilespmem:s21+$0x10960];
	v60 =	vmul.f32 v36, v5;
	v61 =	vmul.f32 v38, v5  }
0x1c3: {  	v36 =	vld [tilespmem:s21+$0x12060];
	v63 =	vmul.f32 v40, v5;
	v10 =	vadd.f32 v12, v10;
	v6 =	vmul.f32 v6, v11  }
0x1c4: {  	v50 =	vmul.f32 v42, v5;
	v53 =	vmul.f32 v44, v5;
	v12 =	vld [tilespmem:s21+$0x10880]  }
0x1c5: {  	v56 =	vmul.f32 v46, v5;
	v7 =	vmul.f32 v7, v1;
	v6 =	vadd.f32 v6, v10;
	v10 =	vld [tilespmem:s21+$0x10890]  }
0x1c6: {  	v38 =	vld [tilespmem:s21+$0x12070];
	v59 =	vmul.f32 v48, v5;
	v18 =	vmul.f32 v18, v4  }
0x1c7: {  	v21 =	vadd.f32 v25, v21;
	v25 =	vmul.f32 v29, v8;
	v29 =	vld [tilespmem:s21+$0x12000];
	v6 =	vadd.f32 v7, v6  }
0x1c8: {  	v20 =	vmul.f32 v20, v5;
	v23 =	vadd.f32 v27, v23;
	v27 =	vmul.f32 v30, v8;
	v7 =	vld [tilespmem:s21+$0x108A0]  }
0x1c9: {  	v39 =	vadd.f32 v56, v55;
	v22 =	vmul.f32 v22, v4;
	v12 =	vmul.f32 v12, v9;
	[tilespmem:s21+$0x16970] =	vst v6;
	v6 =	vld [tilespmem:s21+$0x108B0]  }
0x1ca: {  	v41 =	vadd.f32 v59, v58;
	v55 =	vld [tilespmem:s21+$0x13820];
	v24 =	vmul.f32 v24, v5;
	v10 =	vmul.f32 v10, v9  }
0x1cb: {  	v12 =	vadd.f32 v12, v25;
	v25 =	vmul.f32 v31, v8;
	v8 =	vmul.f32 v32, v8;
	v32 =	vld [tilespmem:s21+$0x12040]  }
0x1cc: {  	v48 =	vld [tilespmem:s21+$0x12120];
	v18 =	vadd.f32 v20, v18;
	v22 =	vadd.f32 v24, v22;
	v24 =	vmul.f32 v29, v3  }
0x1cd: {  	v30 =	vld [tilespmem:s21+$0x12010];
	v7 =	vmul.f32 v7, v9;
	v10 =	vadd.f32 v10, v27;
	v27 =	vmul.f32 v34, v5  }
0x1ce: {  	v20 =	vld [tilespmem:s21+$0x120E0];
	v13 =	vadd.f32 v24, v13;
	v5 =	vmul.f32 v28, v5;
	v6 =	vmul.f32 v6, v9  }
0x1cf: {  	v31 =	vld [tilespmem:s21+$0x12020];
	v28 =	vmul.f32 v55, v2;
	v7 =	vadd.f32 v7, v25;
	v25 =	vmul.f32 v33, v4  }
0x1d0: {  	v9 =	vld [tilespmem:s21+$0x12030];
	v33 =	vadd.f32 v63, v62;
	v24 =	vmul.f32 v32, v3;
	v6 =	vadd.f32 v6, v8  }
0x1d1: {  	v34 =	vld [tilespmem:s21+$0x12050];
	v8 =	vmul.f32 v35, v4;
	v25 =	vadd.f32 v27, v25;
	v27 =	vmul.f32 v37, v4  }
0x1d2: {  	v62 =	vld [tilespmem:s21+$0x120D0];
	v35 =	vadd.f32 v50, v49;
	v4 =	vmul.f32 v26, v4;
	v50 =	vmul.f32 v54, v3  }
0x1d3: {  	v17 =	vadd.f32 v24, v17;
	v24 =	vmul.f32 v38, v3;
	v8 =	vadd.f32 v60, v8;
	v60 =	vld [tilespmem:s21+$0x120B0]  }
0x1d4: {  	v27 =	vadd.f32 v61, v27;
	v61 =	vld [tilespmem:s21+$0x120C0];
	v47 =	vadd.f32 v5, v4;
	v4 =	vmul.f32 v31, v3  }
0x1d5: {  	v26 =	vmul.f32 v30, v3;
	v32 =	vadd.f32 v50, v10;
	v10 =	vld [tilespmem:s21+$0x13800];
	v5 =	vmul.f32 v9, v3  }
0x1d6: {  	v23 =	vadd.f32 v24, v23;
	v24 =	vld [tilespmem:s21+$0x12150];
	v14 =	vadd.f32 v4, v14;
	v4 =	vmul.f32 v34, v3  }
0x1d7: {  	v63 =	vld [tilespmem:s21+$0x120F0];
	v37 =	vadd.f32 v53, v52;
	v16 =	vadd.f32 v5, v16;
	v5 =	vmul.f32 v36, v3  }
0x1d8: {  	v49 =	vld [tilespmem:s21+$0x12130];
	v15 =	vadd.f32 v26, v15;
	v19 =	vadd.f32 v4, v19;
	v4 =	vmul.f32 v51, v3  }
0x1d9: {  	v9 =	vld [tilespmem:s21+$0x12100];
	v14 =	vadd.f32 v28, v14;
	v21 =	vadd.f32 v5, v21;
	v5 =	vmul.f32 v57, v3  }
0x1da: {  	s24 =	simm.s32 $0x62;
	v26 =	vld [tilespmem:s21+$0x12110];
	v3 =	vmul.f32 v60, v3;
	v57 =	vmul.f32 v10, v2;
	v52 =	vadd.f32 v4, v12  }
0x1db: {  	v51 =	vld [tilespmem:s21+$0x12140];
	v4 =	vmul.f32 v61, v11;
	v24 =	vmul.f32 v24, v11;
	v61 =	vmov s24  }
0x1dc: {  	v53 =	vadd.f32 v5, v7;
	v5 =	vmul.f32 v62, v11;
	v54 =	vadd.f32 v3, v6  }
0x1dd: {  	v58 =	vld [tilespmem:s21+$0x13850];
	v3 =	vmul.f32 v20, v11;
	v7 =	vmul.f32 v63, v11;
	v13 =	vadd.f32 v57, v13  }
0x1de: {  	v20 =	vld [tilespmem:s21+$0x13810];
	v25 =	vadd.f32 v4, v25;
	v6 =	vadd.f32 v5, v8;
	v5 =	vmul.f32 v9, v11  }
0x1df: {  	v12 =	vld [tilespmem:s21+$0x12160];
	v4 =	vadd.f32 v7, v33;
	v7 =	vmul.f32 v26, v11;
	v8 =	vmul.f32 v48, v11  }
0x1e0: {  	s25 =	simm.s32 $0x42;
	v3 =	vadd.f32 v3, v27;
	v26 =	vld [tilespmem:s21+$0x13830];
	v9 =	vmul.f32 v49, v11;
	v56 =	vmul.f32 v51, v11  }
0x1e1: {  	v27 =	vld [tilespmem:s21+$0x13840];
	[tilespmem:s21+$0x16800] =	vst v13;
	v13 =	vmov s25;
	v5 =	vadd.f32 v5, v35;
	v7 =	vadd.f32 v7, v37  }
0x1e2: {  	s23 =	simm.s32 $0x2;
	v59 =	vld [tilespmem:s21+$0x13860];
	v13 =	vand.u32 $0x5E, v13;
	v8 =	vadd.f32 v8, v39;
	v9 =	vadd.f32 v9, v41  }
0x1e3: {  	s30 =	simm.s32 $0x22;
	v62 =	vld [tilespmem:s21+$0x138A0];
	v10 =	vadd.f32 v56, v18;
	v18 =	vmov s23;
	v20 =	vmul.f32 v20, v2  }
0x1e4: {  	v60 =	vld [tilespmem:s21+$0x13870];
	v11 =	vmul.f32 v12, v11;
	v12 =	vadd.f32 v24, v22;
	v24 =	vmov s30  }
0x1e5: {  	v63 =	vor.u32 v0, v13;
	v15 =	vadd.f32 v20, v15;
	v20 =	vld [tilespmem:s21+$0x13880];
	v26 =	vmul.f32 v26, v2  }
0x1e6: {  	[tilespmem:s21+$0x16820] =	vst v14;
	v22 =	vld [tilespmem:s21+$0x13890];
	v18 =	vand.u32 $0x1E, v18;
	v14 =	vand.u32 $0x3E, v24;
	v27 =	vmul.f32 v27, v2  }
0x1e7: {  	v24 =	vmul.f32 v59, v2;
	v16 =	vadd.f32 v26, v16;
	v26 =	vmul.f32 v58, v2  }
0x1e8: {  	v28 =	vmul.f32 v62, v2;
	v11 =	vadd.f32 v11, v47;
	[tilespmem:s21+$0x16810] =	vst v15;
	v17 =	vadd.f32 v27, v17;
	v27 =	vld [tilespmem:s21+$0x138B0]  }
0x1e9: {  	v18 =	vor.u32 v0, v18;
	[tilespmem:s21+$0x16830] =	vst v16;
	v16 =	vadd.f32 v26, v19;
	v19 =	vmul.f32 v60, v2;
	v26 =	vld [tilespmem:s21+$0x138C0]  }
0x1ea: {  	v13 =	vbroadcast v18, $0x0;
	[tilespmem:s21+$0x16840] =	vst v17;
	v17 =	vadd.f32 v24, v21;
	v24 =	vld [tilespmem:s21+$0x138D0];
	v20 =	vmul.f32 v20, v2  }
0x1eb: {  	v15 =	vand.u32 $0x7E, v61;
	[tilespmem:s21+$0x16850] =	vst v16;
	v18 =	vadd.f32 v19, v23;
	v19 =	vmul.f32 v22, v2;
	v23 =	vld [tilespmem:s21+$0x138E0]  }
0x1ec: {  	v14 =	vor.u32 v0, v14;
	v15 =	vor.u32 v0, v15;
	v21 =	vld [tilespmem:s21+$0x138F0];
	[tilespmem:s21+$0x16860] =	vst v17;
	v20 =	vadd.f32 v20, v52  }
0x1ed: {  	v16 =	vbroadcast v15, $0x0;
	v22 =	vld [tilespmem:s21+$0x13900];
	v2 =	vmul.f32 v27, v2;
	[tilespmem:s21+$0x16870] =	vst v18;
	v15 =	vadd.f32 v19, v32  }
0x1ee: {  	v17 =	vbroadcast v63, $0x0;
	v19 =	vadd.f32 v28, v53;
	[tilespmem:s21+$0x16880] =	vst v20;
	v27 =	vmul.f32 v26, v1;
	v20 =	vld [tilespmem:s21+$0x13910]  }
0x1ef: {  	s31 =	simm.s32 $0x3;
	v26 =	vbroadcast v14, $0x0;
	v14 =	vadd.f32 v2, v54;
	v18 =	vmul.f32 v24, v1;
	v24 =	vld [tilespmem:s21+$0x13920];
	[tilespmem:s21+$0x16890] =	vst v15  }
0x1f0: {  	s24 =	simm.s32 $0x4;
	s25 =	simm.s32 $0x23;
	v15 =	vmov s31;
	[tilespmem:s21+$0x168A0] =	vst v19;
	v2 =	vadd.f32 v27, v25;
	v19 =	vmul.f32 v23, v1;
	v25 =	vld [tilespmem:s21+$0x13930]  }
.LBB2_9:
0x1f1: {  	p0 =	slt.u32 s24, $0x1E;
	v15 =	vand.u32 $0x1F, v15;
	v23 =	vmov s25;
	[tilespmem:s21+$0x168B0] =	vst v14;
	v21 =	vmul.f32 v21, v1;
	v27 =	vld [tilespmem:s21+$0x13940]  }
0x1f2: {  	s25 =	sadd.s32 $0x41, s23;
	v14 =	vor.u32 v0, v15;
	v15 =	vand.u32 $0x3F, v23;
	[tilespmem:s21+$0x168C0] =	vst v2;
	v22 =	vmul.f32 v22, v1;
	v23 =	vld [tilespmem:s21+$0x13950]  }
0x1f3: {  	v28 =	vbroadcast v14, $0x0;
	v2 =	vor.u32 v0, v15;
	v14 =	vmov s25;
	v29 =	vld [tilespmem:s21+$0x13960]  }
0x1f4: {  	s25 =	sadd.s32 $0x61, s23;
	v20 =	vmul.f32 v20, v1;
	s23 =	smov.u32 s24;
	v15 =	vld.idx.msk [tilespmem:v13+s10+$0x0], $0xffff;
	v13 =	vbroadcast v2, $0x0;
	v14 =	vand.u32 $0x5F, v14  }
0x1f5: {  	v30 =	vmov s25;
	v24 =	vmul.f32 v24, v1;
	v2 =	vld.idx.msk [tilespmem:v16+s10+$0x0], $0xffff;
	v16 =	vor.u32 v0, v14  }
0x1f6: {  	s22 =	sadd.s32 $0x600, s22;
	v30 =	vand.u32 $0x7F, v30;
	v25 =	vmul.f32 v25, v1;
	v14 =	vld.idx.msk [tilespmem:v17+s10+$0x0], $0xffff;
	v17 =	vbroadcast v16, $0x0  }
0x1f7: {  	s25 =	sshra.s32 s22, $0x2;
	v27 =	vmul.f32 v27, v1;
	v16 =	vld.idx.msk [tilespmem:v26+s10+$0x0], $0xffff;
	v26 =	vor.u32 v0, v30;
	v23 =	vmul.f32 v23, v1  }
0x1f8: {  	v18 =	vadd.f32 v18, v6;
	v26 =	vbroadcast v26, $0x0;
	v30 =	vld [tilespmem:s25+$0xF170];
	v1 =	vmul.f32 v29, v1  }
0x1f9: {  	v19 =	vadd.f32 v19, v3;
	v4 =	vadd.f32 v21, v4;
	v6 =	vld.idx.msk [tilespmem:v28+s10+$0x0], $0xffff  }
0x1fa: {  	v5 =	vadd.f32 v22, v5;
	v7 =	vadd.f32 v20, v7;
	v3 =	vld.idx.msk [tilespmem:v13+s10+$0x0], $0xffff;
	[tilespmem:s21+$0x168D0] =	vst v18  }
0x1fb: {  	v8 =	vadd.f32 v24, v8;
	v9 =	vadd.f32 v25, v9;
	v18 =	vld [tilespmem:s25+$0x10970];
	[tilespmem:s21+$0x168E0] =	vst v19  }
0x1fc: {  	v13 =	vld.idx.msk [tilespmem:v17+s10+$0x0], $0xffff;
	[tilespmem:s21+$0x168F0] =	vst v4;
	v4 =	vadd.f32 v27, v10;
	v10 =	vadd.f32 v23, v12  }
0x1fd: {  	v12 =	vld [tilespmem:s25+$0x12170];
	[tilespmem:s21+$0x16900] =	vst v5;
	v5 =	vadd.f32 v1, v11  }
0x1fe: {  	v1 =	vld.idx.msk [tilespmem:v26+s10+$0x0], $0xffff;
	[tilespmem:s21+$0x16910] =	vst v7  }
0x1ff: {  	v7 =	vld [tilespmem:s25+$0x13970];
	[tilespmem:s21+$0x16920] =	vst v8  }
0x200: {  	v11 =	vmul.f32 v30, v6;
	v8 =	vld [tilespmem:s25+$0xF000];
	v17 =	vmul.f32 v18, v3;
	[tilespmem:s21+$0x16930] =	vst v9  }
0x201: {  	v9 =	vld [tilespmem:s25+$0x10800];
	[tilespmem:s21+$0x16940] =	vst v4  }
0x202: {  	v4 =	vld [tilespmem:s25+$0xF010];
	v11 =	vadd.f32 v17, v11;
	v12 =	vmul.f32 v12, v13;
	[tilespmem:s21+$0x16950] =	vst v10  }
0x203: {  	v10 =	vld [tilespmem:s25+$0x10810];
	[tilespmem:s21+$0x16960] =	vst v5;
	s21 =	smov.u32 s25  }
0x204: {  	v5 =	vld [tilespmem:s21+$0xF020];
	v11 =	vadd.f32 v12, v11;
	v7 =	vmul.f32 v7, v1  }
0x205: {  	v8 =	vmul.f32 v8, v15;
	v12 =	vld [tilespmem:s21+$0x10820]  }
0x206: {  	v9 =	vmul.f32 v9, v16;
	v17 =	vld [tilespmem:s21+$0xF030];
	v7 =	vadd.f32 v7, v11  }
0x207: {  	v11 =	vmul.f32 v4, v15;
	v18 =	vld [tilespmem:s21+$0x10830]  }
0x208: {  	v4 =	vadd.f32 v9, v8;
	v8 =	vmul.f32 v10, v16;
	v9 =	vld [tilespmem:s21+$0xF040];
	[tilespmem:s21+$0x16970] =	vst v7  }
0x209: {  	v7 =	vmul.f32 v5, v15;
	v10 =	vld [tilespmem:s21+$0x10840]  }
0x20a: {  	v5 =	vadd.f32 v8, v11;
	v8 =	vmul.f32 v12, v16;
	v11 =	vld [tilespmem:s21+$0xF050]  }
0x20b: {  	v12 =	vmul.f32 v17, v15;
	v17 =	vld [tilespmem:s21+$0x10850]  }
0x20c: {  	v7 =	vadd.f32 v8, v7;
	v8 =	vmul.f32 v18, v16;
	v18 =	vld [tilespmem:s21+$0xF060]  }
0x20d: {  	v9 =	vmul.f32 v9, v15;
	v19 =	vld [tilespmem:s21+$0x10860]  }
0x20e: {  	v8 =	vadd.f32 v8, v12;
	v10 =	vmul.f32 v10, v16;
	v12 =	vld [tilespmem:s21+$0xF070]  }
0x20f: {  	v11 =	vmul.f32 v11, v15;
	v20 =	vld [tilespmem:s21+$0x10870]  }
0x210: {  	v9 =	vadd.f32 v10, v9;
	v10 =	vmul.f32 v17, v16;
	v17 =	vld [tilespmem:s21+$0xF080]  }
0x211: {  	v18 =	vmul.f32 v18, v15;
	v21 =	vld [tilespmem:s21+$0x10880]  }
0x212: {  	v10 =	vadd.f32 v10, v11;
	v11 =	vmul.f32 v19, v16;
	v19 =	vld [tilespmem:s21+$0xF090]  }
0x213: {  	v12 =	vmul.f32 v12, v15;
	v22 =	vld [tilespmem:s21+$0x10890]  }
0x214: {  	v11 =	vadd.f32 v11, v18;
	v18 =	vmul.f32 v20, v16;
	v20 =	vld [tilespmem:s21+$0xF0A0]  }
0x215: {  	v17 =	vmul.f32 v17, v15;
	v23 =	vld [tilespmem:s21+$0x108A0]  }
0x216: {  	v12 =	vadd.f32 v18, v12;
	v18 =	vmul.f32 v21, v16;
	v21 =	vld [tilespmem:s21+$0xF0B0]  }
0x217: {  	v19 =	vmul.f32 v19, v15;
	v24 =	vld [tilespmem:s21+$0x108B0]  }
0x218: {  	v17 =	vadd.f32 v18, v17;
	v18 =	vmul.f32 v22, v16;
	v22 =	vld [tilespmem:s21+$0xF0C0]  }
0x219: {  	v20 =	vmul.f32 v20, v15;
	v25 =	vld [tilespmem:s21+$0x108C0]  }
0x21a: {  	v18 =	vadd.f32 v18, v19;
	v19 =	vmul.f32 v23, v16;
	v23 =	vld [tilespmem:s21+$0xF0D0]  }
0x21b: {  	v15 =	vmul.f32 v21, v15;
	v21 =	vld [tilespmem:s21+$0x108D0]  }
0x21c: {  	v19 =	vadd.f32 v19, v20;
	v16 =	vmul.f32 v24, v16;
	v20 =	vld [tilespmem:s21+$0xF0E0]  }
0x21d: {  	v22 =	vmul.f32 v22, v6;
	v24 =	vld [tilespmem:s21+$0x108E0]  }
0x21e: {  	v15 =	vadd.f32 v16, v15;
	v16 =	vmul.f32 v25, v3;
	v25 =	vld [tilespmem:s21+$0xF0F0]  }
0x21f: {  	v23 =	vmul.f32 v23, v6;
	v26 =	vld [tilespmem:s21+$0x108F0]  }
0x220: {  	v16 =	vadd.f32 v16, v22;
	v21 =	vmul.f32 v21, v3;
	v22 =	vld [tilespmem:s21+$0xF100]  }
0x221: {  	v20 =	vmul.f32 v20, v6;
	v27 =	vld [tilespmem:s21+$0x10900]  }
0x222: {  	v21 =	vadd.f32 v21, v23;
	v23 =	vmul.f32 v24, v3;
	v24 =	vld [tilespmem:s21+$0xF110]  }
0x223: {  	v25 =	vmul.f32 v25, v6;
	v28 =	vld [tilespmem:s21+$0x10910]  }
0x224: {  	v20 =	vadd.f32 v23, v20;
	v23 =	vmul.f32 v26, v3;
	v26 =	vld [tilespmem:s21+$0xF120]  }
0x225: {  	v22 =	vmul.f32 v22, v6;
	v29 =	vld [tilespmem:s21+$0x10920]  }
0x226: {  	v23 =	vadd.f32 v23, v25;
	v25 =	vmul.f32 v27, v3;
	v27 =	vld [tilespmem:s21+$0xF130]  }
0x227: {  	v24 =	vmul.f32 v24, v6;
	v30 =	vld [tilespmem:s21+$0x10930]  }
0x228: {  	v22 =	vadd.f32 v25, v22;
	v25 =	vmul.f32 v28, v3;
	v28 =	vld [tilespmem:s21+$0xF140]  }
0x229: {  	v26 =	vmul.f32 v26, v6;
	v31 =	vld [tilespmem:s21+$0x10940]  }
0x22a: {  	v24 =	vadd.f32 v25, v24;
	v25 =	vmul.f32 v29, v3;
	v29 =	vld [tilespmem:s21+$0xF150]  }
0x22b: {  	v27 =	vmul.f32 v27, v6;
	v32 =	vld [tilespmem:s21+$0x10950]  }
0x22c: {  	v25 =	vadd.f32 v25, v26;
	v26 =	vmul.f32 v30, v3;
	v30 =	vld [tilespmem:s21+$0xF160]  }
0x22d: {  	v28 =	vmul.f32 v28, v6;
	v33 =	vld [tilespmem:s21+$0x10960]  }
0x22e: {  	v34 =	vld [tilespmem:s21+$0x12000];
	v26 =	vadd.f32 v26, v27;
	v27 =	vmul.f32 v31, v3  }
0x22f: {  	v31 =	vld [tilespmem:s21+$0x12010];
	v29 =	vmul.f32 v29, v6  }
0x230: {  	v35 =	vld [tilespmem:s21+$0x12020];
	v27 =	vadd.f32 v27, v28;
	v28 =	vmul.f32 v32, v3  }
0x231: {  	v32 =	vld [tilespmem:s21+$0x12030];
	v6 =	vmul.f32 v30, v6  }
0x232: {  	v30 =	vld [tilespmem:s21+$0x12040];
	v28 =	vadd.f32 v28, v29;
	v3 =	vmul.f32 v33, v3  }
0x233: {  	v29 =	vmul.f32 v34, v14;
	v33 =	vld [tilespmem:s21+$0x12050]  }
0x234: {  	v31 =	vmul.f32 v31, v14;
	v34 =	vld [tilespmem:s21+$0x12060];
	v36 =	vadd.f32 v3, v6  }
0x235: {  	v29 =	vadd.f32 v29, v4;
	v3 =	vmul.f32 v35, v14;
	v4 =	vld [tilespmem:s21+$0x12070]  }
0x236: {  	v31 =	vadd.f32 v31, v5;
	v5 =	vmul.f32 v32, v14;
	v6 =	vld [tilespmem:s21+$0x12080]  }
0x237: {  	v32 =	vadd.f32 v3, v7;
	v3 =	vmul.f32 v30, v14;
	v7 =	vld [tilespmem:s21+$0x12090]  }
0x238: {  	v30 =	vadd.f32 v5, v8;
	v5 =	vmul.f32 v33, v14;
	v8 =	vld [tilespmem:s21+$0x120A0]  }
0x239: {  	v33 =	vadd.f32 v3, v9;
	v3 =	vmul.f32 v34, v14;
	v9 =	vld [tilespmem:s21+$0x120B0]  }
0x23a: {  	v34 =	vadd.f32 v5, v10;
	v4 =	vmul.f32 v4, v14;
	v5 =	vld [tilespmem:s21+$0x120C0]  }
0x23b: {  	v35 =	vadd.f32 v3, v11;
	v3 =	vmul.f32 v6, v14;
	v6 =	vld [tilespmem:s21+$0x120D0]  }
0x23c: {  	v37 =	vadd.f32 v4, v12;
	v4 =	vmul.f32 v7, v14;
	v7 =	vld [tilespmem:s21+$0x120E0]  }
0x23d: {  	v17 =	vadd.f32 v3, v17;
	v3 =	vmul.f32 v8, v14;
	v8 =	vld [tilespmem:s21+$0x120F0]  }
0x23e: {  	v18 =	vadd.f32 v4, v18;
	v4 =	vmul.f32 v9, v14;
	v9 =	vld [tilespmem:s21+$0x12100]  }
0x23f: {  	v14 =	vadd.f32 v3, v19;
	v3 =	vmul.f32 v5, v13;
	v5 =	vld [tilespmem:s21+$0x12110]  }
0x240: {  	v15 =	vadd.f32 v4, v15;
	v4 =	vmul.f32 v6, v13;
	v10 =	vld [tilespmem:s21+$0x12120]  }
0x241: {  	v19 =	vadd.f32 v3, v16;
	v3 =	vmul.f32 v7, v13;
	v11 =	vld [tilespmem:s21+$0x12130]  }
0x242: {  	v6 =	vadd.f32 v4, v21;
	v4 =	vmul.f32 v8, v13;
	v12 =	vld [tilespmem:s21+$0x12140]  }
0x243: {  	v3 =	vadd.f32 v3, v20;
	v7 =	vmul.f32 v9, v13;
	v16 =	vld [tilespmem:s21+$0x12150]  }
0x244: {  	v4 =	vadd.f32 v4, v23;
	v8 =	vmul.f32 v5, v13;
	v20 =	vld [tilespmem:s21+$0x12160]  }
0x245: {  	v21 =	vld [tilespmem:s21+$0x13800];
	v5 =	vadd.f32 v7, v22;
	v9 =	vmul.f32 v10, v13  }
0x246: {  	v22 =	vld [tilespmem:s21+$0x13810];
	v7 =	vadd.f32 v8, v24;
	v10 =	vmul.f32 v11, v13  }
0x247: {  	v23 =	vld [tilespmem:s21+$0x13820];
	v8 =	vadd.f32 v9, v25;
	v11 =	vmul.f32 v12, v13  }
0x248: {  	s25 =	sadd.s32 $0x60, s24;
	v24 =	vmov s24;
	v25 =	vld [tilespmem:s21+$0x13830];
	v9 =	vadd.f32 v10, v26;
	v12 =	vmul.f32 v16, v13  }
0x249: {  	s26 =	sadd.s32 $0x40, s24;
	v16 =	vmov s25;
	v26 =	vld [tilespmem:s21+$0x13840];
	v10 =	vadd.f32 v11, v27;
	v11 =	vmul.f32 v20, v13  }
0x24a: {  	v13 =	vmov s26;
	v20 =	vmul.f32 v21, v2;
	v21 =	vld [tilespmem:s21+$0x13850];
	v12 =	vadd.f32 v12, v28  }
0x24b: {  	v24 =	vand.u32 $0x1E, v24;
	s25 =	sadd.s32 $0x20, s24;
	v22 =	vmul.f32 v22, v2;
	v27 =	vld [tilespmem:s21+$0x13860];
	v11 =	vadd.f32 v11, v36  }
0x24c: {  	v28 =	vmov s25;
	v20 =	vadd.f32 v20, v29;
	v23 =	vmul.f32 v23, v2;
	v29 =	vld [tilespmem:s21+$0x13870]  }
0x24d: {  	v16 =	vand.u32 $0x7E, v16;
	v22 =	vadd.f32 v22, v31;
	v25 =	vmul.f32 v25, v2;
	v31 =	vld [tilespmem:s21+$0x13880]  }
0x24e: {  	v13 =	vand.u32 $0x5E, v13;
	[tilespmem:s21+$0x16800] =	vst v20;
	v20 =	vadd.f32 v23, v32;
	v23 =	vmul.f32 v26, v2;
	v26 =	vld [tilespmem:s21+$0x13890]  }
0x24f: {  	v24 =	vor.u32 v0, v24;
	[tilespmem:s21+$0x16810] =	vst v22;
	v22 =	vadd.f32 v25, v30;
	v21 =	vmul.f32 v21, v2;
	v25 =	vld [tilespmem:s21+$0x138A0]  }
0x250: {  	v28 =	vand.u32 $0x3E, v28;
	[tilespmem:s21+$0x16820] =	vst v20;
	v20 =	vadd.f32 v23, v33;
	v23 =	vmul.f32 v27, v2;
	v27 =	vld [tilespmem:s21+$0x138B0]  }
0x251: {  	v16 =	vor.u32 v0, v16;
	[tilespmem:s21+$0x16830] =	vst v22;
	v21 =	vadd.f32 v21, v34;
	v22 =	vmul.f32 v29, v2;
	v29 =	vld [tilespmem:s21+$0x138C0]  }
0x252: {  	v30 =	vor.u32 v0, v13;
	[tilespmem:s21+$0x16840] =	vst v20;
	v20 =	vadd.f32 v23, v35;
	v23 =	vmul.f32 v31, v2;
	v31 =	vld [tilespmem:s21+$0x138D0]  }
0x253: {  	v13 =	vbroadcast v24, $0x0;
	[tilespmem:s21+$0x16850] =	vst v21;
	v22 =	vadd.f32 v22, v37;
	v24 =	vmul.f32 v26, v2;
	v32 =	vld [tilespmem:s21+$0x138E0]  }
.Ltmp4:
0x254: {  	v26 =	vor.u32 v0, v28;
	[tilespmem:s21+$0x16860] =	vst v20;
	v20 =	vadd.f32 v23, v17;
	v23 =	vmul.f32 v25, v2;
	v21 =	vld [tilespmem:s21+$0x138F0];
	(pc) =	sbr.rel @p0 .LBB2_9-.Ltmp4, $4  }
0x255: {  	v16 =	vbroadcast v16, $0x0;
	[tilespmem:s21+$0x16870] =	vst v22;
	v18 =	vadd.f32 v24, v18;
	v2 =	vmul.f32 v27, v2;
	v22 =	vld [tilespmem:s21+$0x13900]  }
0x256: {  	v17 =	vbroadcast v30, $0x0;
	[tilespmem:s21+$0x16880] =	vst v20;
	v23 =	vadd.f32 v23, v14;
	v25 =	vmul.f32 v29, v1;
	v20 =	vld [tilespmem:s21+$0x13910]  }
0x257: {  	s25 =	sadd.s32 $0x1, s24;
	v26 =	vbroadcast v26, $0x0;
	[tilespmem:s21+$0x16890] =	vst v18;
	v14 =	vadd.f32 v2, v15;
	v18 =	vmul.f32 v31, v1;
	v24 =	vld [tilespmem:s21+$0x13920]  }
0x258: {  	s24 =	sadd.s32 $0x2, s24;
	v15 =	vmov s25;
	s25 =	sadd.s32 $0x21, s23;
	[tilespmem:s21+$0x168A0] =	vst v23;
	v2 =	vadd.f32 v25, v19;
	v19 =	vmul.f32 v32, v1;
	v25 =	vld [tilespmem:s21+$0x13930]  }
0x259: {  	_ = 	snop  }
0x25a: {  	v27 =	vld [tilespmem:s21+$0x13940]  }
0x25b: {  	v28 =	vld [tilespmem:s21+$0x13950]  }
0x25c: {  	v30 =	vld [tilespmem:s21+$0x13960]  }
0x25d: {  	v23 =	vmov s25;
	v26 =	vld.idx.msk [tilespmem:v26+s10+$0x0], $0xffff  }
0x25e: {  	s22 =	sadd.s32 $0x600, s22;
	v59 =	vand.u32 $0x3F, v23;
	v23 =	vld.idx.msk [tilespmem:v13+s10+$0x0], $0xffff  }
0x25f: {  	v13 =	vld.idx.msk [tilespmem:v16+s10+$0x0], $0xffff;
	s22 =	sshra.s32 s22, $0x2  }
0x260: {  	v33 =	vld [tilespmem:s22+$0x13970]  }
0x261: {  	v34 =	vld [tilespmem:s22+$0xF000]  }
0x262: {  	v35 =	vld [tilespmem:s22+$0x10800]  }
0x263: {  	v36 =	vld [tilespmem:s22+$0xF010]  }
0x264: {  	v37 =	vld [tilespmem:s22+$0x10810]  }
0x265: {  	v38 =	vld [tilespmem:s22+$0xF020]  }
0x266: {  	v39 =	vld [tilespmem:s22+$0x10820]  }
0x267: {  	v40 =	vld [tilespmem:s22+$0xF030]  }
0x268: {  	v41 =	vld [tilespmem:s22+$0x10830]  }
0x269: {  	v42 =	vld [tilespmem:s22+$0xF040]  }
0x26a: {  	v43 =	vld [tilespmem:s22+$0x10840]  }
0x26b: {  	v44 =	vld [tilespmem:s22+$0xF050]  }
0x26c: {  	v45 =	vld [tilespmem:s22+$0x10850]  }
0x26d: {  	v46 =	vld [tilespmem:s22+$0xF060]  }
0x26e: {  	v47 =	vld [tilespmem:s22+$0x10860]  }
0x26f: {  	v48 =	vld [tilespmem:s22+$0xF070]  }
0x270: {  	v49 =	vld [tilespmem:s22+$0x10870]  }
0x271: {  	v50 =	vld [tilespmem:s22+$0xF080]  }
0x272: {  	v51 =	vld [tilespmem:s22+$0x10880]  }
0x273: {  	v52 =	vld [tilespmem:s22+$0xF090]  }
0x274: {  	v53 =	vld [tilespmem:s22+$0x10890]  }
0x275: {  	v54 =	vld [tilespmem:s22+$0xF0A0]  }
0x276: {  	v55 =	vld [tilespmem:s22+$0x108A0]  }
0x277: {  	v15 =	vand.u32 $0x1F, v15;
	v56 =	vld [tilespmem:s22+$0xF0B0]  }
0x278: {  	v58 =	vor.u32 v0, v15;
	v57 =	vld [tilespmem:s22+$0x108B0]  }
0x279: {  	s24 =	sadd.s32 $0x41, s23;
	s31 =	sadd.s32 $0x61, s23;
	[tilespmem:s21+$0x168C0] =	vst v2;
	v2 =	vbroadcast v58, $0x0;
	v58 =	vld [tilespmem:s22+$0xF0C0]  }
0x27a: {  	v29 =	vmov s24;
	v62 =	vmov s31;
	v15 =	vor.u32 v0, v59;
	v59 =	vld [tilespmem:s22+$0x108C0]  }
0x27b: {  	v60 =	vand.u32 $0x5F, v29;
	v63 =	vand.u32 $0x7F, v62;
	v62 =	vld [tilespmem:s22+$0xF0E0];
	v31 =	vbroadcast v15, $0x0  }
0x27c: {  	v61 =	vor.u32 v0, v60;
	v15 =	vld.idx.msk [tilespmem:v17+s10+$0x0], $0xffff  }
0x27d: {  	v29 =	vor.u32 v0, v63;
	v60 =	vld [tilespmem:s22+$0xF0D0];
	v32 =	vbroadcast v61, $0x0  }
0x27e: {  	v0 =	vbroadcast v29, $0x0;
	v29 =	vld [tilespmem:s22+$0xF170]  }
0x27f: {  	v61 =	vld [tilespmem:s22+$0x108D0]  }
0x280: {  	v16 =	vld.idx.msk [tilespmem:v2+s10+$0x0], $0xffff  }
0x281: {  	v17 =	vld.idx.msk [tilespmem:v31+s10+$0x0], $0xffff  }
0x282: {  	v31 =	vld [tilespmem:s22+$0x10970]  }
0x283: {  	v2 =	vld.idx.msk [tilespmem:v32+s10+$0x0], $0xffff  }
0x284: {  	v32 =	vld [tilespmem:s22+$0x12170]  }
0x285: {  	v0 =	vld.idx.msk [tilespmem:v0+s10+$0x0], $0xffff;
	[tilespmem:$0x1FF40] =	vst v62  }
0x286: {  	v62 =	vld [tilespmem:s22+$0xF0F0];
	_ =	sdelay $0x4  }
0x287: {  	v21 =	vmul.f32 v21, v1;
	v63 =	vld [tilespmem:s22+$0x108E0];
	[tilespmem:$0x1FF50] =	vst v62  }
0x288: {  	v6 =	vadd.f32 v18, v6;
	v18 =	vmul.f32 v22, v1;
	v20 =	vmul.f32 v20, v1;
	v62 =	vld [tilespmem:s22+$0x108F0]  }
0x289: {  	v19 =	vadd.f32 v19, v3;
	v3 =	vmul.f32 v24, v1;
	v24 =	vmul.f32 v25, v1  }
0x28a: {  	v21 =	vadd.f32 v21, v4;
	v4 =	vmul.f32 v27, v1;
	v27 =	vmul.f32 v28, v1  }
0x28b: {  	v30 =	vmul.f32 v30, v1;
	v1 =	vadd.f32 v20, v7;
	v20 =	vadd.f32 v3, v8  }
0x28c: {  	v8 =	vadd.f32 v24, v9;
	v7 =	vadd.f32 v4, v10  }
0x28d: {  	v12 =	vadd.f32 v27, v12;
	v29 =	vmul.f32 v29, v16;
	v31 =	vmul.f32 v31, v17;
	[tilespmem:$0x1FF60] =	vst v62  }
0x28e: {  	v24 =	vmul.f32 v34, v23;
	v27 =	vmul.f32 v35, v26;
	v11 =	vadd.f32 v30, v11;
	v62 =	vld [tilespmem:s22+$0xF100]  }
0x28f: {  	v30 =	vmul.f32 v36, v23;
	v32 =	vmul.f32 v32, v2;
	v9 =	vadd.f32 v31, v29  }
0x290: {  	v34 =	vmul.f32 v39, v26;
	v36 =	vmul.f32 v41, v26;
	v24 =	vadd.f32 v27, v24  }
0x291: {  	v27 =	vmul.f32 v40, v23;
	v4 =	vmul.f32 v33, v0;
	v9 =	vadd.f32 v32, v9  }
0x292: {  	v40 =	vmul.f32 v45, v26;
	v32 =	vmul.f32 v37, v26  }
0x293: {  	v27 =	vadd.f32 v36, v27;
	v4 =	vadd.f32 v4, v9;
	v9 =	vmul.f32 v38, v23;
	[tilespmem:$0x1FF70] =	vst v62  }
0x294: {  	v30 =	vadd.f32 v32, v30;
	v32 =	vmul.f32 v42, v23;
	v38 =	vmul.f32 v43, v26;
	v62 =	vld [tilespmem:s22+$0x10900]  }
0x295: {  	v36 =	vmul.f32 v46, v23;
	v34 =	vadd.f32 v34, v9;
	v9 =	vmul.f32 v44, v23  }
0x296: {  	v32 =	vadd.f32 v38, v32;
	v38 =	vmul.f32 v48, v23;
	v44 =	vmul.f32 v49, v26  }
0x297: {  	v46 =	vmul.f32 v51, v26;
	v40 =	vadd.f32 v40, v9;
	v9 =	vmul.f32 v50, v23  }
0x298: {  	v42 =	vmul.f32 v47, v26;
	v38 =	vadd.f32 v44, v38;
	v44 =	vmul.f32 v58, v16;
	v58 =	vld [tilespmem:$0x1FF40]  }
0x299: {  	v46 =	vadd.f32 v46, v9;
	v9 =	vmul.f32 v60, v16;
	v60 =	vld [tilespmem:$0x1FF60];
	[tilespmem:$0x1FF80] =	vst v62  }
0x29a: {  	v61 =	vmul.f32 v61, v17;
	v36 =	vadd.f32 v42, v36;
	v42 =	vmul.f32 v52, v23;
	v62 =	vld [tilespmem:s22+$0xF110]  }
0x29b: {  	v48 =	vmul.f32 v54, v23;
	v54 =	vmul.f32 v53, v26  }
0x29c: {  	v52 =	vmul.f32 v59, v17;
	v23 =	vmul.f32 v56, v23  }
0x29d: {  	v59 =	vld [tilespmem:$0x1FF50];
	v56 =	vmul.f32 v55, v26;
	v26 =	vmul.f32 v57, v26  }
0x29e: {  	v42 =	vadd.f32 v54, v42;
	v54 =	vadd.f32 v61, v9;
	v61 =	vld [tilespmem:$0x1FF70]  }
0x29f: {  	v23 =	vadd.f32 v26, v23;
	v26 =	vmul.f32 v58, v16;
	v58 =	vmul.f32 v60, v17;
	v60 =	vld [tilespmem:$0x1FF80];
	[tilespmem:$0x1FF90] =	vst v62  }
0x2a0: {  	v62 =	vld [tilespmem:s22+$0x10910]  }
0x2a1: {  	v22 =	vld [tilespmem:s22+$0xF120]  }
0x2a2: {  	v25 =	vld [tilespmem:s22+$0x10920]  }
0x2a3: {  	v28 =	vld [tilespmem:s22+$0xF130]  }
0x2a4: {  	v5 =	vadd.f32 v18, v5;
	v18 =	vld [tilespmem:s22+$0x10930]  }
0x2a5: {  	v3 =	vld [tilespmem:s22+$0xF140]  }
0x2a6: {  	v29 =	vld [tilespmem:s22+$0x10940]  }
0x2a7: {  	v10 =	vld [tilespmem:s22+$0xF150]  }
0x2a8: {  	v31 =	vld [tilespmem:s22+$0x10950]  }
0x2a9: {  	v33 =	vld [tilespmem:s22+$0xF160]  }
0x2aa: {  	v35 =	vld [tilespmem:s22+$0x10960]  }
0x2ab: {  	v37 =	vld [tilespmem:s22+$0x12000]  }
0x2ac: {  	v39 =	vld [tilespmem:s22+$0x12010]  }
0x2ad: {  	v41 =	vld [tilespmem:s22+$0x12020]  }
0x2ae: {  	v43 =	vld [tilespmem:s22+$0x12030]  }
0x2af: {  	v45 =	vld [tilespmem:s22+$0x12040]  }
0x2b0: {  	v47 =	vld [tilespmem:s22+$0x12050]  }
0x2b1: {  	v49 =	vld [tilespmem:s22+$0x12060]  }
0x2b2: {  	v50 =	vld [tilespmem:s22+$0x12070]  }
0x2b3: {  	v51 =	vld [tilespmem:s22+$0x12080]  }
0x2b4: {  	v48 =	vadd.f32 v56, v48;
	v56 =	vmul.f32 v63, v17;
	v63 =	vld [tilespmem:$0x1FF90]  }
0x2b5: {  	v53 =	vld [tilespmem:s22+$0x12090]  }
0x2b6: {  	v55 =	vld [tilespmem:s22+$0x120A0]  }
0x2b7: {  	v57 =	vld [tilespmem:s22+$0x120B0]  }
0x2b8: {  	v44 =	vadd.f32 v52, v44;
	v52 =	vmul.f32 v59, v16;
	v9 =	vmul.f32 v61, v16;
	v59 =	vld [tilespmem:s22+$0x120C0]  }
0x2b9: {  	v26 =	vadd.f32 v56, v26;
	v60 =	vmul.f32 v60, v17;
	v61 =	vld [tilespmem:s22+$0x120D0];
	v56 =	vmul.f32 v63, v16  }
0x2ba: {  	v52 =	vadd.f32 v58, v52;
	v58 =	vld [tilespmem:s22+$0x120F0];
	v62 =	vmul.f32 v62, v17;
	v22 =	vmul.f32 v22, v16  }
0x2bb: {  	v60 =	vadd.f32 v60, v9;
	v63 =	vld [tilespmem:s22+$0x120E0];
	v25 =	vmul.f32 v25, v17;
	v9 =	vmul.f32 v28, v16  }
0x2bc: {  	v18 =	vmul.f32 v18, v17;
	v28 =	vld [tilespmem:s22+$0x12100];
	v3 =	vmul.f32 v3, v16  }
0x2bd: {  	v29 =	vmul.f32 v29, v17;
	v31 =	vmul.f32 v31, v17;
	v56 =	vadd.f32 v62, v56;
	v62 =	vld [tilespmem:s22+$0x12110]  }
0x2be: {  	v39 =	vmul.f32 v39, v15;
	v22 =	vadd.f32 v25, v22;
	v25 =	vmul.f32 v10, v16;
	v10 =	vld [tilespmem:s22+$0x12120]  }
0x2bf: {  	[tilespmem:s21+$0x168B0] =	vst v14;
	v43 =	vmul.f32 v43, v15;
	v16 =	vmul.f32 v33, v16;
	v33 =	vld [tilespmem:s22+$0x12130]  }
0x2c0: {  	[tilespmem:s21+$0x168F0] =	vst v21;
	v17 =	vmul.f32 v35, v17;
	v37 =	vmul.f32 v37, v15;
	v21 =	vadd.f32 v39, v30;
	v30 =	vld [tilespmem:s22+$0x13800]  }
0x2c1: {  	[tilespmem:s21+$0x16900] =	vst v5;
	v41 =	vmul.f32 v41, v15;
	v35 =	vmul.f32 v45, v15;
	v5 =	vadd.f32 v43, v27;
	v27 =	vld [tilespmem:s22+$0x13810]  }
0x2c2: {  	[tilespmem:s21+$0x168D0] =	vst v6;
	v45 =	vmul.f32 v53, v15;
	v53 =	vmul.f32 v59, v2;
	v18 =	vadd.f32 v18, v9;
	v43 =	vld [tilespmem:s22+$0x13820]  }
0x2c3: {  	[tilespmem:s21+$0x168E0] =	vst v19;
	v9 =	vadd.f32 v29, v3;
	v14 =	vadd.f32 v37, v24;
	v39 =	vmul.f32 v49, v15;
	v49 =	vld [tilespmem:s22+$0x13830]  }
0x2c4: {  	[tilespmem:s21+$0x16940] =	vst v7;
	v59 =	vmul.f32 v61, v2;
	v19 =	vadd.f32 v35, v32;
	v7 =	vadd.f32 v45, v42;
	v35 =	vld [tilespmem:s22+$0x138F0]  }
0x2c5: {  	[tilespmem:s22+$0x16970] =	vst v4;
	v37 =	vmul.f32 v47, v15;
	v4 =	vadd.f32 v53, v44;
	v3 =	vadd.f32 v31, v25;
	v25 =	vld [tilespmem:s22+$0x12140]  }
0x2c6: {  	[tilespmem:s21+$0x16960] =	vst v11;
	v47 =	vmul.f32 v55, v15;
	v11 =	vadd.f32 v59, v54;
	v6 =	vadd.f32 v17, v16;
	v17 =	vld [tilespmem:s22+$0x12150]  }
0x2c7: {  	[tilespmem:s21+$0x16910] =	vst v1;
	v16 =	vadd.f32 v41, v34;
	v1 =	vadd.f32 v37, v40;
	v40 =	vmul.f32 v50, v15;
	v50 =	vld [tilespmem:s22+$0x13840]  }
0x2c8: {  	[tilespmem:s21+$0x16920] =	vst v20;
	v41 =	vmul.f32 v51, v15;
	v20 =	vadd.f32 v39, v36;
	v51 =	vld [tilespmem:s22+$0x13850];
	v30 =	vmul.f32 v30, v13  }
0x2c9: {  	v15 =	vmul.f32 v57, v15;
	v24 =	vadd.f32 v47, v48;
	v57 =	vld [tilespmem:s22+$0x13860];
	v55 =	vmul.f32 v27, v13  }
0x2ca: {  	[tilespmem:s21+$0x16930] =	vst v8;
	v37 =	vld [tilespmem:s22+$0x13870];
	v47 =	vmul.f32 v58, v2;
	v61 =	vmul.f32 v43, v13;
	v14 =	vadd.f32 v30, v14  }
0x2cb: {  	[tilespmem:s21+$0x16950] =	vst v12;
	v8 =	vadd.f32 v40, v38;
	v40 =	vld [tilespmem:s22+$0x13880];
	v39 =	vmul.f32 v49, v13;
	v38 =	vadd.f32 v55, v21  }
0x2cc: {  	v29 =	vadd.f32 v41, v46;
	v46 =	vld [tilespmem:s22+$0x138A0];
	v41 =	vadd.f32 v61, v16;
	v42 =	vmul.f32 v50, v13;
	[tilespmem:s22+$0x16800] =	vst v14  }
0x2cd: {  	v31 =	vld [tilespmem:s22+$0x12160];
	v44 =	vmul.f32 v63, v2;
	v5 =	vadd.f32 v39, v5;
	v45 =	vmul.f32 v51, v13;
	[tilespmem:s22+$0x16810] =	vst v38  }
0x2ce: {  	v15 =	vadd.f32 v15, v23;
	v43 =	vld [tilespmem:s22+$0x13890];
	v48 =	vmul.f32 v57, v13;
	[tilespmem:s22+$0x16820] =	vst v41;
	v16 =	vadd.f32 v42, v19  }
0x2cf: {  	v49 =	vld [tilespmem:s22+$0x138B0];
	v12 =	vadd.f32 v44, v26;
	v50 =	vmul.f32 v37, v13;
	[tilespmem:s22+$0x16830] =	vst v5;
	v1 =	vadd.f32 v45, v1  }
0x2d0: {  	v62 =	vmul.f32 v62, v2;
	v51 =	vld [tilespmem:s22+$0x138C0];
	v53 =	vadd.f32 v48, v20;
	v54 =	vmul.f32 v40, v13;
	[tilespmem:s22+$0x16840] =	vst v16  }
0x2d1: {  	v10 =	vmul.f32 v10, v2;
	v55 =	vld [tilespmem:s22+$0x138D0];
	v58 =	vadd.f32 v50, v8;
	v34 =	vmul.f32 v46, v13;
	[tilespmem:s22+$0x16850] =	vst v1  }
0x2d2: {  	v61 =	vld [tilespmem:s22+$0x138E0];
	v14 =	vadd.f32 v47, v52;
	v48 =	vmul.f32 v35, v0;
	[tilespmem:s22+$0x16860] =	vst v53;
	v63 =	vadd.f32 v54, v29  }
0x2d3: {  	v57 =	vmul.f32 v28, v2;
	v38 =	vld [tilespmem:s22+$0x13900];
	v59 =	vmul.f32 v43, v13;
	[tilespmem:s22+$0x16870] =	vst v58;
	v39 =	vadd.f32 v34, v24  }
0x2d4: {  	v10 =	vadd.f32 v10, v22;
	v41 =	vld [tilespmem:s22+$0x13910];
	v37 =	vmul.f32 v49, v13;
	v1 =	vadd.f32 v48, v14;
	[tilespmem:s22+$0x16880] =	vst v63  }
0x2d5: {  	v23 =	vadd.f32 v57, v60;
	v45 =	vld [tilespmem:s22+$0x13920];
	v36 =	vadd.f32 v59, v7;
	v40 =	vmul.f32 v51, v0;
	[tilespmem:s22+$0x168A0] =	vst v39  }
0x2d6: {  	v42 =	vadd.f32 v62, v56;
	v47 =	vld [tilespmem:s22+$0x13930];
	v43 =	vadd.f32 v37, v15;
	v44 =	vmul.f32 v55, v0;
	[tilespmem:s22+$0x168F0] =	vst v1  }
0x2d7: {  	v46 =	vmul.f32 v33, v2;
	v52 =	vld [tilespmem:s22+$0x13950];
	v8 =	vmul.f32 v61, v0;
	[tilespmem:s22+$0x16890] =	vst v36;
	v4 =	vadd.f32 v40, v4  }
0x2d8: {  	v50 =	vmul.f32 v25, v2;
	v49 =	vld [tilespmem:s22+$0x13940];
	[tilespmem:s22+$0x168B0] =	vst v43;
	v5 =	vadd.f32 v44, v11;
	v51 =	vmul.f32 v38, v0  }
0x2d9: {  	v60 =	vmul.f32 v31, v2;
	v54 =	vld [tilespmem:s22+$0x13960];
	v8 =	vadd.f32 v8, v12;
	v19 =	vmul.f32 v41, v0;
	[tilespmem:s22+$0x168C0] =	vst v4  }
0x2da: {  	v55 =	vmul.f32 v17, v2;
	v56 =	vmul.f32 v45, v0;
	[tilespmem:s22+$0x168D0] =	vst v5;
	v4 =	vadd.f32 v51, v23  }
0x2db: {  	v53 =	vadd.f32 v46, v18;
	v58 =	vmul.f32 v47, v0;
	[tilespmem:s22+$0x168E0] =	vst v8;
	v59 =	vadd.f32 v19, v42  }
0x2dc: {  	v3 =	vadd.f32 v55, v3;
	v62 =	vmul.f32 v52, v0;
	v10 =	vadd.f32 v56, v10;
	[tilespmem:s22+$0x16900] =	vst v4  }
0x2dd: {  	s19 =	sadd.s32 $0x1, s19;
	v57 =	vadd.f32 v50, v9;
	v61 =	vmul.f32 v49, v0;
	v63 =	vadd.f32 v58, v53;
	[tilespmem:s22+$0x16910] =	vst v59  }
0x2de: {  	s20 =	sshll.u32 s20, $0x5;
	p0 =	sne.s32 s19, $0x48;
	v1 =	vadd.f32 v60, v6;
	v0 =	vmul.f32 v54, v0;
	v3 =	vadd.f32 v62, v3;
	[tilespmem:s22+$0x16920] =	vst v10  }
.Ltmp5:
0x2df: {  	s20 =	sadd.s32 s5, s20;
	v2 =	vadd.f32 v61, v57;
	[tilespmem:s22+$0x16930] =	vst v63;
	(pc) =	sbr.rel @p0 .LBB2_2-.Ltmp5, $4  }
0x2e0: {  	s20 =	smul.u32 $0x18, s20;
	v0 =	vadd.f32 v0, v1;
	[tilespmem:s22+$0x16950] =	vst v3  }
0x2e1: {  	[tilespmem:s22+$0x16940] =	vst v2  }
0x2e2: {  	s20 =	sadd.s32 s4, s20;
	[tilespmem:s22+$0x16960] =	vst v0  }
0x2e3: {  	[hbm4b:s20+s3] =	stream.linear.scatter [tilespmem:s17], [sflag:$0x2], $0x1800, $0x38;
	[tilespmem:$0x18000] =	vst v63  }
0x2e4: {  	s18 =	sadd.s32 $0x1, s18  }
0x2e5: {  	_ =	swait.ge [sflag:s16], $0x1800;
	p0 =	sne.s32 s18, s8  }
.Ltmp6:
0x2e6: {  	[sflag:s16] =	ssyncset.done $0x0;
	(pc) =	sbr.rel @p0 .LBB2_1-.Ltmp6, $4  }
0x2e7: {  	[sflag:s16] =	ssyncadd.s32 $0xFFFFE800  }
0x2e8: {  	_ =	swait.ge [sflag:s16], $0x1800  }
0x2e9: {  	[sflag:s16] =	ssyncset.done $0x0  }
0x2ea: {  	[sflag:s16] =	ssyncadd.s32 $0xFFFFE800  }
0x2eb: {  	_ =	sfence.sel $0x180000  }
0x2ec: {  	[bflag:$0x0] =	sbarrier.arrive $0xFFFF  }
0x2ed: {  	p0 =	sne.s32 s0, $0x0;
	_ =	strace $0x90000047  }
0x2ee: {  	s0 =	sadd.s32 @!p0 $0x100000, s1;
	[bflag:$0x2] =	sbarrier.arrive $0xFFFF  }
0x2ef: {  	[sflag:s0] =	ssyncadd.tile.s32 @!p0 $0x1;
	_ =	shalt  }
.Lfunc_end2:
_tile_overlayer_lowered:
.L_overlay_start_2:
0x2f0: {  	(tag) =	ssettag $0x2  }
0x2f1: {  	s0 =	rddreg [dreg:$0x0];
	s2 =	stileid.u32  }
0x2f2: {  	s1 =	rddreg [dreg:$0x1];
	p0 =	sne.s32 s2, $0x0  }
0x2f3: {  	s3 =	rddreg [dreg:$0x2];
	[bflag:$0x3] =	sbarrier.arrive $0xFFFF;
	s2 =	simm.s32 @!p0 $0x1C03  }
0x2f4: {  	[timem:s3], [sflag:s2] =	dma.local @!p0 [hbm:s0], s1  }
0x2f5: {  	s0 =	simm.s32 @!p0 $0x3  }
0x2f6: {  	_ =	swait.ge @!p0 [sflag:s0], s1  }
0x2f7: {  	s1 =	ssub.s32 @!p0 $0x0, s1;
	[sflag:s0] =	ssyncset.done @!p0 $0x0  }
0x2f8: {  	[sflag:s0] =	ssyncadd.s32 @!p0 s1  }
0x2f9: {  	[bflag:$0x3] =	sbarrier.arrive $0xFFFF  }
0x2fa: {  	_ =	shalt  }

// kernel: sparse-core-data-format-call.cloned.1.call-start
scs
called_computation_lowered:
.L_overlay_start_0:
0x0: {  	s2 =	sld [smem:$0x3FD9]  }
0x1: {  	s3 =	sld [smem:$0x3FFE];
	_ =	sdelay $0x1  }
0x2: {  	s1 =	srdreg.scid  }
0x3: {  	s0 =	sand.u32 $0x1, s1  }
0x4: {  	s18 =	sshll.u32 s0, $0xA;
	s2 =	sadd.s32 s3, s2  }
0x5: {  	s2 =	sadd.s32 s2, s18  }
0x6: {  	[smem:$0x3FC6] =	sst s2  }
0x7: {  	_ = 	snop  }
0x8: {  	s2 =	sld [smem:$0x3FD0];
	(tm) =	ssettm $0x1  }
0x9: {  	s19 =	sld [smem:$0x3FFB];
	_ =	sdelay $0x3  }
0xa: {  	_ =	strace s19  }
0xb: {  	s3 =	sld [smem:$0x3FFC];
	_ =	sdelay $0x3  }
0xc: {  	_ =	strace s3  }
0xd: {  	s3 =	sld [smem:$0x3FFD];
	_ =	sdelay $0x3  }
0xe: {  	_ =	strace s3  }
0xf: {  	_ =	strace $0x8FFFFFFF  }
0x10: {  	s20 =	sld [smem:$0x3FDB];
	_ =	sdelay $0x1  }
0x11: {  	s4 =	simm.s32 $_scs_section_size  }
0x12: {  	s5 =	simm.s32 $_size__tile_overlayer_lowered;
	s6 =	simm.s32 $_tile_overlayer_lowered  }
0x13: {  	s23 =	simm.s32 $0x1BFF;
	s22 =	sshll.u32 s6, $0x1;
	s3 =	sadd.s32 s4, s20  }
0x14: {  	s7 =	simm.s32 $0x0;
	s21 =	sshll.u32 s5, $0x1;
	s5 =	sadd.s32 s22, s3  }
0x15: {  	[timem:s7], [sflag:s23] =	dma.local [hbm:s5], s21  }
0x16: {  	_ =	swait.ge [sflag:s23], s21  }
0x17: {  	s4 =	ssub.s32 $0x0, s21;
	[sflag:s23] =	ssyncset.done $0x0  }
0x18: {  	[sflag:s23] =	ssyncadd.s32 s4;
	_ =	sdelay $0x1  }
0x19: {  	s24 =	simm.s32 $0x1B8B  }
0x1a: {  	_ =	swait.ge [sflag:s24], $0x1  }
0x1b: {  	[sflag:s24] =	ssyncset.done $0x0  }
0x1c: {  	s26 =	simm.s32 $0x1B8E;
	s25 =	sld [smem:$0x3FFE];
	[sflag:s24] =	ssyncadd.s32 $0xFFFFFFFF  }
0x1d: {  	s27 =	simm.s32 $execute0_lowered;
	[smem:$0x3FD2] =	sst s26  }
0x1e: {  	s5 =	sshll.u32 s27, $0x1;
	_ =	strace $0x80000049;
	[dreg:$0x1] =	wrdreg $0xFFFFFFFF  }
0x1f: {  	s28 =	simm.s32 $_size_execute0_lowered;
	s3 =	sadd.s32 s3, s5;
	[dreg:$0x0] =	wrdreg $0x0  }
0x20: {  	s5 =	sshll.u32 s28, $0x1;
	[dreg:$0x2] =	wrdreg s3  }
0x21: {  	[dreg:$0x3] =	wrdreg s5  }
0x22: {  	[dreg:$0x4] =	wrdreg $0xC0  }
0x23: {  	_ =	task [dreg:s7], $0x5FFFF  }
0x24: {  	[dreg:$0x1] =	wrdreg $0xFFFFFFFF  }
0x25: {  	[dreg:$0x0] =	wrdreg $0x60  }
0x26: {  	[dreg:$0x2] =	wrdreg s25  }
0x27: {  	[dreg:$0x3] =	wrdreg s2  }
0x28: {  	[dreg:$0x4] =	wrdreg $0x9  }
0x29: {  	_ =	task.clear_ibuf [dreg:s7], $0x5FFFF;
	_ =	strace $0x90000049  }
0x2a: {  	s29 =	simm.s32 $0x9;
	_ =	strace $0x8000004B  }
0x2b: {  	_ =	swait.ge [sflag:s29], $0x1  }
0x2c: {  	[sflag:s29] =	ssyncadd.s32 $0xFFFFFFFF  }
0x2d: {  	_ =	strace $0x9000004B  }
0x2e: {  	_ =	sfence  }
0x2f: {  	s30 =	sld [smem:$0x0];
	_ =	sdelay $0x2  }
0x30: {  	s31 =	sshll.u32 s1, $0xD;
	s1 =	sshrl.u32 s1, $0x2  }
0x31: {  	s3 =	sand.u32 $0x4000, s31;
	s1 =	sadd.s32 s1, s30  }
0x32: {  	s0 =	sor.u32 s3, s0;
	s1 =	sshll.u32 s1, $0x11  }
0x33: {  	s0 =	sor.u32 s1, s0  }
0x34: {  	s0 =	sadd.s32 $0x8F2B, s0  }
0x35: {  	[sflag:s0] =	ssyncadd.remote.s32 $0x1  }
0x36: {  	_ =	sfence.sel $0xFFFF  }
0x37: {  	[dreg:$0x0] =	wrdreg $0xFFFFFFFF;
	(pc) =	sbr.abs _section_cstart, $3  }
0x38: {  	[dreg:$0x1] =	wrdreg $0xFFFFFFFF  }
0x39: {  	_ =	task.clear_ibuf [dreg:s7], $0x2FFFF;
	_ =	strace $0x9FFFFFFF  }
0x3a: {  	(tm) =	ssettm $0x7FFFFFFF  }
0x3b: {  	_ =	shalt  }
tec
execute0_lowered:
.L_overlay_start_1:
0x0: {  	(tag) =	ssettag $0x1  }
0x1: {  	s1 =	rddreg [dreg:$0x0]  }
0x2: {  	s2 =	rddreg [dreg:$0x1]  }
0x3: {  	s0 =	rddreg [dreg:$0x2]  }
0x4: {  	s4 =	srdreg.scid;
	_ =	strace $0x8000004A;
	s6 =	simm.s32 $0x2  }
0x5: {  	s15 =	simm.s32 $0x0;
	p0 =	por $0x0, $0x0;
	s14 =	simm.s32 $0x0  }
0x6: {  	s16 =	simm.s32 $0x0;
	s7 =	simm.s32 $0x0;
	s9 =	simm.s32 $0x0  }
.Ltmp0:
0x7: {  	s10 =	simm.s32 $0x0;
	s11 =	simm.s32 $0x0;
	(pc) =	sbr.rel .LBB1_1-.Ltmp0, $4  }
0x8: {  	s12 =	simm.s32 $0x0;
	s3 =	sadd.s32 $0x384C00, s1;
	s4 =	sshll.u32 s4, $0x4  }
0x9: {  	s1 =	stileid.u32;
	s5 =	sand.u32 $0x10, s4;
	s4 =	simm.s32 $0x1  }
0xa: {  	s8 =	simm.s32 $0x0;
	s5 =	sor.u32 s1, s5;
	[sflag:s4] =	ssyncpa.u1 $0x0  }
0xb: {  	[sflag:s6] =	ssyncpa.u1 $0x0;
	s6 =	simm.s32 $0x24000;
	s13 =	smov.u32 s5  }
.LBB1_5:
0xc: {  	p1 =	slt.u32 s8, $0x2;
	s18 =	smov.u32 s16  }
0xd: {  	p2 =	sgt.s32 @!p1 s15, $0x40;
	s17 =	sshra.s32 @!p1 s15, $0x1F;
	p3 =	sgt.s32 @!p1 s16, $0x17F  }
0xe: {  	s19 =	sshra.s32 @!p1 s16, $0x1F;
	p2 =	por !p2, p1;
	s17 =	sand.u32 @!p1 s17, s15  }
0xf: {  	p3 =	por !p3, p1;
	s16 =	sand.u32 @!p1 s19, s16;
	s19 =	sshra.s32 @!p1 s14, $0x1F  }
0x10: {  	s18 =	simm.s32 @p3 $0x17F;
	p3 =	sgt.s32 @!p1 s14, $0x100;
	s15 =	simm.s32 @p2 $0x40  }
0x11: {  	s16 =	ssub.s32 @!p1 s18, s16;
	p3 =	por !p3, p1;
	s18 =	smov.u32 s14  }
0x12: {  	s14 =	sand.u32 @!p1 s19, s14;
	s15 =	ssub.s32 @!p1 s15, s17;
	s18 =	simm.s32 @p3 $0x100  }
0x13: {  	s17 =	sadd.s32 @!p1 $0xFFFFFE81, s16;
	s16 =	ssub.s32 @!p1 $0x180, s16;
	s14 =	ssub.s32 @!p1 s18, s14  }
0x14: {  	s18 =	sadd.s32 @!p1 $0xFFFFFFC0, s15;
	p2 =	sgt.s32 @!p1 s17, $0x0;
	s17 =	sadd.s32 @!p1 $0xFFFFFF00, s14  }
0x15: {  	s15 =	ssub.s32 @!p1 $0xC0, s15;
	p2 =	por !p2, p1;
	p3 =	sgt.s32 @!p1 s17, $0x7F  }
0x16: {  	s14 =	ssub.s32 @!p1 $0x180, s14;
	s16 =	simm.s32 @!p2 $0x0;
	p2 =	por !p3, p1  }
0x17: {  	s17 =	sadd.s32 $0x80, s11;
	p3 =	sgt.s32 @!p1 s18, $0x7F;
	s14 =	simm.s32 @!p2 $0x0  }
0x18: {  	s18 =	smov.u32 s12;
	p2 =	por !p3, p1;
	s14 =	smul.u32 @!p1 s16, s14  }
0x19: {  	s15 =	simm.s32 @!p2 $0x0;
	p2 =	sgt.s32 s17, $0xBF;
	s16 =	sadd.s32 $0x80, s12  }
0x1a: {  	s19 =	smov.u32 s13;
	s18 =	smov.u32 @p2 s16  }
0x1b: {  	s14 =	smul.u32 @!p1 s15, s14;
	p3 =	sgt.s32 s18, $0x17F;
	s15 =	sadd.s32 $0x20, s13  }
0x1c: {  	s8 =	sadd.s32 $0x1, s8;
	p0 =	por !p0, !p0;
	s19 =	smov.u32 @p3 s15  }
0x1d: {  	s20 =	simm.s32 @!p1 $0x2;
	s17 =	simm.s32 @p2 $0x0;
	p2 =	sgt.s32 s19, $0x17F  }
0x1e: {  	s16 =	smov.u32 s10;
	s19 =	smov.u32 @p2 s5;
	p2 =	sne.s32 s8, $0x4A  }
.Ltmp1:
0x1f: {  	s10 =	smov.u32 s13;
	s18 =	simm.s32 @p3 $0x0;
	(pc) =	sbr.rel @!p2 .LBB1_6-.Ltmp1, $4  }
0x20: {  	s15 =	smov.u32 s7;
	s7 =	smov.u32 s11;
	s14 =	sand.u32 @!p1 $0x3FFFFFFF, s14  }
0x21: {  	s11 =	smov.u32 s17;
	_ =	swait.ge @!p1 [sflag:s20], s14;
	s21 =	ssub.s32 @!p1 $0x0, s14  }
0x22: {  	s14 =	smov.u32 s9;
	s9 =	smov.u32 s12;
	[sflag:s20] =	ssyncset.done @!p1 $0x0  }
0x23: {  	s12 =	smov.u32 s18;
	s13 =	smov.u32 s19;
	[sflag:s20] =	ssyncadd.s32 @!p1 s21  }
.LBB1_1:
0x24: {  	p1 =	sgt.u32 s8, $0x47  }
0x25: {  	s17 =	sshll.u32 @!p1 s12, $0x8;
	s18 =	sshll.u32 @!p1 s11, $0x3  }
0x26: {  	s19 =	sshll.u32 @!p1 s12, $0x7;
	s17 =	sand.u32 @!p1 $0xFFFFF800, s17;
	s18 =	sand.u32 @!p1 $0xFFFFFC00, s18  }
0x27: {  	s17 =	sadd.s32 @!p1 s17, s18;
	s18 =	sand.u32 @!p1 $0x300, s19  }
0x28: {  	s17 =	sor.u32 @!p1 s18, s17  }
0x29: {  	s17 =	sshrl.u32 @!p1 s17, $0x8  }
0x2a: {  	s18 =	smulhi.u32 @!p1 $0xAAAAAB, s17  }
0x2b: {  	s20 =	sxor.u32 @!p1 $0xFFFFFFFF, s8;
	s21 =	sand.u32 @!p1 $0x78, s11;
	s22 =	smul.u32 @!p1 $0x3000, s13  }
0x2c: {  	s20 =	sshll.u32 @!p1 s20, $0xE;
	s19 =	sand.u32 @!p1 $0x80, s19;
	s18 =	smul.u32 @!p1 $0x180, s18  }
0x2d: {  	s20 =	sand.u32 @!p1 $0x4000, s20;
	s19 =	sor.u32 @!p1 s21, s19;
	s21 =	sand.u32 @!p1 $0x7, s11  }
0x2e: {  	s17 =	ssub.s32 @!p1 s17, s18;
	s18 =	sshrl.u32 @!p1 s19, $0x3;
	s19 =	sadd.s32 @!p1 s3, s22  }
0x2f: {  	s17 =	sshll.u32 @!p1 s17, $0x5;
	s18 =	sadd.s32 @!p1 s18, s19;
	s19 =	sshll.u32 @!p1 s21, $0x12  }
0x30: {  	s17 =	sadd.s32 @!p1 s17, s18;
	s18 =	sor.u32 @!p1 $0x400, s19;
	s19 =	simm.s32 @!p1 $0x800  }
0x31: {  	[tilespmem:s20], [sflag:$0x1] =	stream.strided.gather @!p1 [hbm4b:s17+s18], $0x4000, s19, s18, $0x38;
	[tilespmem:$0x10100] =	vst v63  }
0x32: {  	p1 =	seq.s32 s8, $0x0  }
0x33: {  	p2 =	seq.s32 @!p1 s8, $0x49  }
0x34: {  	p1 =	por p1, p2  }
.Ltmp2:
0x35: {  	_ = 	snop;
	(pc) =	sbr.rel @p1 .LBB1_5-.Ltmp2, $1  }
0x36: {  	_ =	sdelay $0x3  }
0x37: {  	s17 =	simm.s32 $0x1  }
0x38: {  	_ =	swait.ge [sflag:s4], $0x4000;
	s17 =	simm.s32 @!p0 $0x0  }
0x39: {  	[sflag:s4] =	ssyncset.done $0x0;
	s18 =	sshll.u32 s17, $0xE  }
0x3a: {  	[sflag:s4] =	ssyncadd.s32 $0xFFFFC000;
	s18 =	sor.u32 $0x40, s18  }
0x3b: {  	s17 =	smul.u32 $0x10200, s17;
	v0 =	vld [tilespmem:s18+$0x30]  }
0x3c: {  	v1 =	vld [tilespmem:s18+$0xFFFFFFD0]  }
0x3d: {  	s17 =	sshrl.u32 s17, $0x2;
	v5 =	vld [tilespmem:s18+$0xFFFFFFE0]  }
0x3e: {  	v6 =	vld [tilespmem:s18+$0xFFFFFFF0];
	s20 =	sor.u32 $0x8000, s17  }
0x3f: {  	s31 =	sand.u32 $0x1, s8;
	v4 =	vld [tilespmem:s18+$0x0];
	s19 =	sadd.s32 $0x0, s20  }
0x40: {  	v3 =	vld [tilespmem:s18+$0x10];
	s17 =	smul.u32 $0x10200, s31;
	[tilespmem:s19+$0x3870 ss:$0x81] =	vst.msk $0xffff, v0  }
0x41: {  	v2 =	vld [tilespmem:s18+$0x20];
	[tilespmem:s19+$0x810 ss:$0x81] =	vst.msk $0xffff, v1  }
0x42: {  	s17 =	sshrl.u32 s17, $0x2;
	v1 =	vld [tilespmem:s18+$0xFFFFFFC0];
	[tilespmem:s19+$0x1020 ss:$0x81] =	vst.msk $0xffff, v5;
	s18 =	sadd.s32 $0x80, s18  }
0x43: {  	s21 =	simm.s32 $0x4;
	s22 =	simm.s32 $0x8;
	s17 =	sor.u32 $0x8000, s17;
	[tilespmem:s19+$0x1830 ss:$0x81] =	vst.msk $0xffff, v6;
	v0 =	vld [tilespmem:s18+$0x30]  }
.LBB1_3:
0x44: {  	p1 =	sne.s32 s22, $0x1FC;
	v5 =	vld [tilespmem:s18+$0xFFFFFFD0];
	[tilespmem:s19+$0x2040 ss:$0x81] =	vst.msk $0xffff, v4  }
0x45: {  	v6 =	vld [tilespmem:s18+$0xFFFFFFE0];
	[tilespmem:s19+$0x2850 ss:$0x81] =	vst.msk $0xffff, v3  }
0x46: {  	s23 =	sshra.s32 s21, $0x2;
	s21 =	smov.u32 s22;
	v7 =	vld [tilespmem:s18+$0xFFFFFFF0];
	[tilespmem:s19+$0x3060 ss:$0x81] =	vst.msk $0xffff, v2  }
.Ltmp3:
0x47: {  	v4 =	vld [tilespmem:s18+$0x0];
	[tilespmem:s19+$0x0 ss:$0x81] =	vst.msk $0xffff, v1;
	s19 =	sadd.s32 s23, s20;
	(pc) =	sbr.rel @p1 .LBB1_3-.Ltmp3, $4  }
0x48: {  	v3 =	vld [tilespmem:s18+$0x10];
	[tilespmem:s19+$0x3870 ss:$0x81] =	vst.msk $0xffff, v0  }
0x49: {  	[tilespmem:s19+$0x810 ss:$0x81] =	vst.msk $0xffff, v5;
	v2 =	vld [tilespmem:s18+$0x20]  }
0x4a: {  	v1 =	vld [tilespmem:s18+$0xFFFFFFC0];
	[tilespmem:s19+$0x1020 ss:$0x81] =	vst.msk $0xffff, v6;
	s18 =	sadd.s32 $0x80, s18  }
0x4b: {  	s22 =	sadd.s32 $0x4, s22;
	v0 =	vld [tilespmem:s18+$0x30];
	[tilespmem:s19+$0x1830 ss:$0x81] =	vst.msk $0xffff, v7  }
0x4c: {  	s22 =	sshrl.u32 s10, $0x3  }
0x4d: {  	s23 =	sshll.u32 s9, $0x3;
	s24 =	sshll.u32 s10, $0x7;
	s28 =	sand.u32 $0x7F, s9  }
0x4e: {  	s21 =	sshra.s32 s21, $0x2;
	p1 =	sgt.s32 s10, $0x17F;
	s25 =	smov.u32 s10  }
0x4f: {  	s26 =	sshra.s32 s10, $0x1F;
	s31 =	sshra.s32 s7, $0x1F;
	s22 =	smul.u32 $0xC00, s22  }
0x50: {  	s23 =	sand.u32 $0xFFFFFC00, s23;
	s27 =	sand.u32 $0x380, s24;
	s20 =	sadd.s32 s21, s20  }
0x51: {  	[tilespmem:s19+$0x2040 ss:$0x81] =	vst.msk $0xffff, v4;
	s25 =	simm.s32 @!p1 $0x17F;
	p1 =	sgt.s32 s9, $0x100;
	s26 =	sand.u32 s26, s10  }
0x52: {  	[tilespmem:s19+$0x2850 ss:$0x81] =	vst.msk $0xffff, v3;
	s25 =	ssub.s32 s25, s26;
	s26 =	smov.u32 s7;
	s22 =	sadd.s32 s22, s23  }
0x53: {  	[tilespmem:s19+$0x3060 ss:$0x81] =	vst.msk $0xffff, v2;
	s29 =	sadd.s32 $0xFFFFFE81, s25;
	s25 =	ssub.s32 $0x180, s25;
	s22 =	sor.u32 s27, s22  }
0x54: {  	[tilespmem:s19+$0x0 ss:$0x81] =	vst.msk $0xffff, v1;
	s19 =	sand.u32 s31, s7;
	s27 =	smov.u32 s9;
	s23 =	sor.u32 s28, s22  }
0x55: {  	s22 =	smulhi.u32 $0xAAAAAAAB, s22;
	s27 =	simm.s32 @!p1 $0x100;
	s28 =	sshra.s32 s9, $0x1F  }
0x56: {  	v5 =	vld [tilespmem:s18+$0xFFFFFFD0];
	p1 =	sgt.s32 s7, $0x40;
	s24 =	smulhi.u32 $0xAAAAAAAB, s23;
	s28 =	sand.u32 s28, s9  }
0x57: {  	v58 =	vld [tilespmem:s18+$0xFFFFFFE0];
	s26 =	simm.s32 @!p1 $0x40;
	p1 =	sgt.s32 s29, $0x0;
	s21 =	sshrl.u32 s22, $0x8  }
0x58: {  	v59 =	vld [tilespmem:s18+$0xFFFFFFF0];
	s27 =	ssub.s32 s27, s28;
	s22 =	sshrl.u32 s24, $0x8;
	s24 =	smulhi.u32 $0xAAAAAB, s21  }
0x59: {  	v60 =	vld [tilespmem:s18+$0x0];
	s25 =	simm.s32 @p1 $0x0;
	s28 =	smul.u32 $0x4800, s7;
	s30 =	sadd.s32 $0xFFFFFF00, s27  }
0x5a: {  	v61 =	vld [tilespmem:s18+$0x10];
	[tilespmem:s20+$0x3870 ss:$0x81] =	vst.msk $0xffff, v0;
	s27 =	ssub.s32 $0x180, s27;
	p1 =	sgt.s32 s30, $0x7F;
	s24 =	smul.u32 $0x180, s24  }
0x5b: {  	v62 =	vld [tilespmem:s18+$0x20];
	[tilespmem:s20+$0x810 ss:$0x81] =	vst.msk $0xffff, v5;
	s19 =	ssub.s32 s26, s19;
	s22 =	smul.u32 $0x180, s22;
	s27 =	simm.s32 @p1 $0x0  }
0x5c: {  	v63 =	vld [tilespmem:s18+$0xFFFFFFC0];
	[tilespmem:s20+$0x1020 ss:$0x81] =	vst.msk $0xffff, v58;
	s26 =	smul.u32 s25, s27;
	s27 =	sadd.s32 $0xFFFFFFC0, s19;
	s21 =	ssub.s32 s21, s24  }
0x5d: {  	[tilespmem:s20+$0x1830 ss:$0x81] =	vst.msk $0xffff, v59;
	s19 =	ssub.s32 $0xC0, s19;
	p1 =	sgt.s32 s27, $0x7F;
	s18 =	smul.u32 $0x30, s21  }
.Ltmp4:
0x5e: {  	[tilespmem:s20+$0x2040 ss:$0x81] =	vst.msk $0xffff, v60;
	s22 =	ssub.s32 s23, s22;
	s19 =	simm.s32 @p1 $0x0;
	(pc) =	sbr.rel .LBB1_5-.Ltmp4, $4  }
0x5f: {  	[tilespmem:s20+$0x2850 ss:$0x81] =	vst.msk $0xffff, v61;
	s29 =	sadd.s32 s2, s28;
	s23 =	sand.u32 $0x7, s22;
	s19 =	smul.u32 s19, s26  }
0x60: {  	[tilespmem:s20+$0x3060 ss:$0x81] =	vst.msk $0xffff, v62;
	s22 =	sshrl.u32 s22, $0x3;
	s30 =	sshll.u32 s23, $0x12;
	s18 =	sadd.s32 s18, s29  }
0x61: {  	[tilespmem:s20+$0x0 ss:$0x81] =	vst.msk $0xffff, v63;
	s31 =	sor.u32 $0x80, s30;
	s19 =	sand.u32 $0x3FFFFFFF, s19;
	s18 =	sadd.s32 s22, s18  }
0x62: {  	[hbm4b:s18+s31] =	stream.strided.scatter [tilespmem:s17], [sflag:$0x2], s19, s6, s31, $0x20;
	[tilespmem:$0x10100] =	vst v63  }
.LBB1_6:
0x63: {  	_ =	sfence.sel $0x180000  }
0x64: {  	s2 =	simm.s32 $0x1;
	[bflag:$0x0] =	sbarrier.arrive $0xFFFF  }
0x65: {  	s31 =	simm.s32 $0x2;
	[sflag:s2] =	ssyncpa.u1 $0x1  }
0x66: {  	[sflag:s31] =	ssyncpa.u1 $0x1  }
0x67: {  	p0 =	sne.s32 s1, $0x0;
	_ =	strace $0x9000004A  }
0x68: {  	s0 =	sadd.s32 @!p0 $0x100000, s0;
	[bflag:$0x2] =	sbarrier.arrive $0xFFFF  }
0x69: {  	[sflag:s0] =	ssyncadd.tile.s32 @!p0 $0x1;
	_ =	shalt  }
.Lfunc_end1:
_tile_overlayer_lowered:
.L_overlay_start_2:
0x6a: {  	(tag) =	ssettag $0x2  }
0x6b: {  	s0 =	rddreg [dreg:$0x0];
	s2 =	stileid.u32  }
0x6c: {  	s1 =	rddreg [dreg:$0x1];
	p0 =	sne.s32 s2, $0x0  }
0x6d: {  	s3 =	rddreg [dreg:$0x2];
	[bflag:$0x3] =	sbarrier.arrive $0xFFFF;
	s2 =	simm.s32 @!p0 $0x1C01  }
0x6e: {  	[timem:s3], [sflag:s2] =	dma.local @!p0 [hbm:s0], s1  }
0x6f: {  	s0 =	simm.s32 @!p0 $0x1  }
0x70: {  	_ =	swait.ge @!p0 [sflag:s0], s1  }
0x71: {  	s1 =	ssub.s32 @!p0 $0x0, s1;
	[sflag:s0] =	ssyncset.done @!p0 $0x0  }
0x72: {  	[sflag:s0] =	ssyncadd.s32 @!p0 s1  }
0x73: {  	[bflag:$0x3] =	sbarrier.arrive $0xFFFF  }
0x74: {  	_ =	shalt  }

</sc_bundles>
